<compile_context>
chip_gen: v7x
topology: tpu7x:2x2x1
jax: 0.10.2.dev20260603
libtpu: 0.0.44.dev20260713+nightly
codegen_flags: <defaults>
</compile_context>

<pallas_src>
import functools

import jax
import jax.numpy as jnp
from jax import lax
from jax.experimental import pallas as pl
from jax.experimental.pallas import tpu as pltpu
from jax.experimental.pallas import tpu_sc as plsc

_N = 10000
_D_IN = 128
_HID = 64
_NC = 2
_NS = 16
_NW = _NC * _NS
_B = 128
_NPAD = 10240
_RPT = _NPAD // _NS
_ACC_W = 80


def _round_up(x, m):
    return (x + m - 1) // m * m



@functools.lru_cache(maxsize=None)
def _make_edge_pass(e_pad):
    per_tile = e_pad // _NW
    nblk = per_tile // _B
    mesh = plsc.VectorSubcoreMesh(core_axis_name="c", subcore_axis_name="s")

    @functools.partial(
        pl.kernel,
        mesh=mesh,
        compiler_params=pltpu.CompilerParams(use_tc_tiling_on_sc=False),
        out_type=jax.ShapeDtypeStruct((_NC, _NPAD, _ACC_W), jnp.float32),
        scratch_types=[
            pltpu.VMEM((_B,), jnp.int32),
            pltpu.VMEM((_B,), jnp.int32),
            pltpu.VMEM((_B, 64), jnp.float32),
            pltpu.VMEM((_B, 64), jnp.float32),
            pltpu.VMEM((_B, _ACC_W), jnp.float32),
            pltpu.VMEM((64,), jnp.float32),
            pltpu.VMEM_SHARED((_NPAD, _ACC_W), jnp.float32),
            pltpu.SemaphoreType.DMA,
        ],
    )
    def edge_pass(xl_hbm, xr_hbm, src_hbm, dst_hbm, att_hbm, out_hbm,
                  sidx, didx, xlv, xrv, msg, attv, acc, sem):
        cid = lax.axis_index("c")
        sid = lax.axis_index("s")
        wid = cid * _NS + sid

        zero16 = jnp.zeros((16,), jnp.float32)

        def zrow(i, carry):
            for k in range(_ACC_W // 16):
                msg[i, pl.ds(16 * k, 16)] = zero16
            return carry

        lax.fori_loop(0, _B, zrow, 0)
        row0 = sid * _RPT
        done = 0
        while done < _RPT:
            n = min(_B, _RPT - done)
            pltpu.sync_copy(msg.at[pl.ds(0, n)], acc.at[pl.ds(row0 + done, n)])
            done += n
        pltpu.sync_copy(att_hbm, attv)
        plsc.subcore_barrier()

        a_ch = [attv[pl.ds(16 * k, 16)] for k in range(4)]
        base = wid * per_tile
        lane = lax.iota(jnp.int32, 16)

        def hsum(v):
            for sh in (8, 4, 2, 1):
                v = v + v.at[lane ^ sh].get(mode='promise_in_bounds')
            return v

        def block_body(b, carry):
            off = pl.multiple_of(base + b * _B, 8)
            pltpu.sync_copy(src_hbm.at[pl.ds(off, _B)], sidx)
            pltpu.sync_copy(dst_hbm.at[pl.ds(off, _B)], didx)
            pltpu.async_copy(xl_hbm.at[sidx], xlv, sem).wait()
            pltpu.async_copy(xr_hbm.at[didx], xrv, sem).wait()

            def edge_body(e, ecarry):
                zl = [xlv[e, pl.ds(16 * k, 16)] for k in range(4)]
                accv = zero16
                for k in range(4):
                    z = zl[k] + xrv[e, pl.ds(16 * k, 16)]
                    lr = jnp.maximum(z, 0.2 * z)
                    accv = accv + a_ch[k] * lr
                w = jnp.exp(hsum(accv))
                for k in range(4):
                    msg[e, pl.ds(16 * k, 16)] = zl[k] * w
                msg[e, pl.ds(64, 16)] = w
                return ecarry

            lax.fori_loop(0, _B, edge_body, 0)
            pltpu.sync_copy(msg, acc.at[didx], add=True)
            return carry

        lax.fori_loop(0, nblk, block_body, 0)
        plsc.subcore_barrier()

        done = 0
        while done < _RPT:
            n = min(_B, _RPT - done)
            pltpu.sync_copy(acc.at[pl.ds(row0 + done, n)],
                            out_hbm.at[cid, pl.ds(row0 + done, n)])
            done += n

    return edge_pass


def _pad_edges(src, dst, e_raw):
    e_pad = _round_up(e_raw, _NW * _B)
    pad = e_pad - e_raw
    src = jnp.concatenate([src, jnp.zeros((pad,), jnp.int32)])
    dst = jnp.concatenate([dst, jnp.full((pad,), _N, jnp.int32)])
    return src, dst, e_pad



def _mm(x, w, b):
    return jnp.dot(x, w, preferred_element_type=jnp.float32) + b


def _proj_kernel(x_ref, wl_ref, bl_ref, wr_ref, br_ref, xl_ref, xr_ref):
    x = x_ref[...]
    xl_ref[...] = _mm(x, wl_ref[...], bl_ref[...])
    xr_ref[...] = _mm(x, wr_ref[...], br_ref[...])


def _proj(x, wl, bl, wr, br):
    outs = [jax.ShapeDtypeStruct((x.shape[0], wl.shape[1]), jnp.float32)] * 2
    return pl.pallas_call(_proj_kernel, out_shape=outs)(
        x, wl, bl.reshape(1, -1), wr, br.reshape(1, -1))


def _norm(acc, bias):
    t = acc[0] + acc[1]
    num = t[:_N, :64]
    den = t[:_N, 64:65]
    return num / (den + 1e-16) + bias


def _combine_proj_kernel(acc_ref, bias_ref, wl_ref, bl_ref, wr_ref, br_ref,
                         xl_ref, xr_ref):
    h = _norm(acc_ref[...], bias_ref[...])
    xl_ref[...] = _mm(h, wl_ref[...], bl_ref[...])
    xr_ref[...] = _mm(h, wr_ref[...], br_ref[...])


def _combine_proj(acc, bias, wl, bl, wr, br):
    outs = [jax.ShapeDtypeStruct((_N, wl.shape[1]), jnp.float32)] * 2
    return pl.pallas_call(_combine_proj_kernel, out_shape=outs)(
        acc, bias.reshape(1, -1), wl, bl.reshape(1, -1), wr, br.reshape(1, -1))


def _mixed_proj_kernel(acc_ref, bias_ref, wl_ref, bl_ref, xf_ref, wr_ref,
                       br_ref, xl_ref, xr_ref):
    h = _norm(acc_ref[...], bias_ref[...])
    xl_ref[...] = _mm(h, wl_ref[...], bl_ref[...])
    xr_ref[...] = _mm(xf_ref[...], wr_ref[...], br_ref[...])


def _mixed_proj(acc, bias, wl, bl, xf, wr, br):
    outs = [jax.ShapeDtypeStruct((_N, wl.shape[1]), jnp.float32)] * 2
    return pl.pallas_call(_mixed_proj_kernel, out_shape=outs)(
        acc, bias.reshape(1, -1), wl, bl.reshape(1, -1), xf, wr,
        br.reshape(1, -1))


def _final_kernel(acc_ref, bias_ref, xf_ref, p_refs, out_ref):
    foot = _norm(acc_ref[...], bias_ref[...])
    p = {k: r[...] for k, r in p_refs.items()}
    m = jax.nn.relu(_mm(foot, p['mlp_W1'], p['mlp_b1']))
    m = jax.nn.relu(_mm(m, p['mlp_W2'], p['mlp_b2']))
    m = _mm(m, p['mlp_W3'], p['mlp_b3'])
    xf = xf_ref[...]
    lin = _mm(xf, p['null_W_lin'], p['null_b_lin'])
    a = jax.nn.relu(_mm(xf, p['null_W_s'], p['null_b_s']))
    a = jax.nn.relu(_mm(a, p['null_W_c'], p['null_b_c']))
    a = jax.nn.relu(_mm(a, p['null_W_c'], p['null_b_c']))
    a = _mm(a, p['null_W_e'], p['null_b_e'])
    out_ref[...] = lin + a + m


def _final(acc, bias, xf, params):
    keys = ['mlp_W1', 'mlp_b1', 'mlp_W2', 'mlp_b2', 'mlp_W3', 'mlp_b3',
            'null_W_lin', 'null_b_lin', 'null_W_s', 'null_b_s',
            'null_W_c', 'null_b_c', 'null_W_e', 'null_b_e']
    p = {k: (params[k].reshape(1, -1) if params[k].ndim == 1 else params[k])
         for k in keys}
    return pl.pallas_call(
        _final_kernel,
        out_shape=jax.ShapeDtypeStruct((_N, 1), jnp.float32),
    )(acc, bias.reshape(1, -1), xf, p)



def kernel(x_pano, x_footprint, edge_index_pano, edge_index_rev, params):
    p = params
    src_p, dst_p, e_pano = _pad_edges(
        edge_index_pano[0], edge_index_pano[1], edge_index_pano.shape[1])
    src_r, dst_r, e_rev = _pad_edges(
        edge_index_rev[0], edge_index_rev[1], edge_index_rev.shape[1])
    pano_pass = _make_edge_pass(e_pano)
    rev_pass = _make_edge_pass(e_rev)

    xl0, xr0 = _proj(x_pano, p['conv0_Wl'], p['conv0_bl'],
                     p['conv0_Wr'], p['conv0_br'])
    acc0 = pano_pass(xl0, xr0, src_p, dst_p, p['conv0_att'].reshape(64))

    xl1, xr1 = _combine_proj(acc0, p['conv0_bias'], p['conv1_Wl'],
                             p['conv1_bl'], p['conv1_Wr'], p['conv1_br'])
    acc1 = pano_pass(xl1, xr1, src_p, dst_p, p['conv1_att'].reshape(64))

    xlt, xrt = _mixed_proj(acc1, p['conv1_bias'], p['convt_Wl'],
                           p['convt_bl'], x_footprint, p['convt_Wr'],
                           p['convt_br'])
    acct = rev_pass(xlt, xrt, src_r, dst_r, p['convt_att'].reshape(64))

    return _final(acct, p['convt_bias'], x_footprint, params)

# --- scband reference (transcript-rebuilt; emitter-appended) ---
"""Pipeline reference for scband-custom-gat-21981642621100 (READ-ONLY COPY).

The authoritative reference and input builder live on the scoring server;
editing this copy changes nothing except your own understanding.
"""

import jax, jax.numpy as jnp
import numpy as np

N_PANO = 10000
N_FOOT = 10000
E_PANO = 320000
E_REV = 160000
D_IN = 128
HID = 64
OUT = 64
HEADS = 1
LAYERS = 2
LINEAR_LAYERS = 2


def setup_inputs(seed: int = 0) -> dict:
    key = jax.random.key(seed)
    idx = [0]

    def nxt():
        idx[0] += 1
        return jax.random.fold_in(key, idx[0])

    def nrm(shape, s=0.05):
        return jax.random.normal(nxt(), shape, dtype=jnp.float32) * s

    x_pano = jax.random.normal(nxt(), (N_PANO, D_IN), dtype=jnp.float32)
    x_footprint = jax.random.normal(nxt(), (N_FOOT, D_IN), dtype=jnp.float32)
    edge_index_pano = jax.random.randint(nxt(), (2, E_PANO), 0, N_PANO, dtype=jnp.int32)
    edge_index_rev_src = jax.random.randint(nxt(), (E_REV,), 0, N_PANO, dtype=jnp.int32)
    edge_index_rev_dst = jax.random.randint(nxt(), (E_REV,), 0, N_FOOT, dtype=jnp.int32)
    edge_index_rev = jnp.stack([edge_index_rev_src, edge_index_rev_dst], axis=0)

    params = {
        'null_W_lin': nrm((D_IN, 1)), 'null_b_lin': jnp.zeros((1,), jnp.float32),
        'null_W_s': nrm((D_IN, HID)), 'null_b_s': jnp.zeros((HID,), jnp.float32),
        'null_W_c': nrm((HID, HID)), 'null_b_c': jnp.zeros((HID,), jnp.float32),
        'null_W_e': nrm((HID, 1)), 'null_b_e': jnp.zeros((1,), jnp.float32),
        'conv0_Wl': nrm((D_IN, HEADS * HID)), 'conv0_bl': jnp.zeros((HEADS * HID,), jnp.float32),
        'conv0_Wr': nrm((D_IN, HEADS * HID)), 'conv0_br': jnp.zeros((HEADS * HID,), jnp.float32),
        'conv0_att': nrm((HEADS, HID)), 'conv0_bias': jnp.zeros((HEADS * HID,), jnp.float32),
        'conv1_Wl': nrm((HEADS * HID, HEADS * HID)), 'conv1_bl': jnp.zeros((HEADS * HID,), jnp.float32),
        'conv1_Wr': nrm((HEADS * HID, HEADS * HID)), 'conv1_br': jnp.zeros((HEADS * HID,), jnp.float32),
        'conv1_att': nrm((HEADS, HID)), 'conv1_bias': jnp.zeros((HEADS * HID,), jnp.float32),
        'convt_Wl': nrm((HEADS * HID, HEADS * OUT)), 'convt_bl': jnp.zeros((HEADS * OUT,), jnp.float32),
        'convt_Wr': nrm((D_IN, HEADS * OUT)), 'convt_br': jnp.zeros((HEADS * OUT,), jnp.float32),
        'convt_att': nrm((HEADS, OUT)), 'convt_bias': jnp.zeros((HEADS * OUT,), jnp.float32),
        'mlp_W1': nrm((OUT * HEADS, HID)), 'mlp_b1': jnp.zeros((HID,), jnp.float32),
        'mlp_W2': nrm((HID, HID)), 'mlp_b2': jnp.zeros((HID,), jnp.float32),
        'mlp_W3': nrm((HID, 1)), 'mlp_b3': jnp.zeros((1,), jnp.float32),
    }
    return {'x_pano': x_pano, 'x_footprint': x_footprint,
            'edge_index_pano': edge_index_pano, 'edge_index_rev': edge_index_rev,
            'params': params}


def _segment_softmax(scores, seg, num_seg):
    m = jax.ops.segment_max(scores, seg, num_segments=num_seg)
    m = jnp.where(jnp.isfinite(m), m, 0.0)
    ex = jnp.exp(scores - m[seg])
    den = jax.ops.segment_sum(ex, seg, num_segments=num_seg)
    return ex / (den[seg] + 1e-16)


def _gatv2(x_src, x_dst, ei, Wl, bl, Wr, br, att, bias, heads, out_ch, n_dst):
    src, dst = ei[0], ei[1]
    xl = (x_src @ Wl + bl).reshape(-1, heads, out_ch)
    xr = (x_dst @ Wr + br).reshape(-1, heads, out_ch)
    xj = xl[src]
    xi = xr[dst]
    e = jax.nn.leaky_relu(xj + xi, negative_slope=0.2)
    alpha = jnp.sum(e * att[None, :, :], axis=-1)
    alpha = _segment_softmax(alpha, dst, n_dst)
    msg = xj * alpha[..., None]
    out = jax.ops.segment_sum(msg, dst, num_segments=n_dst)
    return out.reshape(n_dst, heads * out_ch) + bias


def _null_model(x, p):
    lin = x @ p['null_W_lin'] + p['null_b_lin']
    a = jax.nn.relu(x @ p['null_W_s'] + p['null_b_s'])
    for _ in range(LINEAR_LAYERS):
        a = jax.nn.relu(a @ p['null_W_c'] + p['null_b_c'])
    a = a @ p['null_W_e'] + p['null_b_e']
    return lin + a


def reference(x_pano, x_footprint, edge_index_pano, edge_index_rev, params):
    p = params
    linear_projection = _null_model(x_footprint, p)
    h = x_pano
    h = _gatv2(h, h, edge_index_pano, p['conv0_Wl'], p['conv0_bl'], p['conv0_Wr'], p['conv0_br'], p['conv0_att'], p['conv0_bias'], HEADS, HID, N_PANO)
    h = _gatv2(h, h, edge_index_pano, p['conv1_Wl'], p['conv1_bl'], p['conv1_Wr'], p['conv1_br'], p['conv1_att'], p['conv1_bias'], HEADS, HID, N_PANO)
    foot = _gatv2(h, x_footprint, edge_index_rev, p['convt_Wl'], p['convt_bl'], p['convt_Wr'], p['convt_br'], p['convt_att'], p['convt_bias'], HEADS, OUT, N_FOOT)
    m = jax.nn.relu(foot @ p['mlp_W1'] + p['mlp_b1'])
    m = jax.nn.relu(m @ p['mlp_W2'] + p['mlp_b2'])
    m = m @ p['mlp_W3'] + p['mlp_b3']
    return linear_projection + m

if __name__ == "__main__":
    import jax
    _d = setup_inputs()
    print(jax.jit(kernel)(*tuple(_d.values())))

</pallas_src>

<mosaic_0001>
#map = affine_map<(d0, d1) -> (0, 0)>
#map1 = affine_map<(d0, d1) -> (0)>
#map2 = affine_map<(d0, d1) -> (0, 0, 0)>
module attributes {stable_mosaic.version = 14 : i64} {
  func.func @edge_pass(%arg0: i32, %arg1: i32, %arg2: memref<10000x64xf32, #tpu.memory_space<hbm>>, %arg3: memref<10000x64xf32, #tpu.memory_space<hbm>>, %arg4: memref<323584xi32, #tpu.memory_space<hbm>>, %arg5: memref<323584xi32, #tpu.memory_space<hbm>>, %arg6: memref<64xf32, #tpu.memory_space<hbm>>, %arg7: memref<2x10240x80xf32, #tpu.memory_space<hbm>>, %arg8: memref<128xi32, #tpu.memory_space<vmem>>, %arg9: memref<128xi32, #tpu.memory_space<vmem>>, %arg10: memref<128x64xf32, #tpu.memory_space<vmem>>, %arg11: memref<128x64xf32, #tpu.memory_space<vmem>>, %arg12: memref<128x80xf32, #tpu.memory_space<vmem>>, %arg13: memref<64xf32, #tpu.memory_space<vmem>>, %arg14: memref<10240x80xf32, #tpu.memory_space<vmem_shared>>, %arg15: memref<!tpu.dma_semaphore, #tpu.memory_space<semaphore_mem>>) attributes {dimension_semantics = [#tpu.dimension_semantics<core_parallel>, #tpu.dimension_semantics<subcore_parallel>], iteration_bounds = array<i64: 2, 16>, scalar_prefetch = 0 : i64, scratch_operands = 8 : i64, tpu.core_type = #tpu.core_type<sc_vector_subcore>, window_params = [{transform_indices = #map}, {transform_indices = #map}, {transform_indices = #map1}, {transform_indices = #map1}, {transform_indices = #map1}, {transform_indices = #map2}]} {
    %mul3A = arith.constant 16 : i32
    %mul3A_0 = arith.muli %arg0, %mul3A : i32
    %add3A = arith.addi %mul3A_0, %arg1 : i32
    %broadcast_in_dim3A = arith.constant 0.000000e+00 : f32
    %broadcast_in_dim3A_1 = vector.broadcast %broadcast_in_dim3A : f32 to vector<16xf32>
    %scan3A = arith.constant 0 : i32
    %scan3A_2 = arith.constant 0 : i32
    %scan3A_3 = arith.constant 128 : i32
    %scan3A_4 = arith.addi %scan3A_2, %scan3A_3 : i32
    %scan3A_5 = arith.constant 1 : i32
    scf.for %scan3A_59 = %scan3A_2 to %scan3A_4 step %scan3A_5  : i32 {
      %swap3A = arith.index_cast %scan3A_59 : i32 to index
      %swap3A_60 = arith.constant 0 : index
      %swap3A_61 = tpu.vector_load %arg12[%swap3A, %swap3A_60] {strides = array<i32>} : memref<128x80xf32, #tpu.memory_space<vmem>>, vector<1x16xf32>,
      %swap3A_62 = vector.shape_cast %swap3A_61 : vector<1x16xf32> to vector<16xf32>
      %swap3A_63 = vector.shape_cast %broadcast_in_dim3A_1 : vector<16xf32> to vector<1x16xf32>
      tpu.vector_store %arg12[%swap3A, %swap3A_60], %swap3A_63 {strides = array<i32>} : memref<128x80xf32, #tpu.memory_space<vmem>>, vector<1x16xf32>,
      %swap3A_64 = arith.index_cast %scan3A_59 : i32 to index
      %swap3A_65 = arith.constant 16 : index
      %swap3A_66 = tpu.vector_load %arg12[%swap3A_64, %swap3A_65] {strides = array<i32>} : memref<128x80xf32, #tpu.memory_space<vmem>>, vector<1x16xf32>,
      %swap3A_67 = vector.shape_cast %swap3A_66 : vector<1x16xf32> to vector<16xf32>
      %swap3A_68 = vector.shape_cast %broadcast_in_dim3A_1 : vector<16xf32> to vector<1x16xf32>
      tpu.vector_store %arg12[%swap3A_64, %swap3A_65], %swap3A_68 {strides = array<i32>} : memref<128x80xf32, #tpu.memory_space<vmem>>, vector<1x16xf32>,
      %swap3A_69 = arith.index_cast %scan3A_59 : i32 to index
      %swap3A_70 = arith.constant 32 : index
      %swap3A_71 = tpu.vector_load %arg12[%swap3A_69, %swap3A_70] {strides = array<i32>} : memref<128x80xf32, #tpu.memory_space<vmem>>, vector<1x16xf32>,
      %swap3A_72 = vector.shape_cast %swap3A_71 : vector<1x16xf32> to vector<16xf32>
      %swap3A_73 = vector.shape_cast %broadcast_in_dim3A_1 : vector<16xf32> to vector<1x16xf32>
      tpu.vector_store %arg12[%swap3A_69, %swap3A_70], %swap3A_73 {strides = array<i32>} : memref<128x80xf32, #tpu.memory_space<vmem>>, vector<1x16xf32>,
      %swap3A_74 = arith.index_cast %scan3A_59 : i32 to index
      %swap3A_75 = arith.constant 48 : index
      %swap3A_76 = tpu.vector_load %arg12[%swap3A_74, %swap3A_75] {strides = array<i32>} : memref<128x80xf32, #tpu.memory_space<vmem>>, vector<1x16xf32>,
      %swap3A_77 = vector.shape_cast %swap3A_76 : vector<1x16xf32> to vector<16xf32>
      %swap3A_78 = vector.shape_cast %broadcast_in_dim3A_1 : vector<16xf32> to vector<1x16xf32>
      tpu.vector_store %arg12[%swap3A_74, %swap3A_75], %swap3A_78 {strides = array<i32>} : memref<128x80xf32, #tpu.memory_space<vmem>>, vector<1x16xf32>,
      %swap3A_79 = arith.index_cast %scan3A_59 : i32 to index
      %swap3A_80 = arith.constant 64 : index
      %swap3A_81 = tpu.vector_load %arg12[%swap3A_79, %swap3A_80] {strides = array<i32>} : memref<128x80xf32, #tpu.memory_space<vmem>>, vector<1x16xf32>,
      %swap3A_82 = vector.shape_cast %swap3A_81 : vector<1x16xf32> to vector<16xf32>
      %swap3A_83 = vector.shape_cast %broadcast_in_dim3A_1 : vector<16xf32> to vector<1x16xf32>
      tpu.vector_store %arg12[%swap3A_79, %swap3A_80], %swap3A_83 {strides = array<i32>} : memref<128x80xf32, #tpu.memory_space<vmem>>, vector<1x16xf32>,
    }
    %scan3A_6 = arith.constant 128 : i32
    %mul3A_7 = arith.constant 640 : i32
    %mul3A_8 = arith.muli %arg1, %mul3A_7 : i32
    %add3A_9 = arith.constant 0 : i32
    %add3A_10 = arith.addi %mul3A_8, %add3A_9 : i32
    "tpu.region"() ({
      %run_scoped3A = tpu.sem_alloc : memref<!tpu.dma_semaphore, #tpu.memory_space<semaphore_mem>>
      %dma_start3A = arith.constant 0 : i32
      %dma_start3A_59 = arith.constant 0 : i32
      %dma_start3A_60 = tpu.memref_slice %arg12[%dma_start3A, %dma_start3A_59] : memref<128x80xf32, #tpu.memory_space<vmem>> -> memref<128x80xf32, #tpu.memory_space<vmem>>
      %dma_start3A_61 = arith.constant 0 : i32
      %dma_start3A_62 = tpu.memref_slice %arg14[%add3A_10, %dma_start3A_61] : memref<10240x80xf32, #tpu.memory_space<vmem_shared>> -> memref<128x80xf32, #tpu.memory_space<vmem_shared>>
      %dma_start3A_63 = arith.constant 0 : i32
      %dma_start3A_64 = tpu.memref_slice %arg14[%add3A_10, %dma_start3A_63] : memref<10240x80xf32, #tpu.memory_space<vmem_shared>> -> memref<128x80xf32, #tpu.memory_space<vmem_shared>>
      %dma_start3A_65 = arith.constant 0 : i32
      %dma_start3A_66 = arith.constant 0 : i32
      %dma_start3A_67 = tpu.memref_slice %arg12[%dma_start3A_65, %dma_start3A_66] : memref<128x80xf32, #tpu.memory_space<vmem>> -> memref<128x80xf32, #tpu.memory_space<vmem>>
      tpu.enqueue_dma source(%dma_start3A_67 : memref<128x80xf32, #tpu.memory_space<vmem>>) target(%dma_start3A_64 : memref<128x80xf32, #tpu.memory_space<vmem_shared>>) target_semaphore(%run_scoped3A : memref<!tpu.dma_semaphore, #tpu.memory_space<semaphore_mem>>)
      %dma_wait3A = arith.constant 0 : i32
      %dma_wait3A_68 = arith.constant 0 : i32
      %dma_wait3A_69 = tpu.memref_slice %arg12[%dma_wait3A, %dma_wait3A_68] : memref<128x80xf32, #tpu.memory_space<vmem>> -> memref<128x80xf32, #tpu.memory_space<vmem>>
      %dma_wait3A_70 = arith.constant 0 : i32
      %dma_wait3A_71 = tpu.memref_slice %arg14[%add3A_10, %dma_wait3A_70] : memref<10240x80xf32, #tpu.memory_space<vmem_shared>> -> memref<128x80xf32, #tpu.memory_space<vmem_shared>>
      %dma_wait3A_72 = arith.constant 0 : i32
      %dma_wait3A_73 = tpu.memref_slice %arg14[%add3A_10, %dma_wait3A_72] : memref<10240x80xf32, #tpu.memory_space<vmem_shared>> -> memref<128x80xf32, #tpu.memory_space<vmem_shared>>
      %dma_wait3A_74 = arith.constant 0 : i32
      %dma_wait3A_75 = arith.constant 0 : i32
      %dma_wait3A_76 = tpu.memref_slice %arg12[%dma_wait3A_74, %dma_wait3A_75] : memref<128x80xf32, #tpu.memory_space<vmem>> -> memref<128x80xf32, #tpu.memory_space<vmem>>
      tpu.wait_dma2 semaphore(%run_scoped3A : memref<!tpu.dma_semaphore, #tpu.memory_space<semaphore_mem>>) src(%dma_wait3A_76 : memref<128x80xf32, #tpu.memory_space<vmem>>) dst(%dma_wait3A_73 : memref<128x80xf32, #tpu.memory_space<vmem_shared>>)
      tpu.yield
    }) : () -> ()
    %add3A_11 = arith.constant 128 : i32
    %add3A_12 = arith.addi %mul3A_8, %add3A_11 : i32
    "tpu.region"() ({
      %run_scoped3A = tpu.sem_alloc : memref<!tpu.dma_semaphore, #tpu.memory_space<semaphore_mem>>
      %dma_start3A = arith.constant 0 : i32
      %dma_start3A_59 = arith.constant 0 : i32
      %dma_start3A_60 = tpu.memref_slice %arg12[%dma_start3A, %dma_start3A_59] : memref<128x80xf32, #tpu.memory_space<vmem>> -> memref<128x80xf32, #tpu.memory_space<vmem>>
      %dma_start3A_61 = arith.constant 0 : i32
      %dma_start3A_62 = tpu.memref_slice %arg14[%add3A_12, %dma_start3A_61] : memref<10240x80xf32, #tpu.memory_space<vmem_shared>> -> memref<128x80xf32, #tpu.memory_space<vmem_shared>>
      %dma_start3A_63 = arith.constant 0 : i32
      %dma_start3A_64 = tpu.memref_slice %arg14[%add3A_12, %dma_start3A_63] : memref<10240x80xf32, #tpu.memory_space<vmem_shared>> -> memref<128x80xf32, #tpu.memory_space<vmem_shared>>
      %dma_start3A_65 = arith.constant 0 : i32
      %dma_start3A_66 = arith.constant 0 : i32
      %dma_start3A_67 = tpu.memref_slice %arg12[%dma_start3A_65, %dma_start3A_66] : memref<128x80xf32, #tpu.memory_space<vmem>> -> memref<128x80xf32, #tpu.memory_space<vmem>>
      tpu.enqueue_dma source(%dma_start3A_67 : memref<128x80xf32, #tpu.memory_space<vmem>>) target(%dma_start3A_64 : memref<128x80xf32, #tpu.memory_space<vmem_shared>>) target_semaphore(%run_scoped3A : memref<!tpu.dma_semaphore, #tpu.memory_space<semaphore_mem>>)
      %dma_wait3A = arith.constant 0 : i32
      %dma_wait3A_68 = arith.constant 0 : i32
      %dma_wait3A_69 = tpu.memref_slice %arg12[%dma_wait3A, %dma_wait3A_68] : memref<128x80xf32, #tpu.memory_space<vmem>> -> memref<128x80xf32, #tpu.memory_space<vmem>>
      %dma_wait3A_70 = arith.constant 0 : i32
      %dma_wait3A_71 = tpu.memref_slice %arg14[%add3A_12, %dma_wait3A_70] : memref<10240x80xf32, #tpu.memory_space<vmem_shared>> -> memref<128x80xf32, #tpu.memory_space<vmem_shared>>
      %dma_wait3A_72 = arith.constant 0 : i32
      %dma_wait3A_73 = tpu.memref_slice %arg14[%add3A_12, %dma_wait3A_72] : memref<10240x80xf32, #tpu.memory_space<vmem_shared>> -> memref<128x80xf32, #tpu.memory_space<vmem_shared>>
      %dma_wait3A_74 = arith.constant 0 : i32
      %dma_wait3A_75 = arith.constant 0 : i32
      %dma_wait3A_76 = tpu.memref_slice %arg12[%dma_wait3A_74, %dma_wait3A_75] : memref<128x80xf32, #tpu.memory_space<vmem>> -> memref<128x80xf32, #tpu.memory_space<vmem>>
      tpu.wait_dma2 semaphore(%run_scoped3A : memref<!tpu.dma_semaphore, #tpu.memory_space<semaphore_mem>>) src(%dma_wait3A_76 : memref<128x80xf32, #tpu.memory_space<vmem>>) dst(%dma_wait3A_73 : memref<128x80xf32, #tpu.memory_space<vmem_shared>>)
      tpu.yield
    }) : () -> ()
    %add3A_13 = arith.constant 256 : i32
    %add3A_14 = arith.addi %mul3A_8, %add3A_13 : i32
    "tpu.region"() ({
      %run_scoped3A = tpu.sem_alloc : memref<!tpu.dma_semaphore, #tpu.memory_space<semaphore_mem>>
      %dma_start3A = arith.constant 0 : i32
      %dma_start3A_59 = arith.constant 0 : i32
      %dma_start3A_60 = tpu.memref_slice %arg12[%dma_start3A, %dma_start3A_59] : memref<128x80xf32, #tpu.memory_space<vmem>> -> memref<128x80xf32, #tpu.memory_space<vmem>>
      %dma_start3A_61 = arith.constant 0 : i32
      %dma_start3A_62 = tpu.memref_slice %arg14[%add3A_14, %dma_start3A_61] : memref<10240x80xf32, #tpu.memory_space<vmem_shared>> -> memref<128x80xf32, #tpu.memory_space<vmem_shared>>
      %dma_start3A_63 = arith.constant 0 : i32
      %dma_start3A_64 = tpu.memref_slice %arg14[%add3A_14, %dma_start3A_63] : memref<10240x80xf32, #tpu.memory_space<vmem_shared>> -> memref<128x80xf32, #tpu.memory_space<vmem_shared>>
      %dma_start3A_65 = arith.constant 0 : i32
      %dma_start3A_66 = arith.constant 0 : i32
      %dma_start3A_67 = tpu.memref_slice %arg12[%dma_start3A_65, %dma_start3A_66] : memref<128x80xf32, #tpu.memory_space<vmem>> -> memref<128x80xf32, #tpu.memory_space<vmem>>
      tpu.enqueue_dma source(%dma_start3A_67 : memref<128x80xf32, #tpu.memory_space<vmem>>) target(%dma_start3A_64 : memref<128x80xf32, #tpu.memory_space<vmem_shared>>) target_semaphore(%run_scoped3A : memref<!tpu.dma_semaphore, #tpu.memory_space<semaphore_mem>>)
      %dma_wait3A = arith.constant 0 : i32
      %dma_wait3A_68 = arith.constant 0 : i32
      %dma_wait3A_69 = tpu.memref_slice %arg12[%dma_wait3A, %dma_wait3A_68] : memref<128x80xf32, #tpu.memory_space<vmem>> -> memref<128x80xf32, #tpu.memory_space<vmem>>
      %dma_wait3A_70 = arith.constant 0 : i32
      %dma_wait3A_71 = tpu.memref_slice %arg14[%add3A_14, %dma_wait3A_70] : memref<10240x80xf32, #tpu.memory_space<vmem_shared>> -> memref<128x80xf32, #tpu.memory_space<vmem_shared>>
      %dma_wait3A_72 = arith.constant 0 : i32
      %dma_wait3A_73 = tpu.memref_slice %arg14[%add3A_14, %dma_wait3A_72] : memref<10240x80xf32, #tpu.memory_space<vmem_shared>> -> memref<128x80xf32, #tpu.memory_space<vmem_shared>>
      %dma_wait3A_74 = arith.constant 0 : i32
      %dma_wait3A_75 = arith.constant 0 : i32
      %dma_wait3A_76 = tpu.memref_slice %arg12[%dma_wait3A_74, %dma_wait3A_75] : memref<128x80xf32, #tpu.memory_space<vmem>> -> memref<128x80xf32, #tpu.memory_space<vmem>>
      tpu.wait_dma2 semaphore(%run_scoped3A : memref<!tpu.dma_semaphore, #tpu.memory_space<semaphore_mem>>) src(%dma_wait3A_76 : memref<128x80xf32, #tpu.memory_space<vmem>>) dst(%dma_wait3A_73 : memref<128x80xf32, #tpu.memory_space<vmem_shared>>)
      tpu.yield
    }) : () -> ()
    %add3A_15 = arith.constant 384 : i32
    %add3A_16 = arith.addi %mul3A_8, %add3A_15 : i32
    "tpu.region"() ({
      %run_scoped3A = tpu.sem_alloc : memref<!tpu.dma_semaphore, #tpu.memory_space<semaphore_mem>>
      %dma_start3A = arith.constant 0 : i32
      %dma_start3A_59 = arith.constant 0 : i32
      %dma_start3A_60 = tpu.memref_slice %arg12[%dma_start3A, %dma_start3A_59] : memref<128x80xf32, #tpu.memory_space<vmem>> -> memref<128x80xf32, #tpu.memory_space<vmem>>
      %dma_start3A_61 = arith.constant 0 : i32
      %dma_start3A_62 = tpu.memref_slice %arg14[%add3A_16, %dma_start3A_61] : memref<10240x80xf32, #tpu.memory_space<vmem_shared>> -> memref<128x80xf32, #tpu.memory_space<vmem_shared>>
      %dma_start3A_63 = arith.constant 0 : i32
      %dma_start3A_64 = tpu.memref_slice %arg14[%add3A_16, %dma_start3A_63] : memref<10240x80xf32, #tpu.memory_space<vmem_shared>> -> memref<128x80xf32, #tpu.memory_space<vmem_shared>>
      %dma_start3A_65 = arith.constant 0 : i32
      %dma_start3A_66 = arith.constant 0 : i32
      %dma_start3A_67 = tpu.memref_slice %arg12[%dma_start3A_65, %dma_start3A_66] : memref<128x80xf32, #tpu.memory_space<vmem>> -> memref<128x80xf32, #tpu.memory_space<vmem>>
      tpu.enqueue_dma source(%dma_start3A_67 : memref<128x80xf32, #tpu.memory_space<vmem>>) target(%dma_start3A_64 : memref<128x80xf32, #tpu.memory_space<vmem_shared>>) target_semaphore(%run_scoped3A : memref<!tpu.dma_semaphore, #tpu.memory_space<semaphore_mem>>)
      %dma_wait3A = arith.constant 0 : i32
      %dma_wait3A_68 = arith.constant 0 : i32
      %dma_wait3A_69 = tpu.memref_slice %arg12[%dma_wait3A, %dma_wait3A_68] : memref<128x80xf32, #tpu.memory_space<vmem>> -> memref<128x80xf32, #tpu.memory_space<vmem>>
      %dma_wait3A_70 = arith.constant 0 : i32
      %dma_wait3A_71 = tpu.memref_slice %arg14[%add3A_16, %dma_wait3A_70] : memref<10240x80xf32, #tpu.memory_space<vmem_shared>> -> memref<128x80xf32, #tpu.memory_space<vmem_shared>>
      %dma_wait3A_72 = arith.constant 0 : i32
      %dma_wait3A_73 = tpu.memref_slice %arg14[%add3A_16, %dma_wait3A_72] : memref<10240x80xf32, #tpu.memory_space<vmem_shared>> -> memref<128x80xf32, #tpu.memory_space<vmem_shared>>
      %dma_wait3A_74 = arith.constant 0 : i32
      %dma_wait3A_75 = arith.constant 0 : i32
      %dma_wait3A_76 = tpu.memref_slice %arg12[%dma_wait3A_74, %dma_wait3A_75] : memref<128x80xf32, #tpu.memory_space<vmem>> -> memref<128x80xf32, #tpu.memory_space<vmem>>
      tpu.wait_dma2 semaphore(%run_scoped3A : memref<!tpu.dma_semaphore, #tpu.memory_space<semaphore_mem>>) src(%dma_wait3A_76 : memref<128x80xf32, #tpu.memory_space<vmem>>) dst(%dma_wait3A_73 : memref<128x80xf32, #tpu.memory_space<vmem_shared>>)
      tpu.yield
    }) : () -> ()
    %add3A_17 = arith.constant 512 : i32
    %add3A_18 = arith.addi %mul3A_8, %add3A_17 : i32
    "tpu.region"() ({
      %run_scoped3A = tpu.sem_alloc : memref<!tpu.dma_semaphore, #tpu.memory_space<semaphore_mem>>
      %dma_start3A = arith.constant 0 : i32
      %dma_start3A_59 = arith.constant 0 : i32
      %dma_start3A_60 = tpu.memref_slice %arg12[%dma_start3A, %dma_start3A_59] : memref<128x80xf32, #tpu.memory_space<vmem>> -> memref<128x80xf32, #tpu.memory_space<vmem>>
      %dma_start3A_61 = arith.constant 0 : i32
      %dma_start3A_62 = tpu.memref_slice %arg14[%add3A_18, %dma_start3A_61] : memref<10240x80xf32, #tpu.memory_space<vmem_shared>> -> memref<128x80xf32, #tpu.memory_space<vmem_shared>>
      %dma_start3A_63 = arith.constant 0 : i32
      %dma_start3A_64 = tpu.memref_slice %arg14[%add3A_18, %dma_start3A_63] : memref<10240x80xf32, #tpu.memory_space<vmem_shared>> -> memref<128x80xf32, #tpu.memory_space<vmem_shared>>
      %dma_start3A_65 = arith.constant 0 : i32
      %dma_start3A_66 = arith.constant 0 : i32
      %dma_start3A_67 = tpu.memref_slice %arg12[%dma_start3A_65, %dma_start3A_66] : memref<128x80xf32, #tpu.memory_space<vmem>> -> memref<128x80xf32, #tpu.memory_space<vmem>>
      tpu.enqueue_dma source(%dma_start3A_67 : memref<128x80xf32, #tpu.memory_space<vmem>>) target(%dma_start3A_64 : memref<128x80xf32, #tpu.memory_space<vmem_shared>>) target_semaphore(%run_scoped3A : memref<!tpu.dma_semaphore, #tpu.memory_space<semaphore_mem>>)
      %dma_wait3A = arith.constant 0 : i32
      %dma_wait3A_68 = arith.constant 0 : i32
      %dma_wait3A_69 = tpu.memref_slice %arg12[%dma_wait3A, %dma_wait3A_68] : memref<128x80xf32, #tpu.memory_space<vmem>> -> memref<128x80xf32, #tpu.memory_space<vmem>>
      %dma_wait3A_70 = arith.constant 0 : i32
      %dma_wait3A_71 = tpu.memref_slice %arg14[%add3A_18, %dma_wait3A_70] : memref<10240x80xf32, #tpu.memory_space<vmem_shared>> -> memref<128x80xf32, #tpu.memory_space<vmem_shared>>
      %dma_wait3A_72 = arith.constant 0 : i32
      %dma_wait3A_73 = tpu.memref_slice %arg14[%add3A_18, %dma_wait3A_72] : memref<10240x80xf32, #tpu.memory_space<vmem_shared>> -> memref<128x80xf32, #tpu.memory_space<vmem_shared>>
      %dma_wait3A_74 = arith.constant 0 : i32
      %dma_wait3A_75 = arith.constant 0 : i32
      %dma_wait3A_76 = tpu.memref_slice %arg12[%dma_wait3A_74, %dma_wait3A_75] : memref<128x80xf32, #tpu.memory_space<vmem>> -> memref<128x80xf32, #tpu.memory_space<vmem>>
      tpu.wait_dma2 semaphore(%run_scoped3A : memref<!tpu.dma_semaphore, #tpu.memory_space<semaphore_mem>>) src(%dma_wait3A_76 : memref<128x80xf32, #tpu.memory_space<vmem>>) dst(%dma_wait3A_73 : memref<128x80xf32, #tpu.memory_space<vmem_shared>>)
      tpu.yield
    }) : () -> ()
    "tpu.region"() ({
      %run_scoped3A = tpu.sem_alloc : memref<!tpu.dma_semaphore, #tpu.memory_space<semaphore_mem>>
      tpu.enqueue_dma source(%arg6 : memref<64xf32, #tpu.memory_space<hbm>>) target(%arg13 : memref<64xf32, #tpu.memory_space<vmem>>) target_semaphore(%run_scoped3A : memref<!tpu.dma_semaphore, #tpu.memory_space<semaphore_mem>>)
      tpu.wait_dma2 semaphore(%run_scoped3A : memref<!tpu.dma_semaphore, #tpu.memory_space<semaphore_mem>>) src(%arg6 : memref<64xf32, #tpu.memory_space<hbm>>) dst(%arg13 : memref<64xf32, #tpu.memory_space<vmem>>)
      tpu.yield
    }) : () -> ()
    %barrier3A = arith.constant 0 : index
    tpu.barrier barrier_id(%barrier3A)
    %get3A = arith.constant 0 : index
    %get3A_19 = tpu.vector_load %arg13[%get3A] {strides = array<i32>} : memref<64xf32, #tpu.memory_space<vmem>>, vector<16xf32>,
    %get3A_20 = vector.shape_cast %get3A_19 : vector<16xf32> to vector<16xf32>
    %get3A_21 = arith.constant 16 : index
    %get3A_22 = tpu.vector_load %arg13[%get3A_21] {strides = array<i32>} : memref<64xf32, #tpu.memory_space<vmem>>, vector<16xf32>,
    %get3A_23 = vector.shape_cast %get3A_22 : vector<16xf32> to vector<16xf32>
    %get3A_24 = arith.constant 32 : index
    %get3A_25 = tpu.vector_load %arg13[%get3A_24] {strides = array<i32>} : memref<64xf32, #tpu.memory_space<vmem>>, vector<16xf32>,
    %get3A_26 = vector.shape_cast %get3A_25 : vector<16xf32> to vector<16xf32>
    %get3A_27 = arith.constant 48 : index
    %get3A_28 = tpu.vector_load %arg13[%get3A_27] {strides = array<i32>} : memref<64xf32, #tpu.memory_space<vmem>>, vector<16xf32>,
    %get3A_29 = vector.shape_cast %get3A_28 : vector<16xf32> to vector<16xf32>
    %mul3A_30 = arith.constant 10112 : i32
    %mul3A_31 = arith.muli %add3A, %mul3A_30 : i32
    %iota3A = tpu.iota {dimensions = array<i32: 0>} : vector<16xi32>
    %scan3A_32 = arith.constant 0 : i32
    %scan3A_33 = arith.constant 0 : i32
    %scan3A_34 = arith.constant 79 : i32
    %scan3A_35 = arith.addi %scan3A_33, %scan3A_34 : i32
    %scan3A_36 = arith.constant 1 : i32
    scf.for %scan3A_59 = %scan3A_33 to %scan3A_35 step %scan3A_36  : i32 {
      %mul3A_60 = arith.constant 128 : i32
      %mul3A_61 = arith.muli %scan3A_59, %mul3A_60 : i32
      %add3A_62 = arith.addi %mul3A_31, %mul3A_61 : i32
      %multiple_of3A = tpu.assume_multiple %add3A_62, 8 : i32
      "tpu.region"() ({
        %run_scoped3A = tpu.sem_alloc : memref<!tpu.dma_semaphore, #tpu.memory_space<semaphore_mem>>
        %dma_start3A_79 = tpu.memref_slice %arg4[%multiple_of3A] : memref<323584xi32, #tpu.memory_space<hbm>> -> memref<128xi32, #tpu.memory_space<hbm>>
        %dma_start3A_80 = tpu.memref_slice %arg4[%multiple_of3A] : memref<323584xi32, #tpu.memory_space<hbm>> -> memref<128xi32, #tpu.memory_space<hbm>>
        tpu.enqueue_dma source(%dma_start3A_80 : memref<128xi32, #tpu.memory_space<hbm>>) target(%arg8 : memref<128xi32, #tpu.memory_space<vmem>>) target_semaphore(%run_scoped3A : memref<!tpu.dma_semaphore, #tpu.memory_space<semaphore_mem>>)
        %dma_wait3A_81 = tpu.memref_slice %arg4[%multiple_of3A] : memref<323584xi32, #tpu.memory_space<hbm>> -> memref<128xi32, #tpu.memory_space<hbm>>
        %dma_wait3A_82 = tpu.memref_slice %arg4[%multiple_of3A] : memref<323584xi32, #tpu.memory_space<hbm>> -> memref<128xi32, #tpu.memory_space<hbm>>
        tpu.wait_dma2 semaphore(%run_scoped3A : memref<!tpu.dma_semaphore, #tpu.memory_space<semaphore_mem>>) src(%dma_wait3A_82 : memref<128xi32, #tpu.memory_space<hbm>>) dst(%arg8 : memref<128xi32, #tpu.memory_space<vmem>>)
        tpu.yield
      }) : () -> ()
      "tpu.region"() ({
        %run_scoped3A = tpu.sem_alloc : memref<!tpu.dma_semaphore, #tpu.memory_space<semaphore_mem>>
        %dma_start3A_79 = tpu.memref_slice %arg5[%multiple_of3A] : memref<323584xi32, #tpu.memory_space<hbm>> -> memref<128xi32, #tpu.memory_space<hbm>>
        %dma_start3A_80 = tpu.memref_slice %arg5[%multiple_of3A] : memref<323584xi32, #tpu.memory_space<hbm>> -> memref<128xi32, #tpu.memory_space<hbm>>
        tpu.enqueue_dma source(%dma_start3A_80 : memref<128xi32, #tpu.memory_space<hbm>>) target(%arg9 : memref<128xi32, #tpu.memory_space<vmem>>) target_semaphore(%run_scoped3A : memref<!tpu.dma_semaphore, #tpu.memory_space<semaphore_mem>>)
        %dma_wait3A_81 = tpu.memref_slice %arg5[%multiple_of3A] : memref<323584xi32, #tpu.memory_space<hbm>> -> memref<128xi32, #tpu.memory_space<hbm>>
        %dma_wait3A_82 = tpu.memref_slice %arg5[%multiple_of3A] : memref<323584xi32, #tpu.memory_space<hbm>> -> memref<128xi32, #tpu.memory_space<hbm>>
        tpu.wait_dma2 semaphore(%run_scoped3A : memref<!tpu.dma_semaphore, #tpu.memory_space<semaphore_mem>>) src(%dma_wait3A_82 : memref<128xi32, #tpu.memory_space<hbm>>) dst(%arg9 : memref<128xi32, #tpu.memory_space<vmem>>)
        tpu.yield
      }) : () -> ()
      %dma_start3A = arith.constant 0 : i32
      %dma_start3A_63 = arith.constant 0 : i32
      %dma_start3A_64 = tpu.memref_slice %arg2[%dma_start3A, %dma_start3A_63] : memref<10000x64xf32, #tpu.memory_space<hbm>> -> memref<10000x64xf32, #tpu.memory_space<hbm>>
      tpu.enqueue_indirect_dma source(%dma_start3A_64 : memref<10000x64xf32, #tpu.memory_space<hbm>>) target(%arg10 : memref<128x64xf32, #tpu.memory_space<vmem>>) offsets(%arg8 : memref<128xi32, #tpu.memory_space<vmem>>) semaphore(%arg15 : memref<!tpu.dma_semaphore, #tpu.memory_space<semaphore_mem>>)
      %dma_wait3A = arith.constant 0 : i32
      %dma_wait3A_65 = arith.constant 0 : i32
      %dma_wait3A_66 = tpu.memref_slice %arg2[%dma_wait3A, %dma_wait3A_65] : memref<10000x64xf32, #tpu.memory_space<hbm>> -> memref<10000x64xf32, #tpu.memory_space<hbm>>
      tpu.wait_indirect_dma semaphore(%arg15 : memref<!tpu.dma_semaphore, #tpu.memory_space<semaphore_mem>>) src(%dma_wait3A_66 : memref<10000x64xf32, #tpu.memory_space<hbm>>) dst(%arg10 : memref<128x64xf32, #tpu.memory_space<vmem>>)
      %dma_start3A_67 = arith.constant 0 : i32
      %dma_start3A_68 = arith.constant 0 : i32
      %dma_start3A_69 = tpu.memref_slice %arg3[%dma_start3A_67, %dma_start3A_68] : memref<10000x64xf32, #tpu.memory_space<hbm>> -> memref<10000x64xf32, #tpu.memory_space<hbm>>
      tpu.enqueue_indirect_dma source(%dma_start3A_69 : memref<10000x64xf32, #tpu.memory_space<hbm>>) target(%arg11 : memref<128x64xf32, #tpu.memory_space<vmem>>) offsets(%arg9 : memref<128xi32, #tpu.memory_space<vmem>>) semaphore(%arg15 : memref<!tpu.dma_semaphore, #tpu.memory_space<semaphore_mem>>)
      %dma_wait3A_70 = arith.constant 0 : i32
      %dma_wait3A_71 = arith.constant 0 : i32
      %dma_wait3A_72 = tpu.memref_slice %arg3[%dma_wait3A_70, %dma_wait3A_71] : memref<10000x64xf32, #tpu.memory_space<hbm>> -> memref<10000x64xf32, #tpu.memory_space<hbm>>
      tpu.wait_indirect_dma semaphore(%arg15 : memref<!tpu.dma_semaphore, #tpu.memory_space<semaphore_mem>>) src(%dma_wait3A_72 : memref<10000x64xf32, #tpu.memory_space<hbm>>) dst(%arg11 : memref<128x64xf32, #tpu.memory_space<vmem>>)
      %scan3A_73 = arith.constant 0 : i32
      %scan3A_74 = arith.constant 0 : i32
      %scan3A_75 = arith.constant 128 : i32
      %scan3A_76 = arith.addi %scan3A_74, %scan3A_75 : i32
      %scan3A_77 = arith.constant 1 : i32
      scf.for %scan3A_79 = %scan3A_74 to %scan3A_76 step %scan3A_77  : i32 {
        %get3A_80 = arith.index_cast %scan3A_79 : i32 to index
        %get3A_81 = arith.constant 0 : index
        %get3A_82 = tpu.vector_load %arg10[%get3A_80, %get3A_81] {strides = array<i32>} : memref<128x64xf32, #tpu.memory_space<vmem>>, vector<1x16xf32>,
        %get3A_83 = vector.shape_cast %get3A_82 : vector<1x16xf32> to vector<16xf32>
        %get3A_84 = arith.index_cast %scan3A_79 : i32 to index
        %get3A_85 = arith.constant 16 : index
        %get3A_86 = tpu.vector_load %arg10[%get3A_84, %get3A_85] {strides = array<i32>} : memref<128x64xf32, #tpu.memory_space<vmem>>, vector<1x16xf32>,
        %get3A_87 = vector.shape_cast %get3A_86 : vector<1x16xf32> to vector<16xf32>
        %get3A_88 = arith.index_cast %scan3A_79 : i32 to index
        %get3A_89 = arith.constant 32 : index
        %get3A_90 = tpu.vector_load %arg10[%get3A_88, %get3A_89] {strides = array<i32>} : memref<128x64xf32, #tpu.memory_space<vmem>>, vector<1x16xf32>,
        %get3A_91 = vector.shape_cast %get3A_90 : vector<1x16xf32> to vector<16xf32>
        %get3A_92 = arith.index_cast %scan3A_79 : i32 to index
        %get3A_93 = arith.constant 48 : index
        %get3A_94 = tpu.vector_load %arg10[%get3A_92, %get3A_93] {strides = array<i32>} : memref<128x64xf32, #tpu.memory_space<vmem>>, vector<1x16xf32>,
        %get3A_95 = vector.shape_cast %get3A_94 : vector<1x16xf32> to vector<16xf32>
        %get3A_96 = arith.index_cast %scan3A_79 : i32 to index
        %get3A_97 = arith.constant 0 : index
        %get3A_98 = tpu.vector_load %arg11[%get3A_96, %get3A_97] {strides = array<i32>} : memref<128x64xf32, #tpu.memory_space<vmem>>, vector<1x16xf32>,
        %get3A_99 = vector.shape_cast %get3A_98 : vector<1x16xf32> to vector<16xf32>
        %add3A_100 = arith.addf %get3A_83, %get3A_99 : vector<16xf32>
        %mul3A_101 = arith.constant 2.000000e-01 : f32
        %mul3A_102 = vector.broadcast %mul3A_101 : f32 to vector<16xf32>
        %mul3A_103 = arith.mulf %mul3A_102, %add3A_100 : vector<16xf32>
        %max3A = arith.maximumf %add3A_100, %mul3A_103 : vector<16xf32>
        %mul3A_104 = arith.mulf %get3A_20, %max3A : vector<16xf32>
        %add3A_105 = arith.addf %broadcast_in_dim3A_1, %mul3A_104 : vector<16xf32>
        %get3A_106 = arith.index_cast %scan3A_79 : i32 to index
        %get3A_107 = arith.constant 16 : index
        %get3A_108 = tpu.vector_load %arg11[%get3A_106, %get3A_107] {strides = array<i32>} : memref<128x64xf32, #tpu.memory_space<vmem>>, vector<1x16xf32>,
        %get3A_109 = vector.shape_cast %get3A_108 : vector<1x16xf32> to vector<16xf32>
        %add3A_110 = arith.addf %get3A_87, %get3A_109 : vector<16xf32>
        %mul3A_111 = arith.constant 2.000000e-01 : f32
        %mul3A_112 = vector.broadcast %mul3A_111 : f32 to vector<16xf32>
        %mul3A_113 = arith.mulf %mul3A_112, %add3A_110 : vector<16xf32>
        %max3A_114 = arith.maximumf %add3A_110, %mul3A_113 : vector<16xf32>
        %mul3A_115 = arith.mulf %get3A_23, %max3A_114 : vector<16xf32>
        %add3A_116 = arith.addf %add3A_105, %mul3A_115 : vector<16xf32>
        %get3A_117 = arith.index_cast %scan3A_79 : i32 to index
        %get3A_118 = arith.constant 32 : index
        %get3A_119 = tpu.vector_load %arg11[%get3A_117, %get3A_118] {strides = array<i32>} : memref<128x64xf32, #tpu.memory_space<vmem>>, vector<1x16xf32>,
        %get3A_120 = vector.shape_cast %get3A_119 : vector<1x16xf32> to vector<16xf32>
        %add3A_121 = arith.addf %get3A_91, %get3A_120 : vector<16xf32>
        %mul3A_122 = arith.constant 2.000000e-01 : f32
        %mul3A_123 = vector.broadcast %mul3A_122 : f32 to vector<16xf32>
        %mul3A_124 = arith.mulf %mul3A_123, %add3A_121 : vector<16xf32>
        %max3A_125 = arith.maximumf %add3A_121, %mul3A_124 : vector<16xf32>
        %mul3A_126 = arith.mulf %get3A_26, %max3A_125 : vector<16xf32>
        %add3A_127 = arith.addf %add3A_116, %mul3A_126 : vector<16xf32>
        %get3A_128 = arith.index_cast %scan3A_79 : i32 to index
        %get3A_129 = arith.constant 48 : index
        %get3A_130 = tpu.vector_load %arg11[%get3A_128, %get3A_129] {strides = array<i32>} : memref<128x64xf32, #tpu.memory_space<vmem>>, vector<1x16xf32>,
        %get3A_131 = vector.shape_cast %get3A_130 : vector<1x16xf32> to vector<16xf32>
        %add3A_132 = arith.addf %get3A_95, %get3A_131 : vector<16xf32>
        %mul3A_133 = arith.constant 2.000000e-01 : f32
        %mul3A_134 = vector.broadcast %mul3A_133 : f32 to vector<16xf32>
        %mul3A_135 = arith.mulf %mul3A_134, %add3A_132 : vector<16xf32>
        %max3A_136 = arith.maximumf %add3A_132, %mul3A_135 : vector<16xf32>
        %mul3A_137 = arith.mulf %get3A_29, %max3A_136 : vector<16xf32>
        %add3A_138 = arith.addf %add3A_127, %mul3A_137 : vector<16xf32>
        %xor3A = arith.constant 8 : i32
        %xor3A_139 = vector.broadcast %xor3A : i32 to vector<16xi32>
        %xor3A_140 = arith.xori %iota3A, %xor3A_139 : vector<16xi32>
        %lt3A = arith.constant 0 : i32
        %lt3A_141 = vector.broadcast %lt3A : i32 to vector<16xi32>
        %lt3A_142 = arith.cmpi slt, %xor3A_140, %lt3A_141 : vector<16xi32>
        %add3A_143 = arith.constant 16 : i32
        %add3A_144 = vector.broadcast %add3A_143 : i32 to vector<16xi32>
        %add3A_145 = arith.addi %xor3A_140, %add3A_144 : vector<16xi32>
        %select_n3A = arith.select %lt3A_142, %add3A_145, %xor3A_140 : vector<16xi1>, vector<16xi32>
        %broadcast_in_dim3A_146 = vector.shape_cast %select_n3A : vector<16xi32> to vector<16x1xi32>
        %gather3A = vector.shape_cast %broadcast_in_dim3A_146 : vector<16x1xi32> to vector<16xi32>
        %gather3A_147 = tpu.dynamic_gather %add3A_138[%gather3A] in [0] : vector<16xf32>, vector<16xi32> -> vector<16xf32>
        %add3A_148 = arith.addf %add3A_138, %gather3A_147 : vector<16xf32>
        %xor3A_149 = arith.constant 4 : i32
        %xor3A_150 = vector.broadcast %xor3A_149 : i32 to vector<16xi32>
        %xor3A_151 = arith.xori %iota3A, %xor3A_150 : vector<16xi32>
        %lt3A_152 = arith.constant 0 : i32
        %lt3A_153 = vector.broadcast %lt3A_152 : i32 to vector<16xi32>
        %lt3A_154 = arith.cmpi slt, %xor3A_151, %lt3A_153 : vector<16xi32>
        %add3A_155 = arith.constant 16 : i32
        %add3A_156 = vector.broadcast %add3A_155 : i32 to vector<16xi32>
        %add3A_157 = arith.addi %xor3A_151, %add3A_156 : vector<16xi32>
        %select_n3A_158 = arith.select %lt3A_154, %add3A_157, %xor3A_151 : vector<16xi1>, vector<16xi32>
        %broadcast_in_dim3A_159 = vector.shape_cast %select_n3A_158 : vector<16xi32> to vector<16x1xi32>
        %gather3A_160 = vector.shape_cast %broadcast_in_dim3A_159 : vector<16x1xi32> to vector<16xi32>
        %gather3A_161 = tpu.dynamic_gather %add3A_148[%gather3A_160] in [0] : vector<16xf32>, vector<16xi32> -> vector<16xf32>
        %add3A_162 = arith.addf %add3A_148, %gather3A_161 : vector<16xf32>
        %xor3A_163 = arith.constant 2 : i32
        %xor3A_164 = vector.broadcast %xor3A_163 : i32 to vector<16xi32>
        %xor3A_165 = arith.xori %iota3A, %xor3A_164 : vector<16xi32>
        %lt3A_166 = arith.constant 0 : i32
        %lt3A_167 = vector.broadcast %lt3A_166 : i32 to vector<16xi32>
        %lt3A_168 = arith.cmpi slt, %xor3A_165, %lt3A_167 : vector<16xi32>
        %add3A_169 = arith.constant 16 : i32
        %add3A_170 = vector.broadcast %add3A_169 : i32 to vector<16xi32>
        %add3A_171 = arith.addi %xor3A_165, %add3A_170 : vector<16xi32>
        %select_n3A_172 = arith.select %lt3A_168, %add3A_171, %xor3A_165 : vector<16xi1>, vector<16xi32>
        %broadcast_in_dim3A_173 = vector.shape_cast %select_n3A_172 : vector<16xi32> to vector<16x1xi32>
        %gather3A_174 = vector.shape_cast %broadcast_in_dim3A_173 : vector<16x1xi32> to vector<16xi32>
        %gather3A_175 = tpu.dynamic_gather %add3A_162[%gather3A_174] in [0] : vector<16xf32>, vector<16xi32> -> vector<16xf32>
        %add3A_176 = arith.addf %add3A_162, %gather3A_175 : vector<16xf32>
        %xor3A_177 = arith.constant 1 : i32
        %xor3A_178 = vector.broadcast %xor3A_177 : i32 to vector<16xi32>
        %xor3A_179 = arith.xori %iota3A, %xor3A_178 : vector<16xi32>
        %lt3A_180 = arith.constant 0 : i32
        %lt3A_181 = vector.broadcast %lt3A_180 : i32 to vector<16xi32>
        %lt3A_182 = arith.cmpi slt, %xor3A_179, %lt3A_181 : vector<16xi32>
        %add3A_183 = arith.constant 16 : i32
        %add3A_184 = vector.broadcast %add3A_183 : i32 to vector<16xi32>
        %add3A_185 = arith.addi %xor3A_179, %add3A_184 : vector<16xi32>
        %select_n3A_186 = arith.select %lt3A_182, %add3A_185, %xor3A_179 : vector<16xi1>, vector<16xi32>
        %broadcast_in_dim3A_187 = vector.shape_cast %select_n3A_186 : vector<16xi32> to vector<16x1xi32>
        %gather3A_188 = vector.shape_cast %broadcast_in_dim3A_187 : vector<16x1xi32> to vector<16xi32>
        %gather3A_189 = tpu.dynamic_gather %add3A_176[%gather3A_188] in [0] : vector<16xf32>, vector<16xi32> -> vector<16xf32>
        %add3A_190 = arith.addf %add3A_176, %gather3A_189 : vector<16xf32>
        %exp3A = math.exp %add3A_190 : vector<16xf32>
        %mul3A_191 = arith.mulf %get3A_83, %exp3A : vector<16xf32>
        %swap3A = arith.index_cast %scan3A_79 : i32 to index
        %swap3A_192 = arith.constant 0 : index
        %swap3A_193 = tpu.vector_load %arg12[%swap3A, %swap3A_192] {strides = array<i32>} : memref<128x80xf32, #tpu.memory_space<vmem>>, vector<1x16xf32>,
        %swap3A_194 = vector.shape_cast %swap3A_193 : vector<1x16xf32> to vector<16xf32>
        %swap3A_195 = vector.shape_cast %mul3A_191 : vector<16xf32> to vector<1x16xf32>
        tpu.vector_store %arg12[%swap3A, %swap3A_192], %swap3A_195 {strides = array<i32>} : memref<128x80xf32, #tpu.memory_space<vmem>>, vector<1x16xf32>,
        %mul3A_196 = arith.mulf %get3A_87, %exp3A : vector<16xf32>
        %swap3A_197 = arith.index_cast %scan3A_79 : i32 to index
        %swap3A_198 = arith.constant 16 : index
        %swap3A_199 = tpu.vector_load %arg12[%swap3A_197, %swap3A_198] {strides = array<i32>} : memref<128x80xf32, #tpu.memory_space<vmem>>, vector<1x16xf32>,
        %swap3A_200 = vector.shape_cast %swap3A_199 : vector<1x16xf32> to vector<16xf32>
        %swap3A_201 = vector.shape_cast %mul3A_196 : vector<16xf32> to vector<1x16xf32>
        tpu.vector_store %arg12[%swap3A_197, %swap3A_198], %swap3A_201 {strides = array<i32>} : memref<128x80xf32, #tpu.memory_space<vmem>>, vector<1x16xf32>,
        %mul3A_202 = arith.mulf %get3A_91, %exp3A : vector<16xf32>
        %swap3A_203 = arith.index_cast %scan3A_79 : i32 to index
        %swap3A_204 = arith.constant 32 : index
        %swap3A_205 = tpu.vector_load %arg12[%swap3A_203, %swap3A_204] {strides = array<i32>} : memref<128x80xf32, #tpu.memory_space<vmem>>, vector<1x16xf32>,
        %swap3A_206 = vector.shape_cast %swap3A_205 : vector<1x16xf32> to vector<16xf32>
        %swap3A_207 = vector.shape_cast %mul3A_202 : vector<16xf32> to vector<1x16xf32>
        tpu.vector_store %arg12[%swap3A_203, %swap3A_204], %swap3A_207 {strides = array<i32>} : memref<128x80xf32, #tpu.memory_space<vmem>>, vector<1x16xf32>,
        %mul3A_208 = arith.mulf %get3A_95, %exp3A : vector<16xf32>
        %swap3A_209 = arith.index_cast %scan3A_79 : i32 to index
        %swap3A_210 = arith.constant 48 : index
        %swap3A_211 = tpu.vector_load %arg12[%swap3A_209, %swap3A_210] {strides = array<i32>} : memref<128x80xf32, #tpu.memory_space<vmem>>, vector<1x16xf32>,
        %swap3A_212 = vector.shape_cast %swap3A_211 : vector<1x16xf32> to vector<16xf32>
        %swap3A_213 = vector.shape_cast %mul3A_208 : vector<16xf32> to vector<1x16xf32>
        tpu.vector_store %arg12[%swap3A_209, %swap3A_210], %swap3A_213 {strides = array<i32>} : memref<128x80xf32, #tpu.memory_space<vmem>>, vector<1x16xf32>,
        %swap3A_214 = arith.index_cast %scan3A_79 : i32 to index
        %swap3A_215 = arith.constant 64 : index
        %swap3A_216 = tpu.vector_load %arg12[%swap3A_214, %swap3A_215] {strides = array<i32>} : memref<128x80xf32, #tpu.memory_space<vmem>>, vector<1x16xf32>,
        %swap3A_217 = vector.shape_cast %swap3A_216 : vector<1x16xf32> to vector<16xf32>
        %swap3A_218 = vector.shape_cast %exp3A : vector<16xf32> to vector<1x16xf32>
        tpu.vector_store %arg12[%swap3A_214, %swap3A_215], %swap3A_218 {strides = array<i32>} : memref<128x80xf32, #tpu.memory_space<vmem>>, vector<1x16xf32>,
      }
      %scan3A_78 = arith.constant 128 : i32
      "tpu.region"() ({
        %run_scoped3A = tpu.sem_alloc : memref<!tpu.dma_semaphore, #tpu.memory_space<semaphore_mem>>
        %dma_start3A_79 = arith.constant 0 : i32
        %dma_start3A_80 = arith.constant 0 : i32
        %dma_start3A_81 = tpu.memref_slice %arg14[%dma_start3A_79, %dma_start3A_80] : memref<10240x80xf32, #tpu.memory_space<vmem_shared>> -> memref<10240x80xf32, #tpu.memory_space<vmem_shared>>
        tpu.enqueue_indirect_dma source(%arg12 : memref<128x80xf32, #tpu.memory_space<vmem>>) target(%dma_start3A_81 : memref<10240x80xf32, #tpu.memory_space<vmem_shared>>) offsets(%arg9 : memref<128xi32, #tpu.memory_space<vmem>>) semaphore(%run_scoped3A : memref<!tpu.dma_semaphore, #tpu.memory_space<semaphore_mem>>) {add = true}
        %dma_wait3A_82 = arith.constant 0 : i32
        %dma_wait3A_83 = arith.constant 0 : i32
        %dma_wait3A_84 = tpu.memref_slice %arg14[%dma_wait3A_82, %dma_wait3A_83] : memref<10240x80xf32, #tpu.memory_space<vmem_shared>> -> memref<10240x80xf32, #tpu.memory_space<vmem_shared>>
        tpu.wait_indirect_dma semaphore(%run_scoped3A : memref<!tpu.dma_semaphore, #tpu.memory_space<semaphore_mem>>) src(%arg12 : memref<128x80xf32, #tpu.memory_space<vmem>>) dst(%dma_wait3A_84 : memref<10240x80xf32, #tpu.memory_space<vmem_shared>>)
        tpu.yield
      }) : () -> ()
    }
    %scan3A_37 = arith.constant 79 : i32
    %barrier3A_38 = arith.constant 0 : index
    tpu.barrier barrier_id(%barrier3A_38)
    %add3A_39 = arith.constant 0 : i32
    %add3A_40 = arith.addi %mul3A_8, %add3A_39 : i32
    %add3A_41 = arith.constant 0 : i32
    %add3A_42 = arith.addi %mul3A_8, %add3A_41 : i32
    "tpu.region"() ({
      %run_scoped3A = tpu.sem_alloc : memref<!tpu.dma_semaphore, #tpu.memory_space<semaphore_mem>>
      %dma_start3A = arith.constant 0 : i32
      %dma_start3A_59 = tpu.memref_slice %arg7[%arg0, %add3A_42, %dma_start3A] : memref<2x10240x80xf32, #tpu.memory_space<hbm>> -> memref<1x128x80xf32, #tpu.memory_space<hbm>>
      %dma_start3A_60 = tpu.memref_squeeze %dma_start3A_59 : memref<1x128x80xf32, #tpu.memory_space<hbm>> -> memref<128x80xf32, #tpu.memory_space<hbm>>
      %dma_start3A_61 = arith.constant 0 : i32
      %dma_start3A_62 = tpu.memref_slice %arg14[%add3A_40, %dma_start3A_61] : memref<10240x80xf32, #tpu.memory_space<vmem_shared>> -> memref<128x80xf32, #tpu.memory_space<vmem_shared>>
      tpu.enqueue_dma source(%dma_start3A_62 : memref<128x80xf32, #tpu.memory_space<vmem_shared>>) target(%dma_start3A_60 : memref<128x80xf32, #tpu.memory_space<hbm>>) target_semaphore(%run_scoped3A : memref<!tpu.dma_semaphore, #tpu.memory_space<semaphore_mem>>)
      %dma_wait3A = arith.constant 0 : i32
      %dma_wait3A_63 = tpu.memref_slice %arg7[%arg0, %add3A_42, %dma_wait3A] : memref<2x10240x80xf32, #tpu.memory_space<hbm>> -> memref<1x128x80xf32, #tpu.memory_space<hbm>>
      %dma_wait3A_64 = tpu.memref_squeeze %dma_wait3A_63 : memref<1x128x80xf32, #tpu.memory_space<hbm>> -> memref<128x80xf32, #tpu.memory_space<hbm>>
      %dma_wait3A_65 = arith.constant 0 : i32
      %dma_wait3A_66 = tpu.memref_slice %arg14[%add3A_40, %dma_wait3A_65] : memref<10240x80xf32, #tpu.memory_space<vmem_shared>> -> memref<128x80xf32, #tpu.memory_space<vmem_shared>>
      tpu.wait_dma2 semaphore(%run_scoped3A : memref<!tpu.dma_semaphore, #tpu.memory_space<semaphore_mem>>) src(%dma_wait3A_66 : memref<128x80xf32, #tpu.memory_space<vmem_shared>>) dst(%dma_wait3A_64 : memref<128x80xf32, #tpu.memory_space<hbm>>)
      tpu.yield
    }) : () -> ()
    %add3A_43 = arith.constant 128 : i32
    %add3A_44 = arith.addi %mul3A_8, %add3A_43 : i32
    %add3A_45 = arith.constant 128 : i32
    %add3A_46 = arith.addi %mul3A_8, %add3A_45 : i32
    "tpu.region"() ({
      %run_scoped3A = tpu.sem_alloc : memref<!tpu.dma_semaphore, #tpu.memory_space<semaphore_mem>>
      %dma_start3A = arith.constant 0 : i32
      %dma_start3A_59 = tpu.memref_slice %arg7[%arg0, %add3A_46, %dma_start3A] : memref<2x10240x80xf32, #tpu.memory_space<hbm>> -> memref<1x128x80xf32, #tpu.memory_space<hbm>>
      %dma_start3A_60 = tpu.memref_squeeze %dma_start3A_59 : memref<1x128x80xf32, #tpu.memory_space<hbm>> -> memref<128x80xf32, #tpu.memory_space<hbm>>
      %dma_start3A_61 = arith.constant 0 : i32
      %dma_start3A_62 = tpu.memref_slice %arg14[%add3A_44, %dma_start3A_61] : memref<10240x80xf32, #tpu.memory_space<vmem_shared>> -> memref<128x80xf32, #tpu.memory_space<vmem_shared>>
      tpu.enqueue_dma source(%dma_start3A_62 : memref<128x80xf32, #tpu.memory_space<vmem_shared>>) target(%dma_start3A_60 : memref<128x80xf32, #tpu.memory_space<hbm>>) target_semaphore(%run_scoped3A : memref<!tpu.dma_semaphore, #tpu.memory_space<semaphore_mem>>)
      %dma_wait3A = arith.constant 0 : i32
      %dma_wait3A_63 = tpu.memref_slice %arg7[%arg0, %add3A_46, %dma_wait3A] : memref<2x10240x80xf32, #tpu.memory_space<hbm>> -> memref<1x128x80xf32, #tpu.memory_space<hbm>>
      %dma_wait3A_64 = tpu.memref_squeeze %dma_wait3A_63 : memref<1x128x80xf32, #tpu.memory_space<hbm>> -> memref<128x80xf32, #tpu.memory_space<hbm>>
      %dma_wait3A_65 = arith.constant 0 : i32
      %dma_wait3A_66 = tpu.memref_slice %arg14[%add3A_44, %dma_wait3A_65] : memref<10240x80xf32, #tpu.memory_space<vmem_shared>> -> memref<128x80xf32, #tpu.memory_space<vmem_shared>>
      tpu.wait_dma2 semaphore(%run_scoped3A : memref<!tpu.dma_semaphore, #tpu.memory_space<semaphore_mem>>) src(%dma_wait3A_66 : memref<128x80xf32, #tpu.memory_space<vmem_shared>>) dst(%dma_wait3A_64 : memref<128x80xf32, #tpu.memory_space<hbm>>)
      tpu.yield
    }) : () -> ()
    %add3A_47 = arith.constant 256 : i32
    %add3A_48 = arith.addi %mul3A_8, %add3A_47 : i32
    %add3A_49 = arith.constant 256 : i32
    %add3A_50 = arith.addi %mul3A_8, %add3A_49 : i32
    "tpu.region"() ({
      %run_scoped3A = tpu.sem_alloc : memref<!tpu.dma_semaphore, #tpu.memory_space<semaphore_mem>>
      %dma_start3A = arith.constant 0 : i32
      %dma_start3A_59 = tpu.memref_slice %arg7[%arg0, %add3A_50, %dma_start3A] : memref<2x10240x80xf32, #tpu.memory_space<hbm>> -> memref<1x128x80xf32, #tpu.memory_space<hbm>>
      %dma_start3A_60 = tpu.memref_squeeze %dma_start3A_59 : memref<1x128x80xf32, #tpu.memory_space<hbm>> -> memref<128x80xf32, #tpu.memory_space<hbm>>
      %dma_start3A_61 = arith.constant 0 : i32
      %dma_start3A_62 = tpu.memref_slice %arg14[%add3A_48, %dma_start3A_61] : memref<10240x80xf32, #tpu.memory_space<vmem_shared>> -> memref<128x80xf32, #tpu.memory_space<vmem_shared>>
      tpu.enqueue_dma source(%dma_start3A_62 : memref<128x80xf32, #tpu.memory_space<vmem_shared>>) target(%dma_start3A_60 : memref<128x80xf32, #tpu.memory_space<hbm>>) target_semaphore(%run_scoped3A : memref<!tpu.dma_semaphore, #tpu.memory_space<semaphore_mem>>)
      %dma_wait3A = arith.constant 0 : i32
      %dma_wait3A_63 = tpu.memref_slice %arg7[%arg0, %add3A_50, %dma_wait3A] : memref<2x10240x80xf32, #tpu.memory_space<hbm>> -> memref<1x128x80xf32, #tpu.memory_space<hbm>>
      %dma_wait3A_64 = tpu.memref_squeeze %dma_wait3A_63 : memref<1x128x80xf32, #tpu.memory_space<hbm>> -> memref<128x80xf32, #tpu.memory_space<hbm>>
      %dma_wait3A_65 = arith.constant 0 : i32
      %dma_wait3A_66 = tpu.memref_slice %arg14[%add3A_48, %dma_wait3A_65] : memref<10240x80xf32, #tpu.memory_space<vmem_shared>> -> memref<128x80xf32, #tpu.memory_space<vmem_shared>>
      tpu.wait_dma2 semaphore(%run_scoped3A : memref<!tpu.dma_semaphore, #tpu.memory_space<semaphore_mem>>) src(%dma_wait3A_66 : memref<128x80xf32, #tpu.memory_space<vmem_shared>>) dst(%dma_wait3A_64 : memref<128x80xf32, #tpu.memory_space<hbm>>)
      tpu.yield
    }) : () -> ()
    %add3A_51 = arith.constant 384 : i32
    %add3A_52 = arith.addi %mul3A_8, %add3A_51 : i32
    %add3A_53 = arith.constant 384 : i32
    %add3A_54 = arith.addi %mul3A_8, %add3A_53 : i32
    "tpu.region"() ({
      %run_scoped3A = tpu.sem_alloc : memref<!tpu.dma_semaphore, #tpu.memory_space<semaphore_mem>>
      %dma_start3A = arith.constant 0 : i32
      %dma_start3A_59 = tpu.memref_slice %arg7[%arg0, %add3A_54, %dma_start3A] : memref<2x10240x80xf32, #tpu.memory_space<hbm>> -> memref<1x128x80xf32, #tpu.memory_space<hbm>>
      %dma_start3A_60 = tpu.memref_squeeze %dma_start3A_59 : memref<1x128x80xf32, #tpu.memory_space<hbm>> -> memref<128x80xf32, #tpu.memory_space<hbm>>
      %dma_start3A_61 = arith.constant 0 : i32
      %dma_start3A_62 = tpu.memref_slice %arg14[%add3A_52, %dma_start3A_61] : memref<10240x80xf32, #tpu.memory_space<vmem_shared>> -> memref<128x80xf32, #tpu.memory_space<vmem_shared>>
      tpu.enqueue_dma source(%dma_start3A_62 : memref<128x80xf32, #tpu.memory_space<vmem_shared>>) target(%dma_start3A_60 : memref<128x80xf32, #tpu.memory_space<hbm>>) target_semaphore(%run_scoped3A : memref<!tpu.dma_semaphore, #tpu.memory_space<semaphore_mem>>)
      %dma_wait3A = arith.constant 0 : i32
      %dma_wait3A_63 = tpu.memref_slice %arg7[%arg0, %add3A_54, %dma_wait3A] : memref<2x10240x80xf32, #tpu.memory_space<hbm>> -> memref<1x128x80xf32, #tpu.memory_space<hbm>>
      %dma_wait3A_64 = tpu.memref_squeeze %dma_wait3A_63 : memref<1x128x80xf32, #tpu.memory_space<hbm>> -> memref<128x80xf32, #tpu.memory_space<hbm>>
      %dma_wait3A_65 = arith.constant 0 : i32
      %dma_wait3A_66 = tpu.memref_slice %arg14[%add3A_52, %dma_wait3A_65] : memref<10240x80xf32, #tpu.memory_space<vmem_shared>> -> memref<128x80xf32, #tpu.memory_space<vmem_shared>>
      tpu.wait_dma2 semaphore(%run_scoped3A : memref<!tpu.dma_semaphore, #tpu.memory_space<semaphore_mem>>) src(%dma_wait3A_66 : memref<128x80xf32, #tpu.memory_space<vmem_shared>>) dst(%dma_wait3A_64 : memref<128x80xf32, #tpu.memory_space<hbm>>)
      tpu.yield
    }) : () -> ()
    %add3A_55 = arith.constant 512 : i32
    %add3A_56 = arith.addi %mul3A_8, %add3A_55 : i32
    %add3A_57 = arith.constant 512 : i32
    %add3A_58 = arith.addi %mul3A_8, %add3A_57 : i32
    "tpu.region"() ({
      %run_scoped3A = tpu.sem_alloc : memref<!tpu.dma_semaphore, #tpu.memory_space<semaphore_mem>>
      %dma_start3A = arith.constant 0 : i32
      %dma_start3A_59 = tpu.memref_slice %arg7[%arg0, %add3A_58, %dma_start3A] : memref<2x10240x80xf32, #tpu.memory_space<hbm>> -> memref<1x128x80xf32, #tpu.memory_space<hbm>>
      %dma_start3A_60 = tpu.memref_squeeze %dma_start3A_59 : memref<1x128x80xf32, #tpu.memory_space<hbm>> -> memref<128x80xf32, #tpu.memory_space<hbm>>
      %dma_start3A_61 = arith.constant 0 : i32
      %dma_start3A_62 = tpu.memref_slice %arg14[%add3A_56, %dma_start3A_61] : memref<10240x80xf32, #tpu.memory_space<vmem_shared>> -> memref<128x80xf32, #tpu.memory_space<vmem_shared>>
      tpu.enqueue_dma source(%dma_start3A_62 : memref<128x80xf32, #tpu.memory_space<vmem_shared>>) target(%dma_start3A_60 : memref<128x80xf32, #tpu.memory_space<hbm>>) target_semaphore(%run_scoped3A : memref<!tpu.dma_semaphore, #tpu.memory_space<semaphore_mem>>)
      %dma_wait3A = arith.constant 0 : i32
      %dma_wait3A_63 = tpu.memref_slice %arg7[%arg0, %add3A_58, %dma_wait3A] : memref<2x10240x80xf32, #tpu.memory_space<hbm>> -> memref<1x128x80xf32, #tpu.memory_space<hbm>>
      %dma_wait3A_64 = tpu.memref_squeeze %dma_wait3A_63 : memref<1x128x80xf32, #tpu.memory_space<hbm>> -> memref<128x80xf32, #tpu.memory_space<hbm>>
      %dma_wait3A_65 = arith.constant 0 : i32
      %dma_wait3A_66 = tpu.memref_slice %arg14[%add3A_56, %dma_wait3A_65] : memref<10240x80xf32, #tpu.memory_space<vmem_shared>> -> memref<128x80xf32, #tpu.memory_space<vmem_shared>>
      tpu.wait_dma2 semaphore(%run_scoped3A : memref<!tpu.dma_semaphore, #tpu.memory_space<semaphore_mem>>) src(%dma_wait3A_66 : memref<128x80xf32, #tpu.memory_space<vmem_shared>>) dst(%dma_wait3A_64 : memref<128x80xf32, #tpu.memory_space<hbm>>)
      tpu.yield
    }) : () -> ()
    return
  }
}

#map = affine_map<(d0, d1) -> (0, 0)>
#map1 = affine_map<(d0, d1) -> (0)>
#map2 = affine_map<(d0, d1) -> (0, 0, 0)>
module attributes {stable_mosaic.version = 14 : i64} {
  func.func @edge_pass(%arg0: i32, %arg1: i32, %arg2: memref<10000x64xf32, #tpu.memory_space<hbm>>, %arg3: memref<10000x64xf32, #tpu.memory_space<hbm>>, %arg4: memref<163840xi32, #tpu.memory_space<hbm>>, %arg5: memref<163840xi32, #tpu.memory_space<hbm>>, %arg6: memref<64xf32, #tpu.memory_space<hbm>>, %arg7: memref<2x10240x80xf32, #tpu.memory_space<hbm>>, %arg8: memref<128xi32, #tpu.memory_space<vmem>>, %arg9: memref<128xi32, #tpu.memory_space<vmem>>, %arg10: memref<128x64xf32, #tpu.memory_space<vmem>>, %arg11: memref<128x64xf32, #tpu.memory_space<vmem>>, %arg12: memref<128x80xf32, #tpu.memory_space<vmem>>, %arg13: memref<64xf32, #tpu.memory_space<vmem>>, %arg14: memref<10240x80xf32, #tpu.memory_space<vmem_shared>>, %arg15: memref<!tpu.dma_semaphore, #tpu.memory_space<semaphore_mem>>) attributes {dimension_semantics = [#tpu.dimension_semantics<core_parallel>, #tpu.dimension_semantics<subcore_parallel>], iteration_bounds = array<i64: 2, 16>, scalar_prefetch = 0 : i64, scratch_operands = 8 : i64, tpu.core_type = #tpu.core_type<sc_vector_subcore>, window_params = [{transform_indices = #map}, {transform_indices = #map}, {transform_indices = #map1}, {transform_indices = #map1}, {transform_indices = #map1}, {transform_indices = #map2}]} {
    %mul3A = arith.constant 16 : i32
    %mul3A_0 = arith.muli %arg0, %mul3A : i32
    %add3A = arith.addi %mul3A_0, %arg1 : i32
    %broadcast_in_dim3A = arith.constant 0.000000e+00 : f32
    %broadcast_in_dim3A_1 = vector.broadcast %broadcast_in_dim3A : f32 to vector<16xf32>
    %scan3A = arith.constant 0 : i32
    %scan3A_2 = arith.constant 0 : i32
    %scan3A_3 = arith.constant 128 : i32
    %scan3A_4 = arith.addi %scan3A_2, %scan3A_3 : i32
    %scan3A_5 = arith.constant 1 : i32
    scf.for %scan3A_59 = %scan3A_2 to %scan3A_4 step %scan3A_5  : i32 {
      %swap3A = arith.index_cast %scan3A_59 : i32 to index
      %swap3A_60 = arith.constant 0 : index
      %swap3A_61 = tpu.vector_load %arg12[%swap3A, %swap3A_60] {strides = array<i32>} : memref<128x80xf32, #tpu.memory_space<vmem>>, vector<1x16xf32>,
      %swap3A_62 = vector.shape_cast %swap3A_61 : vector<1x16xf32> to vector<16xf32>
      %swap3A_63 = vector.shape_cast %broadcast_in_dim3A_1 : vector<16xf32> to vector<1x16xf32>
      tpu.vector_store %arg12[%swap3A, %swap3A_60], %swap3A_63 {strides = array<i32>} : memref<128x80xf32, #tpu.memory_space<vmem>>, vector<1x16xf32>,
      %swap3A_64 = arith.index_cast %scan3A_59 : i32 to index
      %swap3A_65 = arith.constant 16 : index
      %swap3A_66 = tpu.vector_load %arg12[%swap3A_64, %swap3A_65] {strides = array<i32>} : memref<128x80xf32, #tpu.memory_space<vmem>>, vector<1x16xf32>,
      %swap3A_67 = vector.shape_cast %swap3A_66 : vector<1x16xf32> to vector<16xf32>
      %swap3A_68 = vector.shape_cast %broadcast_in_dim3A_1 : vector<16xf32> to vector<1x16xf32>
      tpu.vector_store %arg12[%swap3A_64, %swap3A_65], %swap3A_68 {strides = array<i32>} : memref<128x80xf32, #tpu.memory_space<vmem>>, vector<1x16xf32>,
      %swap3A_69 = arith.index_cast %scan3A_59 : i32 to index
      %swap3A_70 = arith.constant 32 : index
      %swap3A_71 = tpu.vector_load %arg12[%swap3A_69, %swap3A_70] {strides = array<i32>} : memref<128x80xf32, #tpu.memory_space<vmem>>, vector<1x16xf32>,
      %swap3A_72 = vector.shape_cast %swap3A_71 : vector<1x16xf32> to vector<16xf32>
      %swap3A_73 = vector.shape_cast %broadcast_in_dim3A_1 : vector<16xf32> to vector<1x16xf32>
      tpu.vector_store %arg12[%swap3A_69, %swap3A_70], %swap3A_73 {strides = array<i32>} : memref<128x80xf32, #tpu.memory_space<vmem>>, vector<1x16xf32>,
      %swap3A_74 = arith.index_cast %scan3A_59 : i32 to index
      %swap3A_75 = arith.constant 48 : index
      %swap3A_76 = tpu.vector_load %arg12[%swap3A_74, %swap3A_75] {strides = array<i32>} : memref<128x80xf32, #tpu.memory_space<vmem>>, vector<1x16xf32>,
      %swap3A_77 = vector.shape_cast %swap3A_76 : vector<1x16xf32> to vector<16xf32>
      %swap3A_78 = vector.shape_cast %broadcast_in_dim3A_1 : vector<16xf32> to vector<1x16xf32>
      tpu.vector_store %arg12[%swap3A_74, %swap3A_75], %swap3A_78 {strides = array<i32>} : memref<128x80xf32, #tpu.memory_space<vmem>>, vector<1x16xf32>,
      %swap3A_79 = arith.index_cast %scan3A_59 : i32 to index
      %swap3A_80 = arith.constant 64 : index
      %swap3A_81 = tpu.vector_load %arg12[%swap3A_79, %swap3A_80] {strides = array<i32>} : memref<128x80xf32, #tpu.memory_space<vmem>>, vector<1x16xf32>,
      %swap3A_82 = vector.shape_cast %swap3A_81 : vector<1x16xf32> to vector<16xf32>
      %swap3A_83 = vector.shape_cast %broadcast_in_dim3A_1 : vector<16xf32> to vector<1x16xf32>
      tpu.vector_store %arg12[%swap3A_79, %swap3A_80], %swap3A_83 {strides = array<i32>} : memref<128x80xf32, #tpu.memory_space<vmem>>, vector<1x16xf32>,
    }
    %scan3A_6 = arith.constant 128 : i32
    %mul3A_7 = arith.constant 640 : i32
    %mul3A_8 = arith.muli %arg1, %mul3A_7 : i32
    %add3A_9 = arith.constant 0 : i32
    %add3A_10 = arith.addi %mul3A_8, %add3A_9 : i32
    "tpu.region"() ({
      %run_scoped3A = tpu.sem_alloc : memref<!tpu.dma_semaphore, #tpu.memory_space<semaphore_mem>>
      %dma_start3A = arith.constant 0 : i32
      %dma_start3A_59 = arith.constant 0 : i32
      %dma_start3A_60 = tpu.memref_slice %arg12[%dma_start3A, %dma_start3A_59] : memref<128x80xf32, #tpu.memory_space<vmem>> -> memref<128x80xf32, #tpu.memory_space<vmem>>
      %dma_start3A_61 = arith.constant 0 : i32
      %dma_start3A_62 = tpu.memref_slice %arg14[%add3A_10, %dma_start3A_61] : memref<10240x80xf32, #tpu.memory_space<vmem_shared>> -> memref<128x80xf32, #tpu.memory_space<vmem_shared>>
      %dma_start3A_63 = arith.constant 0 : i32
      %dma_start3A_64 = tpu.memref_slice %arg14[%add3A_10, %dma_start3A_63] : memref<10240x80xf32, #tpu.memory_space<vmem_shared>> -> memref<128x80xf32, #tpu.memory_space<vmem_shared>>
      %dma_start3A_65 = arith.constant 0 : i32
      %dma_start3A_66 = arith.constant 0 : i32
      %dma_start3A_67 = tpu.memref_slice %arg12[%dma_start3A_65, %dma_start3A_66] : memref<128x80xf32, #tpu.memory_space<vmem>> -> memref<128x80xf32, #tpu.memory_space<vmem>>
      tpu.enqueue_dma source(%dma_start3A_67 : memref<128x80xf32, #tpu.memory_space<vmem>>) target(%dma_start3A_64 : memref<128x80xf32, #tpu.memory_space<vmem_shared>>) target_semaphore(%run_scoped3A : memref<!tpu.dma_semaphore, #tpu.memory_space<semaphore_mem>>)
      %dma_wait3A = arith.constant 0 : i32
      %dma_wait3A_68 = arith.constant 0 : i32
      %dma_wait3A_69 = tpu.memref_slice %arg12[%dma_wait3A, %dma_wait3A_68] : memref<128x80xf32, #tpu.memory_space<vmem>> -> memref<128x80xf32, #tpu.memory_space<vmem>>
      %dma_wait3A_70 = arith.constant 0 : i32
      %dma_wait3A_71 = tpu.memref_slice %arg14[%add3A_10, %dma_wait3A_70] : memref<10240x80xf32, #tpu.memory_space<vmem_shared>> -> memref<128x80xf32, #tpu.memory_space<vmem_shared>>
      %dma_wait3A_72 = arith.constant 0 : i32
      %dma_wait3A_73 = tpu.memref_slice %arg14[%add3A_10, %dma_wait3A_72] : memref<10240x80xf32, #tpu.memory_space<vmem_shared>> -> memref<128x80xf32, #tpu.memory_space<vmem_shared>>
      %dma_wait3A_74 = arith.constant 0 : i32
      %dma_wait3A_75 = arith.constant 0 : i32
      %dma_wait3A_76 = tpu.memref_slice %arg12[%dma_wait3A_74, %dma_wait3A_75] : memref<128x80xf32, #tpu.memory_space<vmem>> -> memref<128x80xf32, #tpu.memory_space<vmem>>
      tpu.wait_dma2 semaphore(%run_scoped3A : memref<!tpu.dma_semaphore, #tpu.memory_space<semaphore_mem>>) src(%dma_wait3A_76 : memref<128x80xf32, #tpu.memory_space<vmem>>) dst(%dma_wait3A_73 : memref<128x80xf32, #tpu.memory_space<vmem_shared>>)
      tpu.yield
    }) : () -> ()
    %add3A_11 = arith.constant 128 : i32
    %add3A_12 = arith.addi %mul3A_8, %add3A_11 : i32
    "tpu.region"() ({
      %run_scoped3A = tpu.sem_alloc : memref<!tpu.dma_semaphore, #tpu.memory_space<semaphore_mem>>
      %dma_start3A = arith.constant 0 : i32
      %dma_start3A_59 = arith.constant 0 : i32
      %dma_start3A_60 = tpu.memref_slice %arg12[%dma_start3A, %dma_start3A_59] : memref<128x80xf32, #tpu.memory_space<vmem>> -> memref<128x80xf32, #tpu.memory_space<vmem>>
      %dma_start3A_61 = arith.constant 0 : i32
      %dma_start3A_62 = tpu.memref_slice %arg14[%add3A_12, %dma_start3A_61] : memref<10240x80xf32, #tpu.memory_space<vmem_shared>> -> memref<128x80xf32, #tpu.memory_space<vmem_shared>>
      %dma_start3A_63 = arith.constant 0 : i32
      %dma_start3A_64 = tpu.memref_slice %arg14[%add3A_12, %dma_start3A_63] : memref<10240x80xf32, #tpu.memory_space<vmem_shared>> -> memref<128x80xf32, #tpu.memory_space<vmem_shared>>
      %dma_start3A_65 = arith.constant 0 : i32
      %dma_start3A_66 = arith.constant 0 : i32
      %dma_start3A_67 = tpu.memref_slice %arg12[%dma_start3A_65, %dma_start3A_66] : memref<128x80xf32, #tpu.memory_space<vmem>> -> memref<128x80xf32, #tpu.memory_space<vmem>>
      tpu.enqueue_dma source(%dma_start3A_67 : memref<128x80xf32, #tpu.memory_space<vmem>>) target(%dma_start3A_64 : memref<128x80xf32, #tpu.memory_space<vmem_shared>>) target_semaphore(%run_scoped3A : memref<!tpu.dma_semaphore, #tpu.memory_space<semaphore_mem>>)
      %dma_wait3A = arith.constant 0 : i32
      %dma_wait3A_68 = arith.constant 0 : i32
      %dma_wait3A_69 = tpu.memref_slice %arg12[%dma_wait3A, %dma_wait3A_68] : memref<128x80xf32, #tpu.memory_space<vmem>> -> memref<128x80xf32, #tpu.memory_space<vmem>>
      %dma_wait3A_70 = arith.constant 0 : i32
      %dma_wait3A_71 = tpu.memref_slice %arg14[%add3A_12, %dma_wait3A_70] : memref<10240x80xf32, #tpu.memory_space<vmem_shared>> -> memref<128x80xf32, #tpu.memory_space<vmem_shared>>
      %dma_wait3A_72 = arith.constant 0 : i32
      %dma_wait3A_73 = tpu.memref_slice %arg14[%add3A_12, %dma_wait3A_72] : memref<10240x80xf32, #tpu.memory_space<vmem_shared>> -> memref<128x80xf32, #tpu.memory_space<vmem_shared>>
      %dma_wait3A_74 = arith.constant 0 : i32
      %dma_wait3A_75 = arith.constant 0 : i32
      %dma_wait3A_76 = tpu.memref_slice %arg12[%dma_wait3A_74, %dma_wait3A_75] : memref<128x80xf32, #tpu.memory_space<vmem>> -> memref<128x80xf32, #tpu.memory_space<vmem>>
      tpu.wait_dma2 semaphore(%run_scoped3A : memref<!tpu.dma_semaphore, #tpu.memory_space<semaphore_mem>>) src(%dma_wait3A_76 : memref<128x80xf32, #tpu.memory_space<vmem>>) dst(%dma_wait3A_73 : memref<128x80xf32, #tpu.memory_space<vmem_shared>>)
      tpu.yield
    }) : () -> ()
    %add3A_13 = arith.constant 256 : i32
    %add3A_14 = arith.addi %mul3A_8, %add3A_13 : i32
    "tpu.region"() ({
      %run_scoped3A = tpu.sem_alloc : memref<!tpu.dma_semaphore, #tpu.memory_space<semaphore_mem>>
      %dma_start3A = arith.constant 0 : i32
      %dma_start3A_59 = arith.constant 0 : i32
      %dma_start3A_60 = tpu.memref_slice %arg12[%dma_start3A, %dma_start3A_59] : memref<128x80xf32, #tpu.memory_space<vmem>> -> memref<128x80xf32, #tpu.memory_space<vmem>>
      %dma_start3A_61 = arith.constant 0 : i32
      %dma_start3A_62 = tpu.memref_slice %arg14[%add3A_14, %dma_start3A_61] : memref<10240x80xf32, #tpu.memory_space<vmem_shared>> -> memref<128x80xf32, #tpu.memory_space<vmem_shared>>
      %dma_start3A_63 = arith.constant 0 : i32
      %dma_start3A_64 = tpu.memref_slice %arg14[%add3A_14, %dma_start3A_63] : memref<10240x80xf32, #tpu.memory_space<vmem_shared>> -> memref<128x80xf32, #tpu.memory_space<vmem_shared>>
      %dma_start3A_65 = arith.constant 0 : i32
      %dma_start3A_66 = arith.constant 0 : i32
      %dma_start3A_67 = tpu.memref_slice %arg12[%dma_start3A_65, %dma_start3A_66] : memref<128x80xf32, #tpu.memory_space<vmem>> -> memref<128x80xf32, #tpu.memory_space<vmem>>
      tpu.enqueue_dma source(%dma_start3A_67 : memref<128x80xf32, #tpu.memory_space<vmem>>) target(%dma_start3A_64 : memref<128x80xf32, #tpu.memory_space<vmem_shared>>) target_semaphore(%run_scoped3A : memref<!tpu.dma_semaphore, #tpu.memory_space<semaphore_mem>>)
      %dma_wait3A = arith.constant 0 : i32
      %dma_wait3A_68 = arith.constant 0 : i32
      %dma_wait3A_69 = tpu.memref_slice %arg12[%dma_wait3A, %dma_wait3A_68] : memref<128x80xf32, #tpu.memory_space<vmem>> -> memref<128x80xf32, #tpu.memory_space<vmem>>
      %dma_wait3A_70 = arith.constant 0 : i32
      %dma_wait3A_71 = tpu.memref_slice %arg14[%add3A_14, %dma_wait3A_70] : memref<10240x80xf32, #tpu.memory_space<vmem_shared>> -> memref<128x80xf32, #tpu.memory_space<vmem_shared>>
      %dma_wait3A_72 = arith.constant 0 : i32
      %dma_wait3A_73 = tpu.memref_slice %arg14[%add3A_14, %dma_wait3A_72] : memref<10240x80xf32, #tpu.memory_space<vmem_shared>> -> memref<128x80xf32, #tpu.memory_space<vmem_shared>>
      %dma_wait3A_74 = arith.constant 0 : i32
      %dma_wait3A_75 = arith.constant 0 : i32
      %dma_wait3A_76 = tpu.memref_slice %arg12[%dma_wait3A_74, %dma_wait3A_75] : memref<128x80xf32, #tpu.memory_space<vmem>> -> memref<128x80xf32, #tpu.memory_space<vmem>>
      tpu.wait_dma2 semaphore(%run_scoped3A : memref<!tpu.dma_semaphore, #tpu.memory_space<semaphore_mem>>) src(%dma_wait3A_76 : memref<128x80xf32, #tpu.memory_space<vmem>>) dst(%dma_wait3A_73 : memref<128x80xf32, #tpu.memory_space<vmem_shared>>)
      tpu.yield
    }) : () -> ()
    %add3A_15 = arith.constant 384 : i32
    %add3A_16 = arith.addi %mul3A_8, %add3A_15 : i32
    "tpu.region"() ({
      %run_scoped3A = tpu.sem_alloc : memref<!tpu.dma_semaphore, #tpu.memory_space<semaphore_mem>>
      %dma_start3A = arith.constant 0 : i32
      %dma_start3A_59 = arith.constant 0 : i32
      %dma_start3A_60 = tpu.memref_slice %arg12[%dma_start3A, %dma_start3A_59] : memref<128x80xf32, #tpu.memory_space<vmem>> -> memref<128x80xf32, #tpu.memory_space<vmem>>
      %dma_start3A_61 = arith.constant 0 : i32
      %dma_start3A_62 = tpu.memref_slice %arg14[%add3A_16, %dma_start3A_61] : memref<10240x80xf32, #tpu.memory_space<vmem_shared>> -> memref<128x80xf32, #tpu.memory_space<vmem_shared>>
      %dma_start3A_63 = arith.constant 0 : i32
      %dma_start3A_64 = tpu.memref_slice %arg14[%add3A_16, %dma_start3A_63] : memref<10240x80xf32, #tpu.memory_space<vmem_shared>> -> memref<128x80xf32, #tpu.memory_space<vmem_shared>>
      %dma_start3A_65 = arith.constant 0 : i32
      %dma_start3A_66 = arith.constant 0 : i32
      %dma_start3A_67 = tpu.memref_slice %arg12[%dma_start3A_65, %dma_start3A_66] : memref<128x80xf32, #tpu.memory_space<vmem>> -> memref<128x80xf32, #tpu.memory_space<vmem>>
      tpu.enqueue_dma source(%dma_start3A_67 : memref<128x80xf32, #tpu.memory_space<vmem>>) target(%dma_start3A_64 : memref<128x80xf32, #tpu.memory_space<vmem_shared>>) target_semaphore(%run_scoped3A : memref<!tpu.dma_semaphore, #tpu.memory_space<semaphore_mem>>)
      %dma_wait3A = arith.constant 0 : i32
      %dma_wait3A_68 = arith.constant 0 : i32
      %dma_wait3A_69 = tpu.memref_slice %arg12[%dma_wait3A, %dma_wait3A_68] : memref<128x80xf32, #tpu.memory_space<vmem>> -> memref<128x80xf32, #tpu.memory_space<vmem>>
      %dma_wait3A_70 = arith.constant 0 : i32
      %dma_wait3A_71 = tpu.memref_slice %arg14[%add3A_16, %dma_wait3A_70] : memref<10240x80xf32, #tpu.memory_space<vmem_shared>> -> memref<128x80xf32, #tpu.memory_space<vmem_shared>>
      %dma_wait3A_72 = arith.constant 0 : i32
      %dma_wait3A_73 = tpu.memref_slice %arg14[%add3A_16, %dma_wait3A_72] : memref<10240x80xf32, #tpu.memory_space<vmem_shared>> -> memref<128x80xf32, #tpu.memory_space<vmem_shared>>
      %dma_wait3A_74 = arith.constant 0 : i32
      %dma_wait3A_75 = arith.constant 0 : i32
      %dma_wait3A_76 = tpu.memref_slice %arg12[%dma_wait3A_74, %dma_wait3A_75] : memref<128x80xf32, #tpu.memory_space<vmem>> -> memref<128x80xf32, #tpu.memory_space<vmem>>
      tpu.wait_dma2 semaphore(%run_scoped3A : memref<!tpu.dma_semaphore, #tpu.memory_space<semaphore_mem>>) src(%dma_wait3A_76 : memref<128x80xf32, #tpu.memory_space<vmem>>) dst(%dma_wait3A_73 : memref<128x80xf32, #tpu.memory_space<vmem_shared>>)
      tpu.yield
    }) : () -> ()
    %add3A_17 = arith.constant 512 : i32
    %add3A_18 = arith.addi %mul3A_8, %add3A_17 : i32
    "tpu.region"() ({
      %run_scoped3A = tpu.sem_alloc : memref<!tpu.dma_semaphore, #tpu.memory_space<semaphore_mem>>
      %dma_start3A = arith.constant 0 : i32
      %dma_start3A_59 = arith.constant 0 : i32
      %dma_start3A_60 = tpu.memref_slice %arg12[%dma_start3A, %dma_start3A_59] : memref<128x80xf32, #tpu.memory_space<vmem>> -> memref<128x80xf32, #tpu.memory_space<vmem>>
      %dma_start3A_61 = arith.constant 0 : i32
      %dma_start3A_62 = tpu.memref_slice %arg14[%add3A_18, %dma_start3A_61] : memref<10240x80xf32, #tpu.memory_space<vmem_shared>> -> memref<128x80xf32, #tpu.memory_space<vmem_shared>>
      %dma_start3A_63 = arith.constant 0 : i32
      %dma_start3A_64 = tpu.memref_slice %arg14[%add3A_18, %dma_start3A_63] : memref<10240x80xf32, #tpu.memory_space<vmem_shared>> -> memref<128x80xf32, #tpu.memory_space<vmem_shared>>
      %dma_start3A_65 = arith.constant 0 : i32
      %dma_start3A_66 = arith.constant 0 : i32
      %dma_start3A_67 = tpu.memref_slice %arg12[%dma_start3A_65, %dma_start3A_66] : memref<128x80xf32, #tpu.memory_space<vmem>> -> memref<128x80xf32, #tpu.memory_space<vmem>>
      tpu.enqueue_dma source(%dma_start3A_67 : memref<128x80xf32, #tpu.memory_space<vmem>>) target(%dma_start3A_64 : memref<128x80xf32, #tpu.memory_space<vmem_shared>>) target_semaphore(%run_scoped3A : memref<!tpu.dma_semaphore, #tpu.memory_space<semaphore_mem>>)
      %dma_wait3A = arith.constant 0 : i32
      %dma_wait3A_68 = arith.constant 0 : i32
      %dma_wait3A_69 = tpu.memref_slice %arg12[%dma_wait3A, %dma_wait3A_68] : memref<128x80xf32, #tpu.memory_space<vmem>> -> memref<128x80xf32, #tpu.memory_space<vmem>>
      %dma_wait3A_70 = arith.constant 0 : i32
      %dma_wait3A_71 = tpu.memref_slice %arg14[%add3A_18, %dma_wait3A_70] : memref<10240x80xf32, #tpu.memory_space<vmem_shared>> -> memref<128x80xf32, #tpu.memory_space<vmem_shared>>
      %dma_wait3A_72 = arith.constant 0 : i32
      %dma_wait3A_73 = tpu.memref_slice %arg14[%add3A_18, %dma_wait3A_72] : memref<10240x80xf32, #tpu.memory_space<vmem_shared>> -> memref<128x80xf32, #tpu.memory_space<vmem_shared>>
      %dma_wait3A_74 = arith.constant 0 : i32
      %dma_wait3A_75 = arith.constant 0 : i32
      %dma_wait3A_76 = tpu.memref_slice %arg12[%dma_wait3A_74, %dma_wait3A_75] : memref<128x80xf32, #tpu.memory_space<vmem>> -> memref<128x80xf32, #tpu.memory_space<vmem>>
      tpu.wait_dma2 semaphore(%run_scoped3A : memref<!tpu.dma_semaphore, #tpu.memory_space<semaphore_mem>>) src(%dma_wait3A_76 : memref<128x80xf32, #tpu.memory_space<vmem>>) dst(%dma_wait3A_73 : memref<128x80xf32, #tpu.memory_space<vmem_shared>>)
      tpu.yield
    }) : () -> ()
    "tpu.region"() ({
      %run_scoped3A = tpu.sem_alloc : memref<!tpu.dma_semaphore, #tpu.memory_space<semaphore_mem>>
      tpu.enqueue_dma source(%arg6 : memref<64xf32, #tpu.memory_space<hbm>>) target(%arg13 : memref<64xf32, #tpu.memory_space<vmem>>) target_semaphore(%run_scoped3A : memref<!tpu.dma_semaphore, #tpu.memory_space<semaphore_mem>>)
      tpu.wait_dma2 semaphore(%run_scoped3A : memref<!tpu.dma_semaphore, #tpu.memory_space<semaphore_mem>>) src(%arg6 : memref<64xf32, #tpu.memory_space<hbm>>) dst(%arg13 : memref<64xf32, #tpu.memory_space<vmem>>)
      tpu.yield
    }) : () -> ()
    %barrier3A = arith.constant 0 : index
    tpu.barrier barrier_id(%barrier3A)
    %get3A = arith.constant 0 : index
    %get3A_19 = tpu.vector_load %arg13[%get3A] {strides = array<i32>} : memref<64xf32, #tpu.memory_space<vmem>>, vector<16xf32>,
    %get3A_20 = vector.shape_cast %get3A_19 : vector<16xf32> to vector<16xf32>
    %get3A_21 = arith.constant 16 : index
    %get3A_22 = tpu.vector_load %arg13[%get3A_21] {strides = array<i32>} : memref<64xf32, #tpu.memory_space<vmem>>, vector<16xf32>,
    %get3A_23 = vector.shape_cast %get3A_22 : vector<16xf32> to vector<16xf32>
    %get3A_24 = arith.constant 32 : index
    %get3A_25 = tpu.vector_load %arg13[%get3A_24] {strides = array<i32>} : memref<64xf32, #tpu.memory_space<vmem>>, vector<16xf32>,
    %get3A_26 = vector.shape_cast %get3A_25 : vector<16xf32> to vector<16xf32>
    %get3A_27 = arith.constant 48 : index
    %get3A_28 = tpu.vector_load %arg13[%get3A_27] {strides = array<i32>} : memref<64xf32, #tpu.memory_space<vmem>>, vector<16xf32>,
    %get3A_29 = vector.shape_cast %get3A_28 : vector<16xf32> to vector<16xf32>
    %mul3A_30 = arith.constant 5120 : i32
    %mul3A_31 = arith.muli %add3A, %mul3A_30 : i32
    %iota3A = tpu.iota {dimensions = array<i32: 0>} : vector<16xi32>
    %scan3A_32 = arith.constant 0 : i32
    %scan3A_33 = arith.constant 0 : i32
    %scan3A_34 = arith.constant 40 : i32
    %scan3A_35 = arith.addi %scan3A_33, %scan3A_34 : i32
    %scan3A_36 = arith.constant 1 : i32
    scf.for %scan3A_59 = %scan3A_33 to %scan3A_35 step %scan3A_36  : i32 {
      %mul3A_60 = arith.constant 128 : i32
      %mul3A_61 = arith.muli %scan3A_59, %mul3A_60 : i32
      %add3A_62 = arith.addi %mul3A_31, %mul3A_61 : i32
      %multiple_of3A = tpu.assume_multiple %add3A_62, 8 : i32
      "tpu.region"() ({
        %run_scoped3A = tpu.sem_alloc : memref<!tpu.dma_semaphore, #tpu.memory_space<semaphore_mem>>
        %dma_start3A_79 = tpu.memref_slice %arg4[%multiple_of3A] : memref<163840xi32, #tpu.memory_space<hbm>> -> memref<128xi32, #tpu.memory_space<hbm>>
        %dma_start3A_80 = tpu.memref_slice %arg4[%multiple_of3A] : memref<163840xi32, #tpu.memory_space<hbm>> -> memref<128xi32, #tpu.memory_space<hbm>>
        tpu.enqueue_dma source(%dma_start3A_80 : memref<128xi32, #tpu.memory_space<hbm>>) target(%arg8 : memref<128xi32, #tpu.memory_space<vmem>>) target_semaphore(%run_scoped3A : memref<!tpu.dma_semaphore, #tpu.memory_space<semaphore_mem>>)
        %dma_wait3A_81 = tpu.memref_slice %arg4[%multiple_of3A] : memref<163840xi32, #tpu.memory_space<hbm>> -> memref<128xi32, #tpu.memory_space<hbm>>
        %dma_wait3A_82 = tpu.memref_slice %arg4[%multiple_of3A] : memref<163840xi32, #tpu.memory_space<hbm>> -> memref<128xi32, #tpu.memory_space<hbm>>
        tpu.wait_dma2 semaphore(%run_scoped3A : memref<!tpu.dma_semaphore, #tpu.memory_space<semaphore_mem>>) src(%dma_wait3A_82 : memref<128xi32, #tpu.memory_space<hbm>>) dst(%arg8 : memref<128xi32, #tpu.memory_space<vmem>>)
        tpu.yield
      }) : () -> ()
      "tpu.region"() ({
        %run_scoped3A = tpu.sem_alloc : memref<!tpu.dma_semaphore, #tpu.memory_space<semaphore_mem>>
        %dma_start3A_79 = tpu.memref_slice %arg5[%multiple_of3A] : memref<163840xi32, #tpu.memory_space<hbm>> -> memref<128xi32, #tpu.memory_space<hbm>>
        %dma_start3A_80 = tpu.memref_slice %arg5[%multiple_of3A] : memref<163840xi32, #tpu.memory_space<hbm>> -> memref<128xi32, #tpu.memory_space<hbm>>
        tpu.enqueue_dma source(%dma_start3A_80 : memref<128xi32, #tpu.memory_space<hbm>>) target(%arg9 : memref<128xi32, #tpu.memory_space<vmem>>) target_semaphore(%run_scoped3A : memref<!tpu.dma_semaphore, #tpu.memory_space<semaphore_mem>>)
        %dma_wait3A_81 = tpu.memref_slice %arg5[%multiple_of3A] : memref<163840xi32, #tpu.memory_space<hbm>> -> memref<128xi32, #tpu.memory_space<hbm>>
        %dma_wait3A_82 = tpu.memref_slice %arg5[%multiple_of3A] : memref<163840xi32, #tpu.memory_space<hbm>> -> memref<128xi32, #tpu.memory_space<hbm>>
        tpu.wait_dma2 semaphore(%run_scoped3A : memref<!tpu.dma_semaphore, #tpu.memory_space<semaphore_mem>>) src(%dma_wait3A_82 : memref<128xi32, #tpu.memory_space<hbm>>) dst(%arg9 : memref<128xi32, #tpu.memory_space<vmem>>)
        tpu.yield
      }) : () -> ()
      %dma_start3A = arith.constant 0 : i32
      %dma_start3A_63 = arith.constant 0 : i32
      %dma_start3A_64 = tpu.memref_slice %arg2[%dma_start3A, %dma_start3A_63] : memref<10000x64xf32, #tpu.memory_space<hbm>> -> memref<10000x64xf32, #tpu.memory_space<hbm>>
      tpu.enqueue_indirect_dma source(%dma_start3A_64 : memref<10000x64xf32, #tpu.memory_space<hbm>>) target(%arg10 : memref<128x64xf32, #tpu.memory_space<vmem>>) offsets(%arg8 : memref<128xi32, #tpu.memory_space<vmem>>) semaphore(%arg15 : memref<!tpu.dma_semaphore, #tpu.memory_space<semaphore_mem>>)
      %dma_wait3A = arith.constant 0 : i32
      %dma_wait3A_65 = arith.constant 0 : i32
      %dma_wait3A_66 = tpu.memref_slice %arg2[%dma_wait3A, %dma_wait3A_65] : memref<10000x64xf32, #tpu.memory_space<hbm>> -> memref<10000x64xf32, #tpu.memory_space<hbm>>
      tpu.wait_indirect_dma semaphore(%arg15 : memref<!tpu.dma_semaphore, #tpu.memory_space<semaphore_mem>>) src(%dma_wait3A_66 : memref<10000x64xf32, #tpu.memory_space<hbm>>) dst(%arg10 : memref<128x64xf32, #tpu.memory_space<vmem>>)
      %dma_start3A_67 = arith.constant 0 : i32
      %dma_start3A_68 = arith.constant 0 : i32
      %dma_start3A_69 = tpu.memref_slice %arg3[%dma_start3A_67, %dma_start3A_68] : memref<10000x64xf32, #tpu.memory_space<hbm>> -> memref<10000x64xf32, #tpu.memory_space<hbm>>
      tpu.enqueue_indirect_dma source(%dma_start3A_69 : memref<10000x64xf32, #tpu.memory_space<hbm>>) target(%arg11 : memref<128x64xf32, #tpu.memory_space<vmem>>) offsets(%arg9 : memref<128xi32, #tpu.memory_space<vmem>>) semaphore(%arg15 : memref<!tpu.dma_semaphore, #tpu.memory_space<semaphore_mem>>)
      %dma_wait3A_70 = arith.constant 0 : i32
      %dma_wait3A_71 = arith.constant 0 : i32
      %dma_wait3A_72 = tpu.memref_slice %arg3[%dma_wait3A_70, %dma_wait3A_71] : memref<10000x64xf32, #tpu.memory_space<hbm>> -> memref<10000x64xf32, #tpu.memory_space<hbm>>
      tpu.wait_indirect_dma semaphore(%arg15 : memref<!tpu.dma_semaphore, #tpu.memory_space<semaphore_mem>>) src(%dma_wait3A_72 : memref<10000x64xf32, #tpu.memory_space<hbm>>) dst(%arg11 : memref<128x64xf32, #tpu.memory_space<vmem>>)
      %scan3A_73 = arith.constant 0 : i32
      %scan3A_74 = arith.constant 0 : i32
      %scan3A_75 = arith.constant 128 : i32
      %scan3A_76 = arith.addi %scan3A_74, %scan3A_75 : i32
      %scan3A_77 = arith.constant 1 : i32
      scf.for %scan3A_79 = %scan3A_74 to %scan3A_76 step %scan3A_77  : i32 {
        %get3A_80 = arith.index_cast %scan3A_79 : i32 to index
        %get3A_81 = arith.constant 0 : index
        %get3A_82 = tpu.vector_load %arg10[%get3A_80, %get3A_81] {strides = array<i32>} : memref<128x64xf32, #tpu.memory_space<vmem>>, vector<1x16xf32>,
        %get3A_83 = vector.shape_cast %get3A_82 : vector<1x16xf32> to vector<16xf32>
        %get3A_84 = arith.index_cast %scan3A_79 : i32 to index
        %get3A_85 = arith.constant 16 : index
        %get3A_86 = tpu.vector_load %arg10[%get3A_84, %get3A_85] {strides = array<i32>} : memref<128x64xf32, #tpu.memory_space<vmem>>, vector<1x16xf32>,
        %get3A_87 = vector.shape_cast %get3A_86 : vector<1x16xf32> to vector<16xf32>
        %get3A_88 = arith.index_cast %scan3A_79 : i32 to index
        %get3A_89 = arith.constant 32 : index
        %get3A_90 = tpu.vector_load %arg10[%get3A_88, %get3A_89] {strides = array<i32>} : memref<128x64xf32, #tpu.memory_space<vmem>>, vector<1x16xf32>,
        %get3A_91 = vector.shape_cast %get3A_90 : vector<1x16xf32> to vector<16xf32>
        %get3A_92 = arith.index_cast %scan3A_79 : i32 to index
        %get3A_93 = arith.constant 48 : index
        %get3A_94 = tpu.vector_load %arg10[%get3A_92, %get3A_93] {strides = array<i32>} : memref<128x64xf32, #tpu.memory_space<vmem>>, vector<1x16xf32>,
        %get3A_95 = vector.shape_cast %get3A_94 : vector<1x16xf32> to vector<16xf32>
        %get3A_96 = arith.index_cast %scan3A_79 : i32 to index
        %get3A_97 = arith.constant 0 : index
        %get3A_98 = tpu.vector_load %arg11[%get3A_96, %get3A_97] {strides = array<i32>} : memref<128x64xf32, #tpu.memory_space<vmem>>, vector<1x16xf32>,
        %get3A_99 = vector.shape_cast %get3A_98 : vector<1x16xf32> to vector<16xf32>
        %add3A_100 = arith.addf %get3A_83, %get3A_99 : vector<16xf32>
        %mul3A_101 = arith.constant 2.000000e-01 : f32
        %mul3A_102 = vector.broadcast %mul3A_101 : f32 to vector<16xf32>
        %mul3A_103 = arith.mulf %mul3A_102, %add3A_100 : vector<16xf32>
        %max3A = arith.maximumf %add3A_100, %mul3A_103 : vector<16xf32>
        %mul3A_104 = arith.mulf %get3A_20, %max3A : vector<16xf32>
        %add3A_105 = arith.addf %broadcast_in_dim3A_1, %mul3A_104 : vector<16xf32>
        %get3A_106 = arith.index_cast %scan3A_79 : i32 to index
        %get3A_107 = arith.constant 16 : index
        %get3A_108 = tpu.vector_load %arg11[%get3A_106, %get3A_107] {strides = array<i32>} : memref<128x64xf32, #tpu.memory_space<vmem>>, vector<1x16xf32>,
        %get3A_109 = vector.shape_cast %get3A_108 : vector<1x16xf32> to vector<16xf32>
        %add3A_110 = arith.addf %get3A_87, %get3A_109 : vector<16xf32>
        %mul3A_111 = arith.constant 2.000000e-01 : f32
        %mul3A_112 = vector.broadcast %mul3A_111 : f32 to vector<16xf32>
        %mul3A_113 = arith.mulf %mul3A_112, %add3A_110 : vector<16xf32>
        %max3A_114 = arith.maximumf %add3A_110, %mul3A_113 : vector<16xf32>
        %mul3A_115 = arith.mulf %get3A_23, %max3A_114 : vector<16xf32>
        %add3A_116 = arith.addf %add3A_105, %mul3A_115 : vector<16xf32>
        %get3A_117 = arith.index_cast %scan3A_79 : i32 to index
        %get3A_118 = arith.constant 32 : index
        %get3A_119 = tpu.vector_load %arg11[%get3A_117, %get3A_118] {strides = array<i32>} : memref<128x64xf32, #tpu.memory_space<vmem>>, vector<1x16xf32>,
        %get3A_120 = vector.shape_cast %get3A_119 : vector<1x16xf32> to vector<16xf32>
        %add3A_121 = arith.addf %get3A_91, %get3A_120 : vector<16xf32>
        %mul3A_122 = arith.constant 2.000000e-01 : f32
        %mul3A_123 = vector.broadcast %mul3A_122 : f32 to vector<16xf32>
        %mul3A_124 = arith.mulf %mul3A_123, %add3A_121 : vector<16xf32>
        %max3A_125 = arith.maximumf %add3A_121, %mul3A_124 : vector<16xf32>
        %mul3A_126 = arith.mulf %get3A_26, %max3A_125 : vector<16xf32>
        %add3A_127 = arith.addf %add3A_116, %mul3A_126 : vector<16xf32>
        %get3A_128 = arith.index_cast %scan3A_79 : i32 to index
        %get3A_129 = arith.constant 48 : index
        %get3A_130 = tpu.vector_load %arg11[%get3A_128, %get3A_129] {strides = array<i32>} : memref<128x64xf32, #tpu.memory_space<vmem>>, vector<1x16xf32>,
        %get3A_131 = vector.shape_cast %get3A_130 : vector<1x16xf32> to vector<16xf32>
        %add3A_132 = arith.addf %get3A_95, %get3A_131 : vector<16xf32>
        %mul3A_133 = arith.constant 2.000000e-01 : f32
        %mul3A_134 = vector.broadcast %mul3A_133 : f32 to vector<16xf32>
        %mul3A_135 = arith.mulf %mul3A_134, %add3A_132 : vector<16xf32>
        %max3A_136 = arith.maximumf %add3A_132, %mul3A_135 : vector<16xf32>
        %mul3A_137 = arith.mulf %get3A_29, %max3A_136 : vector<16xf32>
        %add3A_138 = arith.addf %add3A_127, %mul3A_137 : vector<16xf32>
        %xor3A = arith.constant 8 : i32
        %xor3A_139 = vector.broadcast %xor3A : i32 to vector<16xi32>
        %xor3A_140 = arith.xori %iota3A, %xor3A_139 : vector<16xi32>
        %lt3A = arith.constant 0 : i32
        %lt3A_141 = vector.broadcast %lt3A : i32 to vector<16xi32>
        %lt3A_142 = arith.cmpi slt, %xor3A_140, %lt3A_141 : vector<16xi32>
        %add3A_143 = arith.constant 16 : i32
        %add3A_144 = vector.broadcast %add3A_143 : i32 to vector<16xi32>
        %add3A_145 = arith.addi %xor3A_140, %add3A_144 : vector<16xi32>
        %select_n3A = arith.select %lt3A_142, %add3A_145, %xor3A_140 : vector<16xi1>, vector<16xi32>
        %broadcast_in_dim3A_146 = vector.shape_cast %select_n3A : vector<16xi32> to vector<16x1xi32>
        %gather3A = vector.shape_cast %broadcast_in_dim3A_146 : vector<16x1xi32> to vector<16xi32>
        %gather3A_147 = tpu.dynamic_gather %add3A_138[%gather3A] in [0] : vector<16xf32>, vector<16xi32> -> vector<16xf32>
        %add3A_148 = arith.addf %add3A_138, %gather3A_147 : vector<16xf32>
        %xor3A_149 = arith.constant 4 : i32
        %xor3A_150 = vector.broadcast %xor3A_149 : i32 to vector<16xi32>
        %xor3A_151 = arith.xori %iota3A, %xor3A_150 : vector<16xi32>
        %lt3A_152 = arith.constant 0 : i32
        %lt3A_153 = vector.broadcast %lt3A_152 : i32 to vector<16xi32>
        %lt3A_154 = arith.cmpi slt, %xor3A_151, %lt3A_153 : vector<16xi32>
        %add3A_155 = arith.constant 16 : i32
        %add3A_156 = vector.broadcast %add3A_155 : i32 to vector<16xi32>
        %add3A_157 = arith.addi %xor3A_151, %add3A_156 : vector<16xi32>
        %select_n3A_158 = arith.select %lt3A_154, %add3A_157, %xor3A_151 : vector<16xi1>, vector<16xi32>
        %broadcast_in_dim3A_159 = vector.shape_cast %select_n3A_158 : vector<16xi32> to vector<16x1xi32>
        %gather3A_160 = vector.shape_cast %broadcast_in_dim3A_159 : vector<16x1xi32> to vector<16xi32>
        %gather3A_161 = tpu.dynamic_gather %add3A_148[%gather3A_160] in [0] : vector<16xf32>, vector<16xi32> -> vector<16xf32>
        %add3A_162 = arith.addf %add3A_148, %gather3A_161 : vector<16xf32>
        %xor3A_163 = arith.constant 2 : i32
        %xor3A_164 = vector.broadcast %xor3A_163 : i32 to vector<16xi32>
        %xor3A_165 = arith.xori %iota3A, %xor3A_164 : vector<16xi32>
        %lt3A_166 = arith.constant 0 : i32
        %lt3A_167 = vector.broadcast %lt3A_166 : i32 to vector<16xi32>
        %lt3A_168 = arith.cmpi slt, %xor3A_165, %lt3A_167 : vector<16xi32>
        %add3A_169 = arith.constant 16 : i32
        %add3A_170 = vector.broadcast %add3A_169 : i32 to vector<16xi32>
        %add3A_171 = arith.addi %xor3A_165, %add3A_170 : vector<16xi32>
        %select_n3A_172 = arith.select %lt3A_168, %add3A_171, %xor3A_165 : vector<16xi1>, vector<16xi32>
        %broadcast_in_dim3A_173 = vector.shape_cast %select_n3A_172 : vector<16xi32> to vector<16x1xi32>
        %gather3A_174 = vector.shape_cast %broadcast_in_dim3A_173 : vector<16x1xi32> to vector<16xi32>
        %gather3A_175 = tpu.dynamic_gather %add3A_162[%gather3A_174] in [0] : vector<16xf32>, vector<16xi32> -> vector<16xf32>
        %add3A_176 = arith.addf %add3A_162, %gather3A_175 : vector<16xf32>
        %xor3A_177 = arith.constant 1 : i32
        %xor3A_178 = vector.broadcast %xor3A_177 : i32 to vector<16xi32>
        %xor3A_179 = arith.xori %iota3A, %xor3A_178 : vector<16xi32>
        %lt3A_180 = arith.constant 0 : i32
        %lt3A_181 = vector.broadcast %lt3A_180 : i32 to vector<16xi32>
        %lt3A_182 = arith.cmpi slt, %xor3A_179, %lt3A_181 : vector<16xi32>
        %add3A_183 = arith.constant 16 : i32
        %add3A_184 = vector.broadcast %add3A_183 : i32 to vector<16xi32>
        %add3A_185 = arith.addi %xor3A_179, %add3A_184 : vector<16xi32>
        %select_n3A_186 = arith.select %lt3A_182, %add3A_185, %xor3A_179 : vector<16xi1>, vector<16xi32>
        %broadcast_in_dim3A_187 = vector.shape_cast %select_n3A_186 : vector<16xi32> to vector<16x1xi32>
        %gather3A_188 = vector.shape_cast %broadcast_in_dim3A_187 : vector<16x1xi32> to vector<16xi32>
        %gather3A_189 = tpu.dynamic_gather %add3A_176[%gather3A_188] in [0] : vector<16xf32>, vector<16xi32> -> vector<16xf32>
        %add3A_190 = arith.addf %add3A_176, %gather3A_189 : vector<16xf32>
        %exp3A = math.exp %add3A_190 : vector<16xf32>
        %mul3A_191 = arith.mulf %get3A_83, %exp3A : vector<16xf32>
        %swap3A = arith.index_cast %scan3A_79 : i32 to index
        %swap3A_192 = arith.constant 0 : index
        %swap3A_193 = tpu.vector_load %arg12[%swap3A, %swap3A_192] {strides = array<i32>} : memref<128x80xf32, #tpu.memory_space<vmem>>, vector<1x16xf32>,
        %swap3A_194 = vector.shape_cast %swap3A_193 : vector<1x16xf32> to vector<16xf32>
        %swap3A_195 = vector.shape_cast %mul3A_191 : vector<16xf32> to vector<1x16xf32>
        tpu.vector_store %arg12[%swap3A, %swap3A_192], %swap3A_195 {strides = array<i32>} : memref<128x80xf32, #tpu.memory_space<vmem>>, vector<1x16xf32>,
        %mul3A_196 = arith.mulf %get3A_87, %exp3A : vector<16xf32>
        %swap3A_197 = arith.index_cast %scan3A_79 : i32 to index
        %swap3A_198 = arith.constant 16 : index
        %swap3A_199 = tpu.vector_load %arg12[%swap3A_197, %swap3A_198] {strides = array<i32>} : memref<128x80xf32, #tpu.memory_space<vmem>>, vector<1x16xf32>,
        %swap3A_200 = vector.shape_cast %swap3A_199 : vector<1x16xf32> to vector<16xf32>
        %swap3A_201 = vector.shape_cast %mul3A_196 : vector<16xf32> to vector<1x16xf32>
        tpu.vector_store %arg12[%swap3A_197, %swap3A_198], %swap3A_201 {strides = array<i32>} : memref<128x80xf32, #tpu.memory_space<vmem>>, vector<1x16xf32>,
        %mul3A_202 = arith.mulf %get3A_91, %exp3A : vector<16xf32>
        %swap3A_203 = arith.index_cast %scan3A_79 : i32 to index
        %swap3A_204 = arith.constant 32 : index
        %swap3A_205 = tpu.vector_load %arg12[%swap3A_203, %swap3A_204] {strides = array<i32>} : memref<128x80xf32, #tpu.memory_space<vmem>>, vector<1x16xf32>,
        %swap3A_206 = vector.shape_cast %swap3A_205 : vector<1x16xf32> to vector<16xf32>
        %swap3A_207 = vector.shape_cast %mul3A_202 : vector<16xf32> to vector<1x16xf32>
        tpu.vector_store %arg12[%swap3A_203, %swap3A_204], %swap3A_207 {strides = array<i32>} : memref<128x80xf32, #tpu.memory_space<vmem>>, vector<1x16xf32>,
        %mul3A_208 = arith.mulf %get3A_95, %exp3A : vector<16xf32>
        %swap3A_209 = arith.index_cast %scan3A_79 : i32 to index
        %swap3A_210 = arith.constant 48 : index
        %swap3A_211 = tpu.vector_load %arg12[%swap3A_209, %swap3A_210] {strides = array<i32>} : memref<128x80xf32, #tpu.memory_space<vmem>>, vector<1x16xf32>,
        %swap3A_212 = vector.shape_cast %swap3A_211 : vector<1x16xf32> to vector<16xf32>
        %swap3A_213 = vector.shape_cast %mul3A_208 : vector<16xf32> to vector<1x16xf32>
        tpu.vector_store %arg12[%swap3A_209, %swap3A_210], %swap3A_213 {strides = array<i32>} : memref<128x80xf32, #tpu.memory_space<vmem>>, vector<1x16xf32>,
        %swap3A_214 = arith.index_cast %scan3A_79 : i32 to index
        %swap3A_215 = arith.constant 64 : index
        %swap3A_216 = tpu.vector_load %arg12[%swap3A_214, %swap3A_215] {strides = array<i32>} : memref<128x80xf32, #tpu.memory_space<vmem>>, vector<1x16xf32>,
        %swap3A_217 = vector.shape_cast %swap3A_216 : vector<1x16xf32> to vector<16xf32>
        %swap3A_218 = vector.shape_cast %exp3A : vector<16xf32> to vector<1x16xf32>
        tpu.vector_store %arg12[%swap3A_214, %swap3A_215], %swap3A_218 {strides = array<i32>} : memref<128x80xf32, #tpu.memory_space<vmem>>, vector<1x16xf32>,
      }
      %scan3A_78 = arith.constant 128 : i32
      "tpu.region"() ({
        %run_scoped3A = tpu.sem_alloc : memref<!tpu.dma_semaphore, #tpu.memory_space<semaphore_mem>>
        %dma_start3A_79 = arith.constant 0 : i32
        %dma_start3A_80 = arith.constant 0 : i32
        %dma_start3A_81 = tpu.memref_slice %arg14[%dma_start3A_79, %dma_start3A_80] : memref<10240x80xf32, #tpu.memory_space<vmem_shared>> -> memref<10240x80xf32, #tpu.memory_space<vmem_shared>>
        tpu.enqueue_indirect_dma source(%arg12 : memref<128x80xf32, #tpu.memory_space<vmem>>) target(%dma_start3A_81 : memref<10240x80xf32, #tpu.memory_space<vmem_shared>>) offsets(%arg9 : memref<128xi32, #tpu.memory_space<vmem>>) semaphore(%run_scoped3A : memref<!tpu.dma_semaphore, #tpu.memory_space<semaphore_mem>>) {add = true}
        %dma_wait3A_82 = arith.constant 0 : i32
        %dma_wait3A_83 = arith.constant 0 : i32
        %dma_wait3A_84 = tpu.memref_slice %arg14[%dma_wait3A_82, %dma_wait3A_83] : memref<10240x80xf32, #tpu.memory_space<vmem_shared>> -> memref<10240x80xf32, #tpu.memory_space<vmem_shared>>
        tpu.wait_indirect_dma semaphore(%run_scoped3A : memref<!tpu.dma_semaphore, #tpu.memory_space<semaphore_mem>>) src(%arg12 : memref<128x80xf32, #tpu.memory_space<vmem>>) dst(%dma_wait3A_84 : memref<10240x80xf32, #tpu.memory_space<vmem_shared>>)
        tpu.yield
      }) : () -> ()
    }
    %scan3A_37 = arith.constant 40 : i32
    %barrier3A_38 = arith.constant 0 : index
    tpu.barrier barrier_id(%barrier3A_38)
    %add3A_39 = arith.constant 0 : i32
    %add3A_40 = arith.addi %mul3A_8, %add3A_39 : i32
    %add3A_41 = arith.constant 0 : i32
    %add3A_42 = arith.addi %mul3A_8, %add3A_41 : i32
    "tpu.region"() ({
      %run_scoped3A = tpu.sem_alloc : memref<!tpu.dma_semaphore, #tpu.memory_space<semaphore_mem>>
      %dma_start3A = arith.constant 0 : i32
      %dma_start3A_59 = tpu.memref_slice %arg7[%arg0, %add3A_42, %dma_start3A] : memref<2x10240x80xf32, #tpu.memory_space<hbm>> -> memref<1x128x80xf32, #tpu.memory_space<hbm>>
      %dma_start3A_60 = tpu.memref_squeeze %dma_start3A_59 : memref<1x128x80xf32, #tpu.memory_space<hbm>> -> memref<128x80xf32, #tpu.memory_space<hbm>>
      %dma_start3A_61 = arith.constant 0 : i32
      %dma_start3A_62 = tpu.memref_slice %arg14[%add3A_40, %dma_start3A_61] : memref<10240x80xf32, #tpu.memory_space<vmem_shared>> -> memref<128x80xf32, #tpu.memory_space<vmem_shared>>
      tpu.enqueue_dma source(%dma_start3A_62 : memref<128x80xf32, #tpu.memory_space<vmem_shared>>) target(%dma_start3A_60 : memref<128x80xf32, #tpu.memory_space<hbm>>) target_semaphore(%run_scoped3A : memref<!tpu.dma_semaphore, #tpu.memory_space<semaphore_mem>>)
      %dma_wait3A = arith.constant 0 : i32
      %dma_wait3A_63 = tpu.memref_slice %arg7[%arg0, %add3A_42, %dma_wait3A] : memref<2x10240x80xf32, #tpu.memory_space<hbm>> -> memref<1x128x80xf32, #tpu.memory_space<hbm>>
      %dma_wait3A_64 = tpu.memref_squeeze %dma_wait3A_63 : memref<1x128x80xf32, #tpu.memory_space<hbm>> -> memref<128x80xf32, #tpu.memory_space<hbm>>
      %dma_wait3A_65 = arith.constant 0 : i32
      %dma_wait3A_66 = tpu.memref_slice %arg14[%add3A_40, %dma_wait3A_65] : memref<10240x80xf32, #tpu.memory_space<vmem_shared>> -> memref<128x80xf32, #tpu.memory_space<vmem_shared>>
      tpu.wait_dma2 semaphore(%run_scoped3A : memref<!tpu.dma_semaphore, #tpu.memory_space<semaphore_mem>>) src(%dma_wait3A_66 : memref<128x80xf32, #tpu.memory_space<vmem_shared>>) dst(%dma_wait3A_64 : memref<128x80xf32, #tpu.memory_space<hbm>>)
      tpu.yield
    }) : () -> ()
    %add3A_43 = arith.constant 128 : i32
    %add3A_44 = arith.addi %mul3A_8, %add3A_43 : i32
    %add3A_45 = arith.constant 128 : i32
    %add3A_46 = arith.addi %mul3A_8, %add3A_45 : i32
    "tpu.region"() ({
      %run_scoped3A = tpu.sem_alloc : memref<!tpu.dma_semaphore, #tpu.memory_space<semaphore_mem>>
      %dma_start3A = arith.constant 0 : i32
      %dma_start3A_59 = tpu.memref_slice %arg7[%arg0, %add3A_46, %dma_start3A] : memref<2x10240x80xf32, #tpu.memory_space<hbm>> -> memref<1x128x80xf32, #tpu.memory_space<hbm>>
      %dma_start3A_60 = tpu.memref_squeeze %dma_start3A_59 : memref<1x128x80xf32, #tpu.memory_space<hbm>> -> memref<128x80xf32, #tpu.memory_space<hbm>>
      %dma_start3A_61 = arith.constant 0 : i32
      %dma_start3A_62 = tpu.memref_slice %arg14[%add3A_44, %dma_start3A_61] : memref<10240x80xf32, #tpu.memory_space<vmem_shared>> -> memref<128x80xf32, #tpu.memory_space<vmem_shared>>
      tpu.enqueue_dma source(%dma_start3A_62 : memref<128x80xf32, #tpu.memory_space<vmem_shared>>) target(%dma_start3A_60 : memref<128x80xf32, #tpu.memory_space<hbm>>) target_semaphore(%run_scoped3A : memref<!tpu.dma_semaphore, #tpu.memory_space<semaphore_mem>>)
      %dma_wait3A = arith.constant 0 : i32
      %dma_wait3A_63 = tpu.memref_slice %arg7[%arg0, %add3A_46, %dma_wait3A] : memref<2x10240x80xf32, #tpu.memory_space<hbm>> -> memref<1x128x80xf32, #tpu.memory_space<hbm>>
      %dma_wait3A_64 = tpu.memref_squeeze %dma_wait3A_63 : memref<1x128x80xf32, #tpu.memory_space<hbm>> -> memref<128x80xf32, #tpu.memory_space<hbm>>
      %dma_wait3A_65 = arith.constant 0 : i32
      %dma_wait3A_66 = tpu.memref_slice %arg14[%add3A_44, %dma_wait3A_65] : memref<10240x80xf32, #tpu.memory_space<vmem_shared>> -> memref<128x80xf32, #tpu.memory_space<vmem_shared>>
      tpu.wait_dma2 semaphore(%run_scoped3A : memref<!tpu.dma_semaphore, #tpu.memory_space<semaphore_mem>>) src(%dma_wait3A_66 : memref<128x80xf32, #tpu.memory_space<vmem_shared>>) dst(%dma_wait3A_64 : memref<128x80xf32, #tpu.memory_space<hbm>>)
      tpu.yield
    }) : () -> ()
    %add3A_47 = arith.constant 256 : i32
    %add3A_48 = arith.addi %mul3A_8, %add3A_47 : i32
    %add3A_49 = arith.constant 256 : i32
    %add3A_50 = arith.addi %mul3A_8, %add3A_49 : i32
    "tpu.region"() ({
      %run_scoped3A = tpu.sem_alloc : memref<!tpu.dma_semaphore, #tpu.memory_space<semaphore_mem>>
      %dma_start3A = arith.constant 0 : i32
      %dma_start3A_59 = tpu.memref_slice %arg7[%arg0, %add3A_50, %dma_start3A] : memref<2x10240x80xf32, #tpu.memory_space<hbm>> -> memref<1x128x80xf32, #tpu.memory_space<hbm>>
      %dma_start3A_60 = tpu.memref_squeeze %dma_start3A_59 : memref<1x128x80xf32, #tpu.memory_space<hbm>> -> memref<128x80xf32, #tpu.memory_space<hbm>>
      %dma_start3A_61 = arith.constant 0 : i32
      %dma_start3A_62 = tpu.memref_slice %arg14[%add3A_48, %dma_start3A_61] : memref<10240x80xf32, #tpu.memory_space<vmem_shared>> -> memref<128x80xf32, #tpu.memory_space<vmem_shared>>
      tpu.enqueue_dma source(%dma_start3A_62 : memref<128x80xf32, #tpu.memory_space<vmem_shared>>) target(%dma_start3A_60 : memref<128x80xf32, #tpu.memory_space<hbm>>) target_semaphore(%run_scoped3A : memref<!tpu.dma_semaphore, #tpu.memory_space<semaphore_mem>>)
      %dma_wait3A = arith.constant 0 : i32
      %dma_wait3A_63 = tpu.memref_slice %arg7[%arg0, %add3A_50, %dma_wait3A] : memref<2x10240x80xf32, #tpu.memory_space<hbm>> -> memref<1x128x80xf32, #tpu.memory_space<hbm>>
      %dma_wait3A_64 = tpu.memref_squeeze %dma_wait3A_63 : memref<1x128x80xf32, #tpu.memory_space<hbm>> -> memref<128x80xf32, #tpu.memory_space<hbm>>
      %dma_wait3A_65 = arith.constant 0 : i32
      %dma_wait3A_66 = tpu.memref_slice %arg14[%add3A_48, %dma_wait3A_65] : memref<10240x80xf32, #tpu.memory_space<vmem_shared>> -> memref<128x80xf32, #tpu.memory_space<vmem_shared>>
      tpu.wait_dma2 semaphore(%run_scoped3A : memref<!tpu.dma_semaphore, #tpu.memory_space<semaphore_mem>>) src(%dma_wait3A_66 : memref<128x80xf32, #tpu.memory_space<vmem_shared>>) dst(%dma_wait3A_64 : memref<128x80xf32, #tpu.memory_space<hbm>>)
      tpu.yield
    }) : () -> ()
    %add3A_51 = arith.constant 384 : i32
    %add3A_52 = arith.addi %mul3A_8, %add3A_51 : i32
    %add3A_53 = arith.constant 384 : i32
    %add3A_54 = arith.addi %mul3A_8, %add3A_53 : i32
    "tpu.region"() ({
      %run_scoped3A = tpu.sem_alloc : memref<!tpu.dma_semaphore, #tpu.memory_space<semaphore_mem>>
      %dma_start3A = arith.constant 0 : i32
      %dma_start3A_59 = tpu.memref_slice %arg7[%arg0, %add3A_54, %dma_start3A] : memref<2x10240x80xf32, #tpu.memory_space<hbm>> -> memref<1x128x80xf32, #tpu.memory_space<hbm>>
      %dma_start3A_60 = tpu.memref_squeeze %dma_start3A_59 : memref<1x128x80xf32, #tpu.memory_space<hbm>> -> memref<128x80xf32, #tpu.memory_space<hbm>>
      %dma_start3A_61 = arith.constant 0 : i32
      %dma_start3A_62 = tpu.memref_slice %arg14[%add3A_52, %dma_start3A_61] : memref<10240x80xf32, #tpu.memory_space<vmem_shared>> -> memref<128x80xf32, #tpu.memory_space<vmem_shared>>
      tpu.enqueue_dma source(%dma_start3A_62 : memref<128x80xf32, #tpu.memory_space<vmem_shared>>) target(%dma_start3A_60 : memref<128x80xf32, #tpu.memory_space<hbm>>) target_semaphore(%run_scoped3A : memref<!tpu.dma_semaphore, #tpu.memory_space<semaphore_mem>>)
      %dma_wait3A = arith.constant 0 : i32
      %dma_wait3A_63 = tpu.memref_slice %arg7[%arg0, %add3A_54, %dma_wait3A] : memref<2x10240x80xf32, #tpu.memory_space<hbm>> -> memref<1x128x80xf32, #tpu.memory_space<hbm>>
      %dma_wait3A_64 = tpu.memref_squeeze %dma_wait3A_63 : memref<1x128x80xf32, #tpu.memory_space<hbm>> -> memref<128x80xf32, #tpu.memory_space<hbm>>
      %dma_wait3A_65 = arith.constant 0 : i32
      %dma_wait3A_66 = tpu.memref_slice %arg14[%add3A_52, %dma_wait3A_65] : memref<10240x80xf32, #tpu.memory_space<vmem_shared>> -> memref<128x80xf32, #tpu.memory_space<vmem_shared>>
      tpu.wait_dma2 semaphore(%run_scoped3A : memref<!tpu.dma_semaphore, #tpu.memory_space<semaphore_mem>>) src(%dma_wait3A_66 : memref<128x80xf32, #tpu.memory_space<vmem_shared>>) dst(%dma_wait3A_64 : memref<128x80xf32, #tpu.memory_space<hbm>>)
      tpu.yield
    }) : () -> ()
    %add3A_55 = arith.constant 512 : i32
    %add3A_56 = arith.addi %mul3A_8, %add3A_55 : i32
    %add3A_57 = arith.constant 512 : i32
    %add3A_58 = arith.addi %mul3A_8, %add3A_57 : i32
    "tpu.region"() ({
      %run_scoped3A = tpu.sem_alloc : memref<!tpu.dma_semaphore, #tpu.memory_space<semaphore_mem>>
      %dma_start3A = arith.constant 0 : i32
      %dma_start3A_59 = tpu.memref_slice %arg7[%arg0, %add3A_58, %dma_start3A] : memref<2x10240x80xf32, #tpu.memory_space<hbm>> -> memref<1x128x80xf32, #tpu.memory_space<hbm>>
      %dma_start3A_60 = tpu.memref_squeeze %dma_start3A_59 : memref<1x128x80xf32, #tpu.memory_space<hbm>> -> memref<128x80xf32, #tpu.memory_space<hbm>>
      %dma_start3A_61 = arith.constant 0 : i32
      %dma_start3A_62 = tpu.memref_slice %arg14[%add3A_56, %dma_start3A_61] : memref<10240x80xf32, #tpu.memory_space<vmem_shared>> -> memref<128x80xf32, #tpu.memory_space<vmem_shared>>
      tpu.enqueue_dma source(%dma_start3A_62 : memref<128x80xf32, #tpu.memory_space<vmem_shared>>) target(%dma_start3A_60 : memref<128x80xf32, #tpu.memory_space<hbm>>) target_semaphore(%run_scoped3A : memref<!tpu.dma_semaphore, #tpu.memory_space<semaphore_mem>>)
      %dma_wait3A = arith.constant 0 : i32
      %dma_wait3A_63 = tpu.memref_slice %arg7[%arg0, %add3A_58, %dma_wait3A] : memref<2x10240x80xf32, #tpu.memory_space<hbm>> -> memref<1x128x80xf32, #tpu.memory_space<hbm>>
      %dma_wait3A_64 = tpu.memref_squeeze %dma_wait3A_63 : memref<1x128x80xf32, #tpu.memory_space<hbm>> -> memref<128x80xf32, #tpu.memory_space<hbm>>
      %dma_wait3A_65 = arith.constant 0 : i32
      %dma_wait3A_66 = tpu.memref_slice %arg14[%add3A_56, %dma_wait3A_65] : memref<10240x80xf32, #tpu.memory_space<vmem_shared>> -> memref<128x80xf32, #tpu.memory_space<vmem_shared>>
      tpu.wait_dma2 semaphore(%run_scoped3A : memref<!tpu.dma_semaphore, #tpu.memory_space<semaphore_mem>>) src(%dma_wait3A_66 : memref<128x80xf32, #tpu.memory_space<vmem_shared>>) dst(%dma_wait3A_64 : memref<128x80xf32, #tpu.memory_space<hbm>>)
      tpu.yield
    }) : () -> ()
    return
  }
}

#map = affine_map<(d0, d1) -> (0, 0)>
#map1 = affine_map<(d0, d1) -> (0)>
#map2 = affine_map<(d0, d1) -> (0, 0, 0)>
module attributes {stable_mosaic.version = 14 : i64} {
  func.func @edge_pass(%arg0: i32, %arg1: i32, %arg2: memref<10000x64xf32, #tpu.memory_space<hbm>>, %arg3: memref<10000x64xf32, #tpu.memory_space<hbm>>, %arg4: memref<323584xi32, #tpu.memory_space<hbm>>, %arg5: memref<323584xi32, #tpu.memory_space<hbm>>, %arg6: memref<64xf32, #tpu.memory_space<hbm>>, %arg7: memref<2x10240x80xf32, #tpu.memory_space<hbm>>, %arg8: memref<128xi32, #tpu.memory_space<vmem>>, %arg9: memref<128xi32, #tpu.memory_space<vmem>>, %arg10: memref<128x64xf32, #tpu.memory_space<vmem>>, %arg11: memref<128x64xf32, #tpu.memory_space<vmem>>, %arg12: memref<128x80xf32, #tpu.memory_space<vmem>>, %arg13: memref<64xf32, #tpu.memory_space<vmem>>, %arg14: memref<10240x80xf32, #tpu.memory_space<vmem_shared>>, %arg15: memref<!tpu.dma_semaphore, #tpu.memory_space<semaphore_mem>>) attributes {dimension_semantics = [#tpu.dimension_semantics<core_parallel>, #tpu.dimension_semantics<subcore_parallel>], iteration_bounds = array<i64: 2, 16>, scalar_prefetch = 0 : i64, scratch_operands = 8 : i64, tpu.core_type = #tpu.core_type<sc_vector_subcore>, window_params = [{transform_indices = #map}, {transform_indices = #map}, {transform_indices = #map1}, {transform_indices = #map1}, {transform_indices = #map1}, {transform_indices = #map2}]} {
    %mul3A = arith.constant 16 : i32
    %mul3A_0 = arith.muli %arg0, %mul3A : i32
    %add3A = arith.addi %mul3A_0, %arg1 : i32
    %broadcast_in_dim3A = arith.constant 0.000000e+00 : f32
    %broadcast_in_dim3A_1 = vector.broadcast %broadcast_in_dim3A : f32 to vector<16xf32>
    %scan3A = arith.constant 0 : i32
    %scan3A_2 = arith.constant 0 : i32
    %scan3A_3 = arith.constant 128 : i32
    %scan3A_4 = arith.addi %scan3A_2, %scan3A_3 : i32
    %scan3A_5 = arith.constant 1 : i32
    scf.for %scan3A_59 = %scan3A_2 to %scan3A_4 step %scan3A_5  : i32 {
      %swap3A = arith.index_cast %scan3A_59 : i32 to index
      %swap3A_60 = arith.constant 0 : index
      %swap3A_61 = tpu.vector_load %arg12[%swap3A, %swap3A_60] {strides = array<i32>} : memref<128x80xf32, #tpu.memory_space<vmem>>, vector<1x16xf32>,
      %swap3A_62 = vector.shape_cast %swap3A_61 : vector<1x16xf32> to vector<16xf32>
      %swap3A_63 = vector.shape_cast %broadcast_in_dim3A_1 : vector<16xf32> to vector<1x16xf32>
      tpu.vector_store %arg12[%swap3A, %swap3A_60], %swap3A_63 {strides = array<i32>} : memref<128x80xf32, #tpu.memory_space<vmem>>, vector<1x16xf32>,
      %swap3A_64 = arith.index_cast %scan3A_59 : i32 to index
      %swap3A_65 = arith.constant 16 : index
      %swap3A_66 = tpu.vector_load %arg12[%swap3A_64, %swap3A_65] {strides = array<i32>} : memref<128x80xf32, #tpu.memory_space<vmem>>, vector<1x16xf32>,
      %swap3A_67 = vector.shape_cast %swap3A_66 : vector<1x16xf32> to vector<16xf32>
      %swap3A_68 = vector.shape_cast %broadcast_in_dim3A_1 : vector<16xf32> to vector<1x16xf32>
      tpu.vector_store %arg12[%swap3A_64, %swap3A_65], %swap3A_68 {strides = array<i32>} : memref<128x80xf32, #tpu.memory_space<vmem>>, vector<1x16xf32>,
      %swap3A_69 = arith.index_cast %scan3A_59 : i32 to index
      %swap3A_70 = arith.constant 32 : index
      %swap3A_71 = tpu.vector_load %arg12[%swap3A_69, %swap3A_70] {strides = array<i32>} : memref<128x80xf32, #tpu.memory_space<vmem>>, vector<1x16xf32>,
      %swap3A_72 = vector.shape_cast %swap3A_71 : vector<1x16xf32> to vector<16xf32>
      %swap3A_73 = vector.shape_cast %broadcast_in_dim3A_1 : vector<16xf32> to vector<1x16xf32>
      tpu.vector_store %arg12[%swap3A_69, %swap3A_70], %swap3A_73 {strides = array<i32>} : memref<128x80xf32, #tpu.memory_space<vmem>>, vector<1x16xf32>,
      %swap3A_74 = arith.index_cast %scan3A_59 : i32 to index
      %swap3A_75 = arith.constant 48 : index
      %swap3A_76 = tpu.vector_load %arg12[%swap3A_74, %swap3A_75] {strides = array<i32>} : memref<128x80xf32, #tpu.memory_space<vmem>>, vector<1x16xf32>,
      %swap3A_77 = vector.shape_cast %swap3A_76 : vector<1x16xf32> to vector<16xf32>
      %swap3A_78 = vector.shape_cast %broadcast_in_dim3A_1 : vector<16xf32> to vector<1x16xf32>
      tpu.vector_store %arg12[%swap3A_74, %swap3A_75], %swap3A_78 {strides = array<i32>} : memref<128x80xf32, #tpu.memory_space<vmem>>, vector<1x16xf32>,
      %swap3A_79 = arith.index_cast %scan3A_59 : i32 to index
      %swap3A_80 = arith.constant 64 : index
      %swap3A_81 = tpu.vector_load %arg12[%swap3A_79, %swap3A_80] {strides = array<i32>} : memref<128x80xf32, #tpu.memory_space<vmem>>, vector<1x16xf32>,
      %swap3A_82 = vector.shape_cast %swap3A_81 : vector<1x16xf32> to vector<16xf32>
      %swap3A_83 = vector.shape_cast %broadcast_in_dim3A_1 : vector<16xf32> to vector<1x16xf32>
      tpu.vector_store %arg12[%swap3A_79, %swap3A_80], %swap3A_83 {strides = array<i32>} : memref<128x80xf32, #tpu.memory_space<vmem>>, vector<1x16xf32>,
    }
    %scan3A_6 = arith.constant 128 : i32
    %mul3A_7 = arith.constant 640 : i32
    %mul3A_8 = arith.muli %arg1, %mul3A_7 : i32
    %add3A_9 = arith.constant 0 : i32
    %add3A_10 = arith.addi %mul3A_8, %add3A_9 : i32
    "tpu.region"() ({
      %run_scoped3A = tpu.sem_alloc : memref<!tpu.dma_semaphore, #tpu.memory_space<semaphore_mem>>
      %dma_start3A = arith.constant 0 : i32
      %dma_start3A_59 = arith.constant 0 : i32
      %dma_start3A_60 = tpu.memref_slice %arg12[%dma_start3A, %dma_start3A_59] : memref<128x80xf32, #tpu.memory_space<vmem>> -> memref<128x80xf32, #tpu.memory_space<vmem>>
      %dma_start3A_61 = arith.constant 0 : i32
      %dma_start3A_62 = tpu.memref_slice %arg14[%add3A_10, %dma_start3A_61] : memref<10240x80xf32, #tpu.memory_space<vmem_shared>> -> memref<128x80xf32, #tpu.memory_space<vmem_shared>>
      %dma_start3A_63 = arith.constant 0 : i32
      %dma_start3A_64 = tpu.memref_slice %arg14[%add3A_10, %dma_start3A_63] : memref<10240x80xf32, #tpu.memory_space<vmem_shared>> -> memref<128x80xf32, #tpu.memory_space<vmem_shared>>
      %dma_start3A_65 = arith.constant 0 : i32
      %dma_start3A_66 = arith.constant 0 : i32
      %dma_start3A_67 = tpu.memref_slice %arg12[%dma_start3A_65, %dma_start3A_66] : memref<128x80xf32, #tpu.memory_space<vmem>> -> memref<128x80xf32, #tpu.memory_space<vmem>>
      tpu.enqueue_dma source(%dma_start3A_67 : memref<128x80xf32, #tpu.memory_space<vmem>>) target(%dma_start3A_64 : memref<128x80xf32, #tpu.memory_space<vmem_shared>>) target_semaphore(%run_scoped3A : memref<!tpu.dma_semaphore, #tpu.memory_space<semaphore_mem>>)
      %dma_wait3A = arith.constant 0 : i32
      %dma_wait3A_68 = arith.constant 0 : i32
      %dma_wait3A_69 = tpu.memref_slice %arg12[%dma_wait3A, %dma_wait3A_68] : memref<128x80xf32, #tpu.memory_space<vmem>> -> memref<128x80xf32, #tpu.memory_space<vmem>>
      %dma_wait3A_70 = arith.constant 0 : i32
      %dma_wait3A_71 = tpu.memref_slice %arg14[%add3A_10, %dma_wait3A_70] : memref<10240x80xf32, #tpu.memory_space<vmem_shared>> -> memref<128x80xf32, #tpu.memory_space<vmem_shared>>
      %dma_wait3A_72 = arith.constant 0 : i32
      %dma_wait3A_73 = tpu.memref_slice %arg14[%add3A_10, %dma_wait3A_72] : memref<10240x80xf32, #tpu.memory_space<vmem_shared>> -> memref<128x80xf32, #tpu.memory_space<vmem_shared>>
      %dma_wait3A_74 = arith.constant 0 : i32
      %dma_wait3A_75 = arith.constant 0 : i32
      %dma_wait3A_76 = tpu.memref_slice %arg12[%dma_wait3A_74, %dma_wait3A_75] : memref<128x80xf32, #tpu.memory_space<vmem>> -> memref<128x80xf32, #tpu.memory_space<vmem>>
      tpu.wait_dma2 semaphore(%run_scoped3A : memref<!tpu.dma_semaphore, #tpu.memory_space<semaphore_mem>>) src(%dma_wait3A_76 : memref<128x80xf32, #tpu.memory_space<vmem>>) dst(%dma_wait3A_73 : memref<128x80xf32, #tpu.memory_space<vmem_shared>>)
      tpu.yield
    }) : () -> ()
    %add3A_11 = arith.constant 128 : i32
    %add3A_12 = arith.addi %mul3A_8, %add3A_11 : i32
    "tpu.region"() ({
      %run_scoped3A = tpu.sem_alloc : memref<!tpu.dma_semaphore, #tpu.memory_space<semaphore_mem>>
      %dma_start3A = arith.constant 0 : i32
      %dma_start3A_59 = arith.constant 0 : i32
      %dma_start3A_60 = tpu.memref_slice %arg12[%dma_start3A, %dma_start3A_59] : memref<128x80xf32, #tpu.memory_space<vmem>> -> memref<128x80xf32, #tpu.memory_space<vmem>>
      %dma_start3A_61 = arith.constant 0 : i32
      %dma_start3A_62 = tpu.memref_slice %arg14[%add3A_12, %dma_start3A_61] : memref<10240x80xf32, #tpu.memory_space<vmem_shared>> -> memref<128x80xf32, #tpu.memory_space<vmem_shared>>
      %dma_start3A_63 = arith.constant 0 : i32
      %dma_start3A_64 = tpu.memref_slice %arg14[%add3A_12, %dma_start3A_63] : memref<10240x80xf32, #tpu.memory_space<vmem_shared>> -> memref<128x80xf32, #tpu.memory_space<vmem_shared>>
      %dma_start3A_65 = arith.constant 0 : i32
      %dma_start3A_66 = arith.constant 0 : i32
      %dma_start3A_67 = tpu.memref_slice %arg12[%dma_start3A_65, %dma_start3A_66] : memref<128x80xf32, #tpu.memory_space<vmem>> -> memref<128x80xf32, #tpu.memory_space<vmem>>
      tpu.enqueue_dma source(%dma_start3A_67 : memref<128x80xf32, #tpu.memory_space<vmem>>) target(%dma_start3A_64 : memref<128x80xf32, #tpu.memory_space<vmem_shared>>) target_semaphore(%run_scoped3A : memref<!tpu.dma_semaphore, #tpu.memory_space<semaphore_mem>>)
      %dma_wait3A = arith.constant 0 : i32
      %dma_wait3A_68 = arith.constant 0 : i32
      %dma_wait3A_69 = tpu.memref_slice %arg12[%dma_wait3A, %dma_wait3A_68] : memref<128x80xf32, #tpu.memory_space<vmem>> -> memref<128x80xf32, #tpu.memory_space<vmem>>
      %dma_wait3A_70 = arith.constant 0 : i32
      %dma_wait3A_71 = tpu.memref_slice %arg14[%add3A_12, %dma_wait3A_70] : memref<10240x80xf32, #tpu.memory_space<vmem_shared>> -> memref<128x80xf32, #tpu.memory_space<vmem_shared>>
      %dma_wait3A_72 = arith.constant 0 : i32
      %dma_wait3A_73 = tpu.memref_slice %arg14[%add3A_12, %dma_wait3A_72] : memref<10240x80xf32, #tpu.memory_space<vmem_shared>> -> memref<128x80xf32, #tpu.memory_space<vmem_shared>>
      %dma_wait3A_74 = arith.constant 0 : i32
      %dma_wait3A_75 = arith.constant 0 : i32
      %dma_wait3A_76 = tpu.memref_slice %arg12[%dma_wait3A_74, %dma_wait3A_75] : memref<128x80xf32, #tpu.memory_space<vmem>> -> memref<128x80xf32, #tpu.memory_space<vmem>>
      tpu.wait_dma2 semaphore(%run_scoped3A : memref<!tpu.dma_semaphore, #tpu.memory_space<semaphore_mem>>) src(%dma_wait3A_76 : memref<128x80xf32, #tpu.memory_space<vmem>>) dst(%dma_wait3A_73 : memref<128x80xf32, #tpu.memory_space<vmem_shared>>)
      tpu.yield
    }) : () -> ()
    %add3A_13 = arith.constant 256 : i32
    %add3A_14 = arith.addi %mul3A_8, %add3A_13 : i32
    "tpu.region"() ({
      %run_scoped3A = tpu.sem_alloc : memref<!tpu.dma_semaphore, #tpu.memory_space<semaphore_mem>>
      %dma_start3A = arith.constant 0 : i32
      %dma_start3A_59 = arith.constant 0 : i32
      %dma_start3A_60 = tpu.memref_slice %arg12[%dma_start3A, %dma_start3A_59] : memref<128x80xf32, #tpu.memory_space<vmem>> -> memref<128x80xf32, #tpu.memory_space<vmem>>
      %dma_start3A_61 = arith.constant 0 : i32
      %dma_start3A_62 = tpu.memref_slice %arg14[%add3A_14, %dma_start3A_61] : memref<10240x80xf32, #tpu.memory_space<vmem_shared>> -> memref<128x80xf32, #tpu.memory_space<vmem_shared>>
      %dma_start3A_63 = arith.constant 0 : i32
      %dma_start3A_64 = tpu.memref_slice %arg14[%add3A_14, %dma_start3A_63] : memref<10240x80xf32, #tpu.memory_space<vmem_shared>> -> memref<128x80xf32, #tpu.memory_space<vmem_shared>>
      %dma_start3A_65 = arith.constant 0 : i32
      %dma_start3A_66 = arith.constant 0 : i32
      %dma_start3A_67 = tpu.memref_slice %arg12[%dma_start3A_65, %dma_start3A_66] : memref<128x80xf32, #tpu.memory_space<vmem>> -> memref<128x80xf32, #tpu.memory_space<vmem>>
      tpu.enqueue_dma source(%dma_start3A_67 : memref<128x80xf32, #tpu.memory_space<vmem>>) target(%dma_start3A_64 : memref<128x80xf32, #tpu.memory_space<vmem_shared>>) target_semaphore(%run_scoped3A : memref<!tpu.dma_semaphore, #tpu.memory_space<semaphore_mem>>)
      %dma_wait3A = arith.constant 0 : i32
      %dma_wait3A_68 = arith.constant 0 : i32
      %dma_wait3A_69 = tpu.memref_slice %arg12[%dma_wait3A, %dma_wait3A_68] : memref<128x80xf32, #tpu.memory_space<vmem>> -> memref<128x80xf32, #tpu.memory_space<vmem>>
      %dma_wait3A_70 = arith.constant 0 : i32
      %dma_wait3A_71 = tpu.memref_slice %arg14[%add3A_14, %dma_wait3A_70] : memref<10240x80xf32, #tpu.memory_space<vmem_shared>> -> memref<128x80xf32, #tpu.memory_space<vmem_shared>>
      %dma_wait3A_72 = arith.constant 0 : i32
      %dma_wait3A_73 = tpu.memref_slice %arg14[%add3A_14, %dma_wait3A_72] : memref<10240x80xf32, #tpu.memory_space<vmem_shared>> -> memref<128x80xf32, #tpu.memory_space<vmem_shared>>
      %dma_wait3A_74 = arith.constant 0 : i32
      %dma_wait3A_75 = arith.constant 0 : i32
      %dma_wait3A_76 = tpu.memref_slice %arg12[%dma_wait3A_74, %dma_wait3A_75] : memref<128x80xf32, #tpu.memory_space<vmem>> -> memref<128x80xf32, #tpu.memory_space<vmem>>
      tpu.wait_dma2 semaphore(%run_scoped3A : memref<!tpu.dma_semaphore, #tpu.memory_space<semaphore_mem>>) src(%dma_wait3A_76 : memref<128x80xf32, #tpu.memory_space<vmem>>) dst(%dma_wait3A_73 : memref<128x80xf32, #tpu.memory_space<vmem_shared>>)
      tpu.yield
    }) : () -> ()
    %add3A_15 = arith.constant 384 : i32
    %add3A_16 = arith.addi %mul3A_8, %add3A_15 : i32
    "tpu.region"() ({
      %run_scoped3A = tpu.sem_alloc : memref<!tpu.dma_semaphore, #tpu.memory_space<semaphore_mem>>
      %dma_start3A = arith.constant 0 : i32
      %dma_start3A_59 = arith.constant 0 : i32
      %dma_start3A_60 = tpu.memref_slice %arg12[%dma_start3A, %dma_start3A_59] : memref<128x80xf32, #tpu.memory_space<vmem>> -> memref<128x80xf32, #tpu.memory_space<vmem>>
      %dma_start3A_61 = arith.constant 0 : i32
      %dma_start3A_62 = tpu.memref_slice %arg14[%add3A_16, %dma_start3A_61] : memref<10240x80xf32, #tpu.memory_space<vmem_shared>> -> memref<128x80xf32, #tpu.memory_space<vmem_shared>>
      %dma_start3A_63 = arith.constant 0 : i32
      %dma_start3A_64 = tpu.memref_slice %arg14[%add3A_16, %dma_start3A_63] : memref<10240x80xf32, #tpu.memory_space<vmem_shared>> -> memref<128x80xf32, #tpu.memory_space<vmem_shared>>
      %dma_start3A_65 = arith.constant 0 : i32
      %dma_start3A_66 = arith.constant 0 : i32
      %dma_start3A_67 = tpu.memref_slice %arg12[%dma_start3A_65, %dma_start3A_66] : memref<128x80xf32, #tpu.memory_space<vmem>> -> memref<128x80xf32, #tpu.memory_space<vmem>>
      tpu.enqueue_dma source(%dma_start3A_67 : memref<128x80xf32, #tpu.memory_space<vmem>>) target(%dma_start3A_64 : memref<128x80xf32, #tpu.memory_space<vmem_shared>>) target_semaphore(%run_scoped3A : memref<!tpu.dma_semaphore, #tpu.memory_space<semaphore_mem>>)
      %dma_wait3A = arith.constant 0 : i32
      %dma_wait3A_68 = arith.constant 0 : i32
      %dma_wait3A_69 = tpu.memref_slice %arg12[%dma_wait3A, %dma_wait3A_68] : memref<128x80xf32, #tpu.memory_space<vmem>> -> memref<128x80xf32, #tpu.memory_space<vmem>>
      %dma_wait3A_70 = arith.constant 0 : i32
      %dma_wait3A_71 = tpu.memref_slice %arg14[%add3A_16, %dma_wait3A_70] : memref<10240x80xf32, #tpu.memory_space<vmem_shared>> -> memref<128x80xf32, #tpu.memory_space<vmem_shared>>
      %dma_wait3A_72 = arith.constant 0 : i32
      %dma_wait3A_73 = tpu.memref_slice %arg14[%add3A_16, %dma_wait3A_72] : memref<10240x80xf32, #tpu.memory_space<vmem_shared>> -> memref<128x80xf32, #tpu.memory_space<vmem_shared>>
      %dma_wait3A_74 = arith.constant 0 : i32
      %dma_wait3A_75 = arith.constant 0 : i32
      %dma_wait3A_76 = tpu.memref_slice %arg12[%dma_wait3A_74, %dma_wait3A_75] : memref<128x80xf32, #tpu.memory_space<vmem>> -> memref<128x80xf32, #tpu.memory_space<vmem>>
      tpu.wait_dma2 semaphore(%run_scoped3A : memref<!tpu.dma_semaphore, #tpu.memory_space<semaphore_mem>>) src(%dma_wait3A_76 : memref<128x80xf32, #tpu.memory_space<vmem>>) dst(%dma_wait3A_73 : memref<128x80xf32, #tpu.memory_space<vmem_shared>>)
      tpu.yield
    }) : () -> ()
    %add3A_17 = arith.constant 512 : i32
    %add3A_18 = arith.addi %mul3A_8, %add3A_17 : i32
    "tpu.region"() ({
      %run_scoped3A = tpu.sem_alloc : memref<!tpu.dma_semaphore, #tpu.memory_space<semaphore_mem>>
      %dma_start3A = arith.constant 0 : i32
      %dma_start3A_59 = arith.constant 0 : i32
      %dma_start3A_60 = tpu.memref_slice %arg12[%dma_start3A, %dma_start3A_59] : memref<128x80xf32, #tpu.memory_space<vmem>> -> memref<128x80xf32, #tpu.memory_space<vmem>>
      %dma_start3A_61 = arith.constant 0 : i32
      %dma_start3A_62 = tpu.memref_slice %arg14[%add3A_18, %dma_start3A_61] : memref<10240x80xf32, #tpu.memory_space<vmem_shared>> -> memref<128x80xf32, #tpu.memory_space<vmem_shared>>
      %dma_start3A_63 = arith.constant 0 : i32
      %dma_start3A_64 = tpu.memref_slice %arg14[%add3A_18, %dma_start3A_63] : memref<10240x80xf32, #tpu.memory_space<vmem_shared>> -> memref<128x80xf32, #tpu.memory_space<vmem_shared>>
      %dma_start3A_65 = arith.constant 0 : i32
      %dma_start3A_66 = arith.constant 0 : i32
      %dma_start3A_67 = tpu.memref_slice %arg12[%dma_start3A_65, %dma_start3A_66] : memref<128x80xf32, #tpu.memory_space<vmem>> -> memref<128x80xf32, #tpu.memory_space<vmem>>
      tpu.enqueue_dma source(%dma_start3A_67 : memref<128x80xf32, #tpu.memory_space<vmem>>) target(%dma_start3A_64 : memref<128x80xf32, #tpu.memory_space<vmem_shared>>) target_semaphore(%run_scoped3A : memref<!tpu.dma_semaphore, #tpu.memory_space<semaphore_mem>>)
      %dma_wait3A = arith.constant 0 : i32
      %dma_wait3A_68 = arith.constant 0 : i32
      %dma_wait3A_69 = tpu.memref_slice %arg12[%dma_wait3A, %dma_wait3A_68] : memref<128x80xf32, #tpu.memory_space<vmem>> -> memref<128x80xf32, #tpu.memory_space<vmem>>
      %dma_wait3A_70 = arith.constant 0 : i32
      %dma_wait3A_71 = tpu.memref_slice %arg14[%add3A_18, %dma_wait3A_70] : memref<10240x80xf32, #tpu.memory_space<vmem_shared>> -> memref<128x80xf32, #tpu.memory_space<vmem_shared>>
      %dma_wait3A_72 = arith.constant 0 : i32
      %dma_wait3A_73 = tpu.memref_slice %arg14[%add3A_18, %dma_wait3A_72] : memref<10240x80xf32, #tpu.memory_space<vmem_shared>> -> memref<128x80xf32, #tpu.memory_space<vmem_shared>>
      %dma_wait3A_74 = arith.constant 0 : i32
      %dma_wait3A_75 = arith.constant 0 : i32
      %dma_wait3A_76 = tpu.memref_slice %arg12[%dma_wait3A_74, %dma_wait3A_75] : memref<128x80xf32, #tpu.memory_space<vmem>> -> memref<128x80xf32, #tpu.memory_space<vmem>>
      tpu.wait_dma2 semaphore(%run_scoped3A : memref<!tpu.dma_semaphore, #tpu.memory_space<semaphore_mem>>) src(%dma_wait3A_76 : memref<128x80xf32, #tpu.memory_space<vmem>>) dst(%dma_wait3A_73 : memref<128x80xf32, #tpu.memory_space<vmem_shared>>)
      tpu.yield
    }) : () -> ()
    "tpu.region"() ({
      %run_scoped3A = tpu.sem_alloc : memref<!tpu.dma_semaphore, #tpu.memory_space<semaphore_mem>>
      tpu.enqueue_dma source(%arg6 : memref<64xf32, #tpu.memory_space<hbm>>) target(%arg13 : memref<64xf32, #tpu.memory_space<vmem>>) target_semaphore(%run_scoped3A : memref<!tpu.dma_semaphore, #tpu.memory_space<semaphore_mem>>)
      tpu.wait_dma2 semaphore(%run_scoped3A : memref<!tpu.dma_semaphore, #tpu.memory_space<semaphore_mem>>) src(%arg6 : memref<64xf32, #tpu.memory_space<hbm>>) dst(%arg13 : memref<64xf32, #tpu.memory_space<vmem>>)
      tpu.yield
    }) : () -> ()
    %barrier3A = arith.constant 0 : index
    tpu.barrier barrier_id(%barrier3A)
    %get3A = arith.constant 0 : index
    %get3A_19 = tpu.vector_load %arg13[%get3A] {strides = array<i32>} : memref<64xf32, #tpu.memory_space<vmem>>, vector<16xf32>,
    %get3A_20 = vector.shape_cast %get3A_19 : vector<16xf32> to vector<16xf32>
    %get3A_21 = arith.constant 16 : index
    %get3A_22 = tpu.vector_load %arg13[%get3A_21] {strides = array<i32>} : memref<64xf32, #tpu.memory_space<vmem>>, vector<16xf32>,
    %get3A_23 = vector.shape_cast %get3A_22 : vector<16xf32> to vector<16xf32>
    %get3A_24 = arith.constant 32 : index
    %get3A_25 = tpu.vector_load %arg13[%get3A_24] {strides = array<i32>} : memref<64xf32, #tpu.memory_space<vmem>>, vector<16xf32>,
    %get3A_26 = vector.shape_cast %get3A_25 : vector<16xf32> to vector<16xf32>
    %get3A_27 = arith.constant 48 : index
    %get3A_28 = tpu.vector_load %arg13[%get3A_27] {strides = array<i32>} : memref<64xf32, #tpu.memory_space<vmem>>, vector<16xf32>,
    %get3A_29 = vector.shape_cast %get3A_28 : vector<16xf32> to vector<16xf32>
    %mul3A_30 = arith.constant 10112 : i32
    %mul3A_31 = arith.muli %add3A, %mul3A_30 : i32
    %iota3A = tpu.iota {dimensions = array<i32: 0>} : vector<16xi32>
    %scan3A_32 = arith.constant 0 : i32
    %scan3A_33 = arith.constant 0 : i32
    %scan3A_34 = arith.constant 79 : i32
    %scan3A_35 = arith.addi %scan3A_33, %scan3A_34 : i32
    %scan3A_36 = arith.constant 1 : i32
    scf.for %scan3A_59 = %scan3A_33 to %scan3A_35 step %scan3A_36  : i32 {
      %mul3A_60 = arith.constant 128 : i32
      %mul3A_61 = arith.muli %scan3A_59, %mul3A_60 : i32
      %add3A_62 = arith.addi %mul3A_31, %mul3A_61 : i32
      %multiple_of3A = tpu.assume_multiple %add3A_62, 8 : i32
      "tpu.region"() ({
        %run_scoped3A = tpu.sem_alloc : memref<!tpu.dma_semaphore, #tpu.memory_space<semaphore_mem>>
        %dma_start3A_79 = tpu.memref_slice %arg4[%multiple_of3A] : memref<323584xi32, #tpu.memory_space<hbm>> -> memref<128xi32, #tpu.memory_space<hbm>>
        %dma_start3A_80 = tpu.memref_slice %arg4[%multiple_of3A] : memref<323584xi32, #tpu.memory_space<hbm>> -> memref<128xi32, #tpu.memory_space<hbm>>
        tpu.enqueue_dma source(%dma_start3A_80 : memref<128xi32, #tpu.memory_space<hbm>>) target(%arg8 : memref<128xi32, #tpu.memory_space<vmem>>) target_semaphore(%run_scoped3A : memref<!tpu.dma_semaphore, #tpu.memory_space<semaphore_mem>>)
        %dma_wait3A_81 = tpu.memref_slice %arg4[%multiple_of3A] : memref<323584xi32, #tpu.memory_space<hbm>> -> memref<128xi32, #tpu.memory_space<hbm>>
        %dma_wait3A_82 = tpu.memref_slice %arg4[%multiple_of3A] : memref<323584xi32, #tpu.memory_space<hbm>> -> memref<128xi32, #tpu.memory_space<hbm>>
        tpu.wait_dma2 semaphore(%run_scoped3A : memref<!tpu.dma_semaphore, #tpu.memory_space<semaphore_mem>>) src(%dma_wait3A_82 : memref<128xi32, #tpu.memory_space<hbm>>) dst(%arg8 : memref<128xi32, #tpu.memory_space<vmem>>)
        tpu.yield
      }) : () -> ()
      "tpu.region"() ({
        %run_scoped3A = tpu.sem_alloc : memref<!tpu.dma_semaphore, #tpu.memory_space<semaphore_mem>>
        %dma_start3A_79 = tpu.memref_slice %arg5[%multiple_of3A] : memref<323584xi32, #tpu.memory_space<hbm>> -> memref<128xi32, #tpu.memory_space<hbm>>
        %dma_start3A_80 = tpu.memref_slice %arg5[%multiple_of3A] : memref<323584xi32, #tpu.memory_space<hbm>> -> memref<128xi32, #tpu.memory_space<hbm>>
        tpu.enqueue_dma source(%dma_start3A_80 : memref<128xi32, #tpu.memory_space<hbm>>) target(%arg9 : memref<128xi32, #tpu.memory_space<vmem>>) target_semaphore(%run_scoped3A : memref<!tpu.dma_semaphore, #tpu.memory_space<semaphore_mem>>)
        %dma_wait3A_81 = tpu.memref_slice %arg5[%multiple_of3A] : memref<323584xi32, #tpu.memory_space<hbm>> -> memref<128xi32, #tpu.memory_space<hbm>>
        %dma_wait3A_82 = tpu.memref_slice %arg5[%multiple_of3A] : memref<323584xi32, #tpu.memory_space<hbm>> -> memref<128xi32, #tpu.memory_space<hbm>>
        tpu.wait_dma2 semaphore(%run_scoped3A : memref<!tpu.dma_semaphore, #tpu.memory_space<semaphore_mem>>) src(%dma_wait3A_82 : memref<128xi32, #tpu.memory_space<hbm>>) dst(%arg9 : memref<128xi32, #tpu.memory_space<vmem>>)
        tpu.yield
      }) : () -> ()
      %dma_start3A = arith.constant 0 : i32
      %dma_start3A_63 = arith.constant 0 : i32
      %dma_start3A_64 = tpu.memref_slice %arg2[%dma_start3A, %dma_start3A_63] : memref<10000x64xf32, #tpu.memory_space<hbm>> -> memref<10000x64xf32, #tpu.memory_space<hbm>>
      tpu.enqueue_indirect_dma source(%dma_start3A_64 : memref<10000x64xf32, #tpu.memory_space<hbm>>) target(%arg10 : memref<128x64xf32, #tpu.memory_space<vmem>>) offsets(%arg8 : memref<128xi32, #tpu.memory_space<vmem>>) semaphore(%arg15 : memref<!tpu.dma_semaphore, #tpu.memory_space<semaphore_mem>>)
      %dma_wait3A = arith.constant 0 : i32
      %dma_wait3A_65 = arith.constant 0 : i32
      %dma_wait3A_66 = tpu.memref_slice %arg2[%dma_wait3A, %dma_wait3A_65] : memref<10000x64xf32, #tpu.memory_space<hbm>> -> memref<10000x64xf32, #tpu.memory_space<hbm>>
      tpu.wait_indirect_dma semaphore(%arg15 : memref<!tpu.dma_semaphore, #tpu.memory_space<semaphore_mem>>) src(%dma_wait3A_66 : memref<10000x64xf32, #tpu.memory_space<hbm>>) dst(%arg10 : memref<128x64xf32, #tpu.memory_space<vmem>>)
      %dma_start3A_67 = arith.constant 0 : i32
      %dma_start3A_68 = arith.constant 0 : i32
      %dma_start3A_69 = tpu.memref_slice %arg3[%dma_start3A_67, %dma_start3A_68] : memref<10000x64xf32, #tpu.memory_space<hbm>> -> memref<10000x64xf32, #tpu.memory_space<hbm>>
      tpu.enqueue_indirect_dma source(%dma_start3A_69 : memref<10000x64xf32, #tpu.memory_space<hbm>>) target(%arg11 : memref<128x64xf32, #tpu.memory_space<vmem>>) offsets(%arg9 : memref<128xi32, #tpu.memory_space<vmem>>) semaphore(%arg15 : memref<!tpu.dma_semaphore, #tpu.memory_space<semaphore_mem>>)
      %dma_wait3A_70 = arith.constant 0 : i32
      %dma_wait3A_71 = arith.constant 0 : i32
      %dma_wait3A_72 = tpu.memref_slice %arg3[%dma_wait3A_70, %dma_wait3A_71] : memref<10000x64xf32, #tpu.memory_space<hbm>> -> memref<10000x64xf32, #tpu.memory_space<hbm>>
      tpu.wait_indirect_dma semaphore(%arg15 : memref<!tpu.dma_semaphore, #tpu.memory_space<semaphore_mem>>) src(%dma_wait3A_72 : memref<10000x64xf32, #tpu.memory_space<hbm>>) dst(%arg11 : memref<128x64xf32, #tpu.memory_space<vmem>>)
      %scan3A_73 = arith.constant 0 : i32
      %scan3A_74 = arith.constant 0 : i32
      %scan3A_75 = arith.constant 128 : i32
      %scan3A_76 = arith.addi %scan3A_74, %scan3A_75 : i32
      %scan3A_77 = arith.constant 1 : i32
      scf.for %scan3A_79 = %scan3A_74 to %scan3A_76 step %scan3A_77  : i32 {
        %get3A_80 = arith.index_cast %scan3A_79 : i32 to index
        %get3A_81 = arith.constant 0 : index
        %get3A_82 = tpu.vector_load %arg10[%get3A_80, %get3A_81] {strides = array<i32>} : memref<128x64xf32, #tpu.memory_space<vmem>>, vector<1x16xf32>,
        %get3A_83 = vector.shape_cast %get3A_82 : vector<1x16xf32> to vector<16xf32>
        %get3A_84 = arith.index_cast %scan3A_79 : i32 to index
        %get3A_85 = arith.constant 16 : index
        %get3A_86 = tpu.vector_load %arg10[%get3A_84, %get3A_85] {strides = array<i32>} : memref<128x64xf32, #tpu.memory_space<vmem>>, vector<1x16xf32>,
        %get3A_87 = vector.shape_cast %get3A_86 : vector<1x16xf32> to vector<16xf32>
        %get3A_88 = arith.index_cast %scan3A_79 : i32 to index
        %get3A_89 = arith.constant 32 : index
        %get3A_90 = tpu.vector_load %arg10[%get3A_88, %get3A_89] {strides = array<i32>} : memref<128x64xf32, #tpu.memory_space<vmem>>, vector<1x16xf32>,
        %get3A_91 = vector.shape_cast %get3A_90 : vector<1x16xf32> to vector<16xf32>
        %get3A_92 = arith.index_cast %scan3A_79 : i32 to index
        %get3A_93 = arith.constant 48 : index
        %get3A_94 = tpu.vector_load %arg10[%get3A_92, %get3A_93] {strides = array<i32>} : memref<128x64xf32, #tpu.memory_space<vmem>>, vector<1x16xf32>,
        %get3A_95 = vector.shape_cast %get3A_94 : vector<1x16xf32> to vector<16xf32>
        %get3A_96 = arith.index_cast %scan3A_79 : i32 to index
        %get3A_97 = arith.constant 0 : index
        %get3A_98 = tpu.vector_load %arg11[%get3A_96, %get3A_97] {strides = array<i32>} : memref<128x64xf32, #tpu.memory_space<vmem>>, vector<1x16xf32>,
        %get3A_99 = vector.shape_cast %get3A_98 : vector<1x16xf32> to vector<16xf32>
        %add3A_100 = arith.addf %get3A_83, %get3A_99 : vector<16xf32>
        %mul3A_101 = arith.constant 2.000000e-01 : f32
        %mul3A_102 = vector.broadcast %mul3A_101 : f32 to vector<16xf32>
        %mul3A_103 = arith.mulf %mul3A_102, %add3A_100 : vector<16xf32>
        %max3A = arith.maximumf %add3A_100, %mul3A_103 : vector<16xf32>
        %mul3A_104 = arith.mulf %get3A_20, %max3A : vector<16xf32>
        %add3A_105 = arith.addf %broadcast_in_dim3A_1, %mul3A_104 : vector<16xf32>
        %get3A_106 = arith.index_cast %scan3A_79 : i32 to index
        %get3A_107 = arith.constant 16 : index
        %get3A_108 = tpu.vector_load %arg11[%get3A_106, %get3A_107] {strides = array<i32>} : memref<128x64xf32, #tpu.memory_space<vmem>>, vector<1x16xf32>,
        %get3A_109 = vector.shape_cast %get3A_108 : vector<1x16xf32> to vector<16xf32>
        %add3A_110 = arith.addf %get3A_87, %get3A_109 : vector<16xf32>
        %mul3A_111 = arith.constant 2.000000e-01 : f32
        %mul3A_112 = vector.broadcast %mul3A_111 : f32 to vector<16xf32>
        %mul3A_113 = arith.mulf %mul3A_112, %add3A_110 : vector<16xf32>
        %max3A_114 = arith.maximumf %add3A_110, %mul3A_113 : vector<16xf32>
        %mul3A_115 = arith.mulf %get3A_23, %max3A_114 : vector<16xf32>
        %add3A_116 = arith.addf %add3A_105, %mul3A_115 : vector<16xf32>
        %get3A_117 = arith.index_cast %scan3A_79 : i32 to index
        %get3A_118 = arith.constant 32 : index
        %get3A_119 = tpu.vector_load %arg11[%get3A_117, %get3A_118] {strides = array<i32>} : memref<128x64xf32, #tpu.memory_space<vmem>>, vector<1x16xf32>,
        %get3A_120 = vector.shape_cast %get3A_119 : vector<1x16xf32> to vector<16xf32>
        %add3A_121 = arith.addf %get3A_91, %get3A_120 : vector<16xf32>
        %mul3A_122 = arith.constant 2.000000e-01 : f32
        %mul3A_123 = vector.broadcast %mul3A_122 : f32 to vector<16xf32>
        %mul3A_124 = arith.mulf %mul3A_123, %add3A_121 : vector<16xf32>
        %max3A_125 = arith.maximumf %add3A_121, %mul3A_124 : vector<16xf32>
        %mul3A_126 = arith.mulf %get3A_26, %max3A_125 : vector<16xf32>
        %add3A_127 = arith.addf %add3A_116, %mul3A_126 : vector<16xf32>
        %get3A_128 = arith.index_cast %scan3A_79 : i32 to index
        %get3A_129 = arith.constant 48 : index
        %get3A_130 = tpu.vector_load %arg11[%get3A_128, %get3A_129] {strides = array<i32>} : memref<128x64xf32, #tpu.memory_space<vmem>>, vector<1x16xf32>,
        %get3A_131 = vector.shape_cast %get3A_130 : vector<1x16xf32> to vector<16xf32>
        %add3A_132 = arith.addf %get3A_95, %get3A_131 : vector<16xf32>
        %mul3A_133 = arith.constant 2.000000e-01 : f32
        %mul3A_134 = vector.broadcast %mul3A_133 : f32 to vector<16xf32>
        %mul3A_135 = arith.mulf %mul3A_134, %add3A_132 : vector<16xf32>
        %max3A_136 = arith.maximumf %add3A_132, %mul3A_135 : vector<16xf32>
        %mul3A_137 = arith.mulf %get3A_29, %max3A_136 : vector<16xf32>
        %add3A_138 = arith.addf %add3A_127, %mul3A_137 : vector<16xf32>
        %xor3A = arith.constant 8 : i32
        %xor3A_139 = vector.broadcast %xor3A : i32 to vector<16xi32>
        %xor3A_140 = arith.xori %iota3A, %xor3A_139 : vector<16xi32>
        %lt3A = arith.constant 0 : i32
        %lt3A_141 = vector.broadcast %lt3A : i32 to vector<16xi32>
        %lt3A_142 = arith.cmpi slt, %xor3A_140, %lt3A_141 : vector<16xi32>
        %add3A_143 = arith.constant 16 : i32
        %add3A_144 = vector.broadcast %add3A_143 : i32 to vector<16xi32>
        %add3A_145 = arith.addi %xor3A_140, %add3A_144 : vector<16xi32>
        %select_n3A = arith.select %lt3A_142, %add3A_145, %xor3A_140 : vector<16xi1>, vector<16xi32>
        %broadcast_in_dim3A_146 = vector.shape_cast %select_n3A : vector<16xi32> to vector<16x1xi32>
        %gather3A = vector.shape_cast %broadcast_in_dim3A_146 : vector<16x1xi32> to vector<16xi32>
        %gather3A_147 = tpu.dynamic_gather %add3A_138[%gather3A] in [0] : vector<16xf32>, vector<16xi32> -> vector<16xf32>
        %add3A_148 = arith.addf %add3A_138, %gather3A_147 : vector<16xf32>
        %xor3A_149 = arith.constant 4 : i32
        %xor3A_150 = vector.broadcast %xor3A_149 : i32 to vector<16xi32>
        %xor3A_151 = arith.xori %iota3A, %xor3A_150 : vector<16xi32>
        %lt3A_152 = arith.constant 0 : i32
        %lt3A_153 = vector.broadcast %lt3A_152 : i32 to vector<16xi32>
        %lt3A_154 = arith.cmpi slt, %xor3A_151, %lt3A_153 : vector<16xi32>
        %add3A_155 = arith.constant 16 : i32
        %add3A_156 = vector.broadcast %add3A_155 : i32 to vector<16xi32>
        %add3A_157 = arith.addi %xor3A_151, %add3A_156 : vector<16xi32>
        %select_n3A_158 = arith.select %lt3A_154, %add3A_157, %xor3A_151 : vector<16xi1>, vector<16xi32>
        %broadcast_in_dim3A_159 = vector.shape_cast %select_n3A_158 : vector<16xi32> to vector<16x1xi32>
        %gather3A_160 = vector.shape_cast %broadcast_in_dim3A_159 : vector<16x1xi32> to vector<16xi32>
        %gather3A_161 = tpu.dynamic_gather %add3A_148[%gather3A_160] in [0] : vector<16xf32>, vector<16xi32> -> vector<16xf32>
        %add3A_162 = arith.addf %add3A_148, %gather3A_161 : vector<16xf32>
        %xor3A_163 = arith.constant 2 : i32
        %xor3A_164 = vector.broadcast %xor3A_163 : i32 to vector<16xi32>
        %xor3A_165 = arith.xori %iota3A, %xor3A_164 : vector<16xi32>
        %lt3A_166 = arith.constant 0 : i32
        %lt3A_167 = vector.broadcast %lt3A_166 : i32 to vector<16xi32>
        %lt3A_168 = arith.cmpi slt, %xor3A_165, %lt3A_167 : vector<16xi32>
        %add3A_169 = arith.constant 16 : i32
        %add3A_170 = vector.broadcast %add3A_169 : i32 to vector<16xi32>
        %add3A_171 = arith.addi %xor3A_165, %add3A_170 : vector<16xi32>
        %select_n3A_172 = arith.select %lt3A_168, %add3A_171, %xor3A_165 : vector<16xi1>, vector<16xi32>
        %broadcast_in_dim3A_173 = vector.shape_cast %select_n3A_172 : vector<16xi32> to vector<16x1xi32>
        %gather3A_174 = vector.shape_cast %broadcast_in_dim3A_173 : vector<16x1xi32> to vector<16xi32>
        %gather3A_175 = tpu.dynamic_gather %add3A_162[%gather3A_174] in [0] : vector<16xf32>, vector<16xi32> -> vector<16xf32>
        %add3A_176 = arith.addf %add3A_162, %gather3A_175 : vector<16xf32>
        %xor3A_177 = arith.constant 1 : i32
        %xor3A_178 = vector.broadcast %xor3A_177 : i32 to vector<16xi32>
        %xor3A_179 = arith.xori %iota3A, %xor3A_178 : vector<16xi32>
        %lt3A_180 = arith.constant 0 : i32
        %lt3A_181 = vector.broadcast %lt3A_180 : i32 to vector<16xi32>
        %lt3A_182 = arith.cmpi slt, %xor3A_179, %lt3A_181 : vector<16xi32>
        %add3A_183 = arith.constant 16 : i32
        %add3A_184 = vector.broadcast %add3A_183 : i32 to vector<16xi32>
        %add3A_185 = arith.addi %xor3A_179, %add3A_184 : vector<16xi32>
        %select_n3A_186 = arith.select %lt3A_182, %add3A_185, %xor3A_179 : vector<16xi1>, vector<16xi32>
        %broadcast_in_dim3A_187 = vector.shape_cast %select_n3A_186 : vector<16xi32> to vector<16x1xi32>
        %gather3A_188 = vector.shape_cast %broadcast_in_dim3A_187 : vector<16x1xi32> to vector<16xi32>
        %gather3A_189 = tpu.dynamic_gather %add3A_176[%gather3A_188] in [0] : vector<16xf32>, vector<16xi32> -> vector<16xf32>
        %add3A_190 = arith.addf %add3A_176, %gather3A_189 : vector<16xf32>
        %exp3A = math.exp %add3A_190 : vector<16xf32>
        %mul3A_191 = arith.mulf %get3A_83, %exp3A : vector<16xf32>
        %swap3A = arith.index_cast %scan3A_79 : i32 to index
        %swap3A_192 = arith.constant 0 : index
        %swap3A_193 = tpu.vector_load %arg12[%swap3A, %swap3A_192] {strides = array<i32>} : memref<128x80xf32, #tpu.memory_space<vmem>>, vector<1x16xf32>,
        %swap3A_194 = vector.shape_cast %swap3A_193 : vector<1x16xf32> to vector<16xf32>
        %swap3A_195 = vector.shape_cast %mul3A_191 : vector<16xf32> to vector<1x16xf32>
        tpu.vector_store %arg12[%swap3A, %swap3A_192], %swap3A_195 {strides = array<i32>} : memref<128x80xf32, #tpu.memory_space<vmem>>, vector<1x16xf32>,
        %mul3A_196 = arith.mulf %get3A_87, %exp3A : vector<16xf32>
        %swap3A_197 = arith.index_cast %scan3A_79 : i32 to index
        %swap3A_198 = arith.constant 16 : index
        %swap3A_199 = tpu.vector_load %arg12[%swap3A_197, %swap3A_198] {strides = array<i32>} : memref<128x80xf32, #tpu.memory_space<vmem>>, vector<1x16xf32>,
        %swap3A_200 = vector.shape_cast %swap3A_199 : vector<1x16xf32> to vector<16xf32>
        %swap3A_201 = vector.shape_cast %mul3A_196 : vector<16xf32> to vector<1x16xf32>
        tpu.vector_store %arg12[%swap3A_197, %swap3A_198], %swap3A_201 {strides = array<i32>} : memref<128x80xf32, #tpu.memory_space<vmem>>, vector<1x16xf32>,
        %mul3A_202 = arith.mulf %get3A_91, %exp3A : vector<16xf32>
        %swap3A_203 = arith.index_cast %scan3A_79 : i32 to index
        %swap3A_204 = arith.constant 32 : index
        %swap3A_205 = tpu.vector_load %arg12[%swap3A_203, %swap3A_204] {strides = array<i32>} : memref<128x80xf32, #tpu.memory_space<vmem>>, vector<1x16xf32>,
        %swap3A_206 = vector.shape_cast %swap3A_205 : vector<1x16xf32> to vector<16xf32>
        %swap3A_207 = vector.shape_cast %mul3A_202 : vector<16xf32> to vector<1x16xf32>
        tpu.vector_store %arg12[%swap3A_203, %swap3A_204], %swap3A_207 {strides = array<i32>} : memref<128x80xf32, #tpu.memory_space<vmem>>, vector<1x16xf32>,
        %mul3A_208 = arith.mulf %get3A_95, %exp3A : vector<16xf32>
        %swap3A_209 = arith.index_cast %scan3A_79 : i32 to index
        %swap3A_210 = arith.constant 48 : index
        %swap3A_211 = tpu.vector_load %arg12[%swap3A_209, %swap3A_210] {strides = array<i32>} : memref<128x80xf32, #tpu.memory_space<vmem>>, vector<1x16xf32>,
        %swap3A_212 = vector.shape_cast %swap3A_211 : vector<1x16xf32> to vector<16xf32>
        %swap3A_213 = vector.shape_cast %mul3A_208 : vector<16xf32> to vector<1x16xf32>
        tpu.vector_store %arg12[%swap3A_209, %swap3A_210], %swap3A_213 {strides = array<i32>} : memref<128x80xf32, #tpu.memory_space<vmem>>, vector<1x16xf32>,
        %swap3A_214 = arith.index_cast %scan3A_79 : i32 to index
        %swap3A_215 = arith.constant 64 : index
        %swap3A_216 = tpu.vector_load %arg12[%swap3A_214, %swap3A_215] {strides = array<i32>} : memref<128x80xf32, #tpu.memory_space<vmem>>, vector<1x16xf32>,
        %swap3A_217 = vector.shape_cast %swap3A_216 : vector<1x16xf32> to vector<16xf32>
        %swap3A_218 = vector.shape_cast %exp3A : vector<16xf32> to vector<1x16xf32>
        tpu.vector_store %arg12[%swap3A_214, %swap3A_215], %swap3A_218 {strides = array<i32>} : memref<128x80xf32, #tpu.memory_space<vmem>>, vector<1x16xf32>,
      }
      %scan3A_78 = arith.constant 128 : i32
      "tpu.region"() ({
        %run_scoped3A = tpu.sem_alloc : memref<!tpu.dma_semaphore, #tpu.memory_space<semaphore_mem>>
        %dma_start3A_79 = arith.constant 0 : i32
        %dma_start3A_80 = arith.constant 0 : i32
        %dma_start3A_81 = tpu.memref_slice %arg14[%dma_start3A_79, %dma_start3A_80] : memref<10240x80xf32, #tpu.memory_space<vmem_shared>> -> memref<10240x80xf32, #tpu.memory_space<vmem_shared>>
        tpu.enqueue_indirect_dma source(%arg12 : memref<128x80xf32, #tpu.memory_space<vmem>>) target(%dma_start3A_81 : memref<10240x80xf32, #tpu.memory_space<vmem_shared>>) offsets(%arg9 : memref<128xi32, #tpu.memory_space<vmem>>) semaphore(%run_scoped3A : memref<!tpu.dma_semaphore, #tpu.memory_space<semaphore_mem>>) {add = true}
        %dma_wait3A_82 = arith.constant 0 : i32
        %dma_wait3A_83 = arith.constant 0 : i32
        %dma_wait3A_84 = tpu.memref_slice %arg14[%dma_wait3A_82, %dma_wait3A_83] : memref<10240x80xf32, #tpu.memory_space<vmem_shared>> -> memref<10240x80xf32, #tpu.memory_space<vmem_shared>>
        tpu.wait_indirect_dma semaphore(%run_scoped3A : memref<!tpu.dma_semaphore, #tpu.memory_space<semaphore_mem>>) src(%arg12 : memref<128x80xf32, #tpu.memory_space<vmem>>) dst(%dma_wait3A_84 : memref<10240x80xf32, #tpu.memory_space<vmem_shared>>)
        tpu.yield
      }) : () -> ()
    }
    %scan3A_37 = arith.constant 79 : i32
    %barrier3A_38 = arith.constant 0 : index
    tpu.barrier barrier_id(%barrier3A_38)
    %add3A_39 = arith.constant 0 : i32
    %add3A_40 = arith.addi %mul3A_8, %add3A_39 : i32
    %add3A_41 = arith.constant 0 : i32
    %add3A_42 = arith.addi %mul3A_8, %add3A_41 : i32
    "tpu.region"() ({
      %run_scoped3A = tpu.sem_alloc : memref<!tpu.dma_semaphore, #tpu.memory_space<semaphore_mem>>
      %dma_start3A = arith.constant 0 : i32
      %dma_start3A_59 = tpu.memref_slice %arg7[%arg0, %add3A_42, %dma_start3A] : memref<2x10240x80xf32, #tpu.memory_space<hbm>> -> memref<1x128x80xf32, #tpu.memory_space<hbm>>
      %dma_start3A_60 = tpu.memref_squeeze %dma_start3A_59 : memref<1x128x80xf32, #tpu.memory_space<hbm>> -> memref<128x80xf32, #tpu.memory_space<hbm>>
      %dma_start3A_61 = arith.constant 0 : i32
      %dma_start3A_62 = tpu.memref_slice %arg14[%add3A_40, %dma_start3A_61] : memref<10240x80xf32, #tpu.memory_space<vmem_shared>> -> memref<128x80xf32, #tpu.memory_space<vmem_shared>>
      tpu.enqueue_dma source(%dma_start3A_62 : memref<128x80xf32, #tpu.memory_space<vmem_shared>>) target(%dma_start3A_60 : memref<128x80xf32, #tpu.memory_space<hbm>>) target_semaphore(%run_scoped3A : memref<!tpu.dma_semaphore, #tpu.memory_space<semaphore_mem>>)
      %dma_wait3A = arith.constant 0 : i32
      %dma_wait3A_63 = tpu.memref_slice %arg7[%arg0, %add3A_42, %dma_wait3A] : memref<2x10240x80xf32, #tpu.memory_space<hbm>> -> memref<1x128x80xf32, #tpu.memory_space<hbm>>
      %dma_wait3A_64 = tpu.memref_squeeze %dma_wait3A_63 : memref<1x128x80xf32, #tpu.memory_space<hbm>> -> memref<128x80xf32, #tpu.memory_space<hbm>>
      %dma_wait3A_65 = arith.constant 0 : i32
      %dma_wait3A_66 = tpu.memref_slice %arg14[%add3A_40, %dma_wait3A_65] : memref<10240x80xf32, #tpu.memory_space<vmem_shared>> -> memref<128x80xf32, #tpu.memory_space<vmem_shared>>
      tpu.wait_dma2 semaphore(%run_scoped3A : memref<!tpu.dma_semaphore, #tpu.memory_space<semaphore_mem>>) src(%dma_wait3A_66 : memref<128x80xf32, #tpu.memory_space<vmem_shared>>) dst(%dma_wait3A_64 : memref<128x80xf32, #tpu.memory_space<hbm>>)
      tpu.yield
    }) : () -> ()
    %add3A_43 = arith.constant 128 : i32
    %add3A_44 = arith.addi %mul3A_8, %add3A_43 : i32
    %add3A_45 = arith.constant 128 : i32
    %add3A_46 = arith.addi %mul3A_8, %add3A_45 : i32
    "tpu.region"() ({
      %run_scoped3A = tpu.sem_alloc : memref<!tpu.dma_semaphore, #tpu.memory_space<semaphore_mem>>
      %dma_start3A = arith.constant 0 : i32
      %dma_start3A_59 = tpu.memref_slice %arg7[%arg0, %add3A_46, %dma_start3A] : memref<2x10240x80xf32, #tpu.memory_space<hbm>> -> memref<1x128x80xf32, #tpu.memory_space<hbm>>
      %dma_start3A_60 = tpu.memref_squeeze %dma_start3A_59 : memref<1x128x80xf32, #tpu.memory_space<hbm>> -> memref<128x80xf32, #tpu.memory_space<hbm>>
      %dma_start3A_61 = arith.constant 0 : i32
      %dma_start3A_62 = tpu.memref_slice %arg14[%add3A_44, %dma_start3A_61] : memref<10240x80xf32, #tpu.memory_space<vmem_shared>> -> memref<128x80xf32, #tpu.memory_space<vmem_shared>>
      tpu.enqueue_dma source(%dma_start3A_62 : memref<128x80xf32, #tpu.memory_space<vmem_shared>>) target(%dma_start3A_60 : memref<128x80xf32, #tpu.memory_space<hbm>>) target_semaphore(%run_scoped3A : memref<!tpu.dma_semaphore, #tpu.memory_space<semaphore_mem>>)
      %dma_wait3A = arith.constant 0 : i32
      %dma_wait3A_63 = tpu.memref_slice %arg7[%arg0, %add3A_46, %dma_wait3A] : memref<2x10240x80xf32, #tpu.memory_space<hbm>> -> memref<1x128x80xf32, #tpu.memory_space<hbm>>
      %dma_wait3A_64 = tpu.memref_squeeze %dma_wait3A_63 : memref<1x128x80xf32, #tpu.memory_space<hbm>> -> memref<128x80xf32, #tpu.memory_space<hbm>>
      %dma_wait3A_65 = arith.constant 0 : i32
      %dma_wait3A_66 = tpu.memref_slice %arg14[%add3A_44, %dma_wait3A_65] : memref<10240x80xf32, #tpu.memory_space<vmem_shared>> -> memref<128x80xf32, #tpu.memory_space<vmem_shared>>
      tpu.wait_dma2 semaphore(%run_scoped3A : memref<!tpu.dma_semaphore, #tpu.memory_space<semaphore_mem>>) src(%dma_wait3A_66 : memref<128x80xf32, #tpu.memory_space<vmem_shared>>) dst(%dma_wait3A_64 : memref<128x80xf32, #tpu.memory_space<hbm>>)
      tpu.yield
    }) : () -> ()
    %add3A_47 = arith.constant 256 : i32
    %add3A_48 = arith.addi %mul3A_8, %add3A_47 : i32
    %add3A_49 = arith.constant 256 : i32
    %add3A_50 = arith.addi %mul3A_8, %add3A_49 : i32
    "tpu.region"() ({
      %run_scoped3A = tpu.sem_alloc : memref<!tpu.dma_semaphore, #tpu.memory_space<semaphore_mem>>
      %dma_start3A = arith.constant 0 : i32
      %dma_start3A_59 = tpu.memref_slice %arg7[%arg0, %add3A_50, %dma_start3A] : memref<2x10240x80xf32, #tpu.memory_space<hbm>> -> memref<1x128x80xf32, #tpu.memory_space<hbm>>
      %dma_start3A_60 = tpu.memref_squeeze %dma_start3A_59 : memref<1x128x80xf32, #tpu.memory_space<hbm>> -> memref<128x80xf32, #tpu.memory_space<hbm>>
      %dma_start3A_61 = arith.constant 0 : i32
      %dma_start3A_62 = tpu.memref_slice %arg14[%add3A_48, %dma_start3A_61] : memref<10240x80xf32, #tpu.memory_space<vmem_shared>> -> memref<128x80xf32, #tpu.memory_space<vmem_shared>>
      tpu.enqueue_dma source(%dma_start3A_62 : memref<128x80xf32, #tpu.memory_space<vmem_shared>>) target(%dma_start3A_60 : memref<128x80xf32, #tpu.memory_space<hbm>>) target_semaphore(%run_scoped3A : memref<!tpu.dma_semaphore, #tpu.memory_space<semaphore_mem>>)
      %dma_wait3A = arith.constant 0 : i32
      %dma_wait3A_63 = tpu.memref_slice %arg7[%arg0, %add3A_50, %dma_wait3A] : memref<2x10240x80xf32, #tpu.memory_space<hbm>> -> memref<1x128x80xf32, #tpu.memory_space<hbm>>
      %dma_wait3A_64 = tpu.memref_squeeze %dma_wait3A_63 : memref<1x128x80xf32, #tpu.memory_space<hbm>> -> memref<128x80xf32, #tpu.memory_space<hbm>>
      %dma_wait3A_65 = arith.constant 0 : i32
      %dma_wait3A_66 = tpu.memref_slice %arg14[%add3A_48, %dma_wait3A_65] : memref<10240x80xf32, #tpu.memory_space<vmem_shared>> -> memref<128x80xf32, #tpu.memory_space<vmem_shared>>
      tpu.wait_dma2 semaphore(%run_scoped3A : memref<!tpu.dma_semaphore, #tpu.memory_space<semaphore_mem>>) src(%dma_wait3A_66 : memref<128x80xf32, #tpu.memory_space<vmem_shared>>) dst(%dma_wait3A_64 : memref<128x80xf32, #tpu.memory_space<hbm>>)
      tpu.yield
    }) : () -> ()
    %add3A_51 = arith.constant 384 : i32
    %add3A_52 = arith.addi %mul3A_8, %add3A_51 : i32
    %add3A_53 = arith.constant 384 : i32
    %add3A_54 = arith.addi %mul3A_8, %add3A_53 : i32
    "tpu.region"() ({
      %run_scoped3A = tpu.sem_alloc : memref<!tpu.dma_semaphore, #tpu.memory_space<semaphore_mem>>
      %dma_start3A = arith.constant 0 : i32
      %dma_start3A_59 = tpu.memref_slice %arg7[%arg0, %add3A_54, %dma_start3A] : memref<2x10240x80xf32, #tpu.memory_space<hbm>> -> memref<1x128x80xf32, #tpu.memory_space<hbm>>
      %dma_start3A_60 = tpu.memref_squeeze %dma_start3A_59 : memref<1x128x80xf32, #tpu.memory_space<hbm>> -> memref<128x80xf32, #tpu.memory_space<hbm>>
      %dma_start3A_61 = arith.constant 0 : i32
      %dma_start3A_62 = tpu.memref_slice %arg14[%add3A_52, %dma_start3A_61] : memref<10240x80xf32, #tpu.memory_space<vmem_shared>> -> memref<128x80xf32, #tpu.memory_space<vmem_shared>>
      tpu.enqueue_dma source(%dma_start3A_62 : memref<128x80xf32, #tpu.memory_space<vmem_shared>>) target(%dma_start3A_60 : memref<128x80xf32, #tpu.memory_space<hbm>>) target_semaphore(%run_scoped3A : memref<!tpu.dma_semaphore, #tpu.memory_space<semaphore_mem>>)
      %dma_wait3A = arith.constant 0 : i32
      %dma_wait3A_63 = tpu.memref_slice %arg7[%arg0, %add3A_54, %dma_wait3A] : memref<2x10240x80xf32, #tpu.memory_space<hbm>> -> memref<1x128x80xf32, #tpu.memory_space<hbm>>
      %dma_wait3A_64 = tpu.memref_squeeze %dma_wait3A_63 : memref<1x128x80xf32, #tpu.memory_space<hbm>> -> memref<128x80xf32, #tpu.memory_space<hbm>>
      %dma_wait3A_65 = arith.constant 0 : i32
      %dma_wait3A_66 = tpu.memref_slice %arg14[%add3A_52, %dma_wait3A_65] : memref<10240x80xf32, #tpu.memory_space<vmem_shared>> -> memref<128x80xf32, #tpu.memory_space<vmem_shared>>
      tpu.wait_dma2 semaphore(%run_scoped3A : memref<!tpu.dma_semaphore, #tpu.memory_space<semaphore_mem>>) src(%dma_wait3A_66 : memref<128x80xf32, #tpu.memory_space<vmem_shared>>) dst(%dma_wait3A_64 : memref<128x80xf32, #tpu.memory_space<hbm>>)
      tpu.yield
    }) : () -> ()
    %add3A_55 = arith.constant 512 : i32
    %add3A_56 = arith.addi %mul3A_8, %add3A_55 : i32
    %add3A_57 = arith.constant 512 : i32
    %add3A_58 = arith.addi %mul3A_8, %add3A_57 : i32
    "tpu.region"() ({
      %run_scoped3A = tpu.sem_alloc : memref<!tpu.dma_semaphore, #tpu.memory_space<semaphore_mem>>
      %dma_start3A = arith.constant 0 : i32
      %dma_start3A_59 = tpu.memref_slice %arg7[%arg0, %add3A_58, %dma_start3A] : memref<2x10240x80xf32, #tpu.memory_space<hbm>> -> memref<1x128x80xf32, #tpu.memory_space<hbm>>
      %dma_start3A_60 = tpu.memref_squeeze %dma_start3A_59 : memref<1x128x80xf32, #tpu.memory_space<hbm>> -> memref<128x80xf32, #tpu.memory_space<hbm>>
      %dma_start3A_61 = arith.constant 0 : i32
      %dma_start3A_62 = tpu.memref_slice %arg14[%add3A_56, %dma_start3A_61] : memref<10240x80xf32, #tpu.memory_space<vmem_shared>> -> memref<128x80xf32, #tpu.memory_space<vmem_shared>>
      tpu.enqueue_dma source(%dma_start3A_62 : memref<128x80xf32, #tpu.memory_space<vmem_shared>>) target(%dma_start3A_60 : memref<128x80xf32, #tpu.memory_space<hbm>>) target_semaphore(%run_scoped3A : memref<!tpu.dma_semaphore, #tpu.memory_space<semaphore_mem>>)
      %dma_wait3A = arith.constant 0 : i32
      %dma_wait3A_63 = tpu.memref_slice %arg7[%arg0, %add3A_58, %dma_wait3A] : memref<2x10240x80xf32, #tpu.memory_space<hbm>> -> memref<1x128x80xf32, #tpu.memory_space<hbm>>
      %dma_wait3A_64 = tpu.memref_squeeze %dma_wait3A_63 : memref<1x128x80xf32, #tpu.memory_space<hbm>> -> memref<128x80xf32, #tpu.memory_space<hbm>>
      %dma_wait3A_65 = arith.constant 0 : i32
      %dma_wait3A_66 = tpu.memref_slice %arg14[%add3A_56, %dma_wait3A_65] : memref<10240x80xf32, #tpu.memory_space<vmem_shared>> -> memref<128x80xf32, #tpu.memory_space<vmem_shared>>
      tpu.wait_dma2 semaphore(%run_scoped3A : memref<!tpu.dma_semaphore, #tpu.memory_space<semaphore_mem>>) src(%dma_wait3A_66 : memref<128x80xf32, #tpu.memory_space<vmem_shared>>) dst(%dma_wait3A_64 : memref<128x80xf32, #tpu.memory_space<hbm>>)
      tpu.yield
    }) : () -> ()
    return
  }
}

module attributes {stable_mosaic.version = 14 : i64} {
  func.func @_proj_kernel(%arg0: memref<10000x128xf32, #tpu.memory_space<vmem>>, %arg1: memref<128x64xf32, #tpu.memory_space<vmem>>, %arg2: memref<1x64xf32, #tpu.memory_space<vmem>>, %arg3: memref<128x64xf32, #tpu.memory_space<vmem>>, %arg4: memref<1x64xf32, #tpu.memory_space<vmem>>, %arg5: memref<10000x64xf32, #tpu.memory_space<vmem>>, %arg6: memref<10000x64xf32, #tpu.memory_space<vmem>>) attributes {dimension_semantics = [], scalar_prefetch = 0 : i64, scratch_operands = 0 : i64, tpu.core_type = #tpu.core_type<tc>} {
    %get3A = arith.constant 0 : index
    %get3A_0 = arith.constant 0 : index
    %get3A_1 = vector.load %arg0[%get3A, %get3A_0] : memref<10000x128xf32, #tpu.memory_space<vmem>>, vector<10000x128xf32>
    %get3A_2 = arith.constant 0 : index
    %get3A_3 = arith.constant 0 : index
    %get3A_4 = vector.load %arg1[%get3A_2, %get3A_3] : memref<128x64xf32, #tpu.memory_space<vmem>>, vector<128x64xf32>
    %get3A_5 = arith.constant 0 : index
    %get3A_6 = arith.constant 0 : index
    %get3A_7 = vector.load %arg2[%get3A_5, %get3A_6] : memref<1x64xf32, #tpu.memory_space<vmem>>, vector<1x64xf32>
    %dot_general3A = arith.constant dense<0.000000e+00> : vector<10000x64xf32>
    %dot_general3A_8 = tpu.matmul %get3A_1, %get3A_4, %dot_general3A {dimension_numbers = #tpu.dot_dimension_numbers<[1], [0], [0], [1], [0, 0, 1, 1], [], []>, transpose_lhs_hint = false} : vector<10000x128xf32>, vector<128x64xf32>, vector<10000x64xf32> -> vector<10000x64xf32>
    %add3A = vector.broadcast %get3A_7 : vector<1x64xf32> to vector<10000x64xf32>
    %add3A_9 = arith.addf %dot_general3A_8, %add3A : vector<10000x64xf32>
    %swap3A = arith.constant 0 : index
    %swap3A_10 = arith.constant 0 : index
    %swap3A_11 = vector.load %arg5[%swap3A, %swap3A_10] : memref<10000x64xf32, #tpu.memory_space<vmem>>, vector<10000x64xf32>
    tpu.vector_store %arg5[%swap3A, %swap3A_10], %add3A_9 {strides = array<i32>} : memref<10000x64xf32, #tpu.memory_space<vmem>>, vector<10000x64xf32>,
    %get3A_12 = arith.constant 0 : index
    %get3A_13 = arith.constant 0 : index
    %get3A_14 = vector.load %arg3[%get3A_12, %get3A_13] : memref<128x64xf32, #tpu.memory_space<vmem>>, vector<128x64xf32>
    %get3A_15 = arith.constant 0 : index
    %get3A_16 = arith.constant 0 : index
    %get3A_17 = vector.load %arg4[%get3A_15, %get3A_16] : memref<1x64xf32, #tpu.memory_space<vmem>>, vector<1x64xf32>
    %dot_general3A_18 = arith.constant dense<0.000000e+00> : vector<10000x64xf32>
    %dot_general3A_19 = tpu.matmul %get3A_1, %get3A_14, %dot_general3A_18 {dimension_numbers = #tpu.dot_dimension_numbers<[1], [0], [0], [1], [0, 0, 1, 1], [], []>, transpose_lhs_hint = false} : vector<10000x128xf32>, vector<128x64xf32>, vector<10000x64xf32> -> vector<10000x64xf32>
    %add3A_20 = vector.broadcast %get3A_17 : vector<1x64xf32> to vector<10000x64xf32>
    %add3A_21 = arith.addf %dot_general3A_19, %add3A_20 : vector<10000x64xf32>
    %swap3A_22 = arith.constant 0 : index
    %swap3A_23 = arith.constant 0 : index
    %swap3A_24 = vector.load %arg6[%swap3A_22, %swap3A_23] : memref<10000x64xf32, #tpu.memory_space<vmem>>, vector<10000x64xf32>
    tpu.vector_store %arg6[%swap3A_22, %swap3A_23], %add3A_21 {strides = array<i32>} : memref<10000x64xf32, #tpu.memory_space<vmem>>, vector<10000x64xf32>,
    return
  }
}

module attributes {stable_mosaic.version = 14 : i64} {
  func.func @_combine_proj_kernel(%arg0: memref<2x10240x80xf32, #tpu.memory_space<vmem>>, %arg1: memref<1x64xf32, #tpu.memory_space<vmem>>, %arg2: memref<64x64xf32, #tpu.memory_space<vmem>>, %arg3: memref<1x64xf32, #tpu.memory_space<vmem>>, %arg4: memref<64x64xf32, #tpu.memory_space<vmem>>, %arg5: memref<1x64xf32, #tpu.memory_space<vmem>>, %arg6: memref<10000x64xf32, #tpu.memory_space<vmem>>, %arg7: memref<10000x64xf32, #tpu.memory_space<vmem>>) attributes {dimension_semantics = [], scalar_prefetch = 0 : i64, scratch_operands = 0 : i64, tpu.core_type = #tpu.core_type<tc>} {
    %get3A = arith.constant 0 : index
    %get3A_0 = arith.constant 0 : index
    %get3A_1 = arith.constant 0 : index
    %get3A_2 = vector.load %arg0[%get3A, %get3A_0, %get3A_1] : memref<2x10240x80xf32, #tpu.memory_space<vmem>>, vector<2x10240x80xf32>
    %get3A_3 = arith.constant 0 : index
    %get3A_4 = arith.constant 0 : index
    %get3A_5 = vector.load %arg1[%get3A_3, %get3A_4] : memref<1x64xf32, #tpu.memory_space<vmem>>, vector<1x64xf32>
    %slice3A = vector.extract_strided_slice %get3A_2 {offsets = [0, 0, 0], sizes = [1, 10240, 80], strides = [1, 1, 1]} : vector<2x10240x80xf32> to vector<1x10240x80xf32>
    %squeeze3A = vector.shape_cast %slice3A : vector<1x10240x80xf32> to vector<10240x80xf32>
    %slice3A_6 = vector.extract_strided_slice %get3A_2 {offsets = [1, 0, 0], sizes = [1, 10240, 80], strides = [1, 1, 1]} : vector<2x10240x80xf32> to vector<1x10240x80xf32>
    %squeeze3A_7 = vector.shape_cast %slice3A_6 : vector<1x10240x80xf32> to vector<10240x80xf32>
    %add3A = arith.addf %squeeze3A, %squeeze3A_7 : vector<10240x80xf32>
    %slice3A_8 = vector.extract_strided_slice %add3A {offsets = [0, 0], sizes = [10000, 64], strides = [1, 1]} : vector<10240x80xf32> to vector<10000x64xf32>
    %slice3A_9 = vector.extract_strided_slice %add3A {offsets = [0, 64], sizes = [10000, 1], strides = [1, 1]} : vector<10240x80xf32> to vector<10000x1xf32>
    %add3A_10 = arith.constant 1.000000e-16 : f32
    %add3A_11 = vector.broadcast %add3A_10 : f32 to vector<10000x1xf32>
    %add3A_12 = arith.addf %slice3A_9, %add3A_11 : vector<10000x1xf32>
    %div3A = vector.broadcast %add3A_12 : vector<10000x1xf32> to vector<10000x64xf32>
    %div3A_13 = arith.divf %slice3A_8, %div3A : vector<10000x64xf32>
    %add3A_14 = vector.broadcast %get3A_5 : vector<1x64xf32> to vector<10000x64xf32>
    %add3A_15 = arith.addf %div3A_13, %add3A_14 : vector<10000x64xf32>
    %get3A_16 = arith.constant 0 : index
    %get3A_17 = arith.constant 0 : index
    %get3A_18 = vector.load %arg2[%get3A_16, %get3A_17] : memref<64x64xf32, #tpu.memory_space<vmem>>, vector<64x64xf32>
    %get3A_19 = arith.constant 0 : index
    %get3A_20 = arith.constant 0 : index
    %get3A_21 = vector.load %arg3[%get3A_19, %get3A_20] : memref<1x64xf32, #tpu.memory_space<vmem>>, vector<1x64xf32>
    %dot_general3A = arith.constant dense<0.000000e+00> : vector<10000x64xf32>
    %dot_general3A_22 = tpu.matmul %add3A_15, %get3A_18, %dot_general3A {dimension_numbers = #tpu.dot_dimension_numbers<[1], [0], [0], [1], [0, 0, 1, 1], [], []>, transpose_lhs_hint = false} : vector<10000x64xf32>, vector<64x64xf32>, vector<10000x64xf32> -> vector<10000x64xf32>
    %add3A_23 = vector.broadcast %get3A_21 : vector<1x64xf32> to vector<10000x64xf32>
    %add3A_24 = arith.addf %dot_general3A_22, %add3A_23 : vector<10000x64xf32>
    %swap3A = arith.constant 0 : index
    %swap3A_25 = arith.constant 0 : index
    %swap3A_26 = vector.load %arg6[%swap3A, %swap3A_25] : memref<10000x64xf32, #tpu.memory_space<vmem>>, vector<10000x64xf32>
    tpu.vector_store %arg6[%swap3A, %swap3A_25], %add3A_24 {strides = array<i32>} : memref<10000x64xf32, #tpu.memory_space<vmem>>, vector<10000x64xf32>,
    %get3A_27 = arith.constant 0 : index
    %get3A_28 = arith.constant 0 : index
    %get3A_29 = vector.load %arg4[%get3A_27, %get3A_28] : memref<64x64xf32, #tpu.memory_space<vmem>>, vector<64x64xf32>
    %get3A_30 = arith.constant 0 : index
    %get3A_31 = arith.constant 0 : index
    %get3A_32 = vector.load %arg5[%get3A_30, %get3A_31] : memref<1x64xf32, #tpu.memory_space<vmem>>, vector<1x64xf32>
    %dot_general3A_33 = arith.constant dense<0.000000e+00> : vector<10000x64xf32>
    %dot_general3A_34 = tpu.matmul %add3A_15, %get3A_29, %dot_general3A_33 {dimension_numbers = #tpu.dot_dimension_numbers<[1], [0], [0], [1], [0, 0, 1, 1], [], []>, transpose_lhs_hint = false} : vector<10000x64xf32>, vector<64x64xf32>, vector<10000x64xf32> -> vector<10000x64xf32>
    %add3A_35 = vector.broadcast %get3A_32 : vector<1x64xf32> to vector<10000x64xf32>
    %add3A_36 = arith.addf %dot_general3A_34, %add3A_35 : vector<10000x64xf32>
    %swap3A_37 = arith.constant 0 : index
    %swap3A_38 = arith.constant 0 : index
    %swap3A_39 = vector.load %arg7[%swap3A_37, %swap3A_38] : memref<10000x64xf32, #tpu.memory_space<vmem>>, vector<10000x64xf32>
    tpu.vector_store %arg7[%swap3A_37, %swap3A_38], %add3A_36 {strides = array<i32>} : memref<10000x64xf32, #tpu.memory_space<vmem>>, vector<10000x64xf32>,
    return
  }
}

module attributes {stable_mosaic.version = 14 : i64} {
  func.func @_mixed_proj_kernel(%arg0: memref<2x10240x80xf32, #tpu.memory_space<vmem>>, %arg1: memref<1x64xf32, #tpu.memory_space<vmem>>, %arg2: memref<64x64xf32, #tpu.memory_space<vmem>>, %arg3: memref<1x64xf32, #tpu.memory_space<vmem>>, %arg4: memref<10000x128xf32, #tpu.memory_space<vmem>>, %arg5: memref<128x64xf32, #tpu.memory_space<vmem>>, %arg6: memref<1x64xf32, #tpu.memory_space<vmem>>, %arg7: memref<10000x64xf32, #tpu.memory_space<vmem>>, %arg8: memref<10000x64xf32, #tpu.memory_space<vmem>>) attributes {dimension_semantics = [], scalar_prefetch = 0 : i64, scratch_operands = 0 : i64, tpu.core_type = #tpu.core_type<tc>} {
    %get3A = arith.constant 0 : index
    %get3A_0 = arith.constant 0 : index
    %get3A_1 = arith.constant 0 : index
    %get3A_2 = vector.load %arg0[%get3A, %get3A_0, %get3A_1] : memref<2x10240x80xf32, #tpu.memory_space<vmem>>, vector<2x10240x80xf32>
    %get3A_3 = arith.constant 0 : index
    %get3A_4 = arith.constant 0 : index
    %get3A_5 = vector.load %arg1[%get3A_3, %get3A_4] : memref<1x64xf32, #tpu.memory_space<vmem>>, vector<1x64xf32>
    %slice3A = vector.extract_strided_slice %get3A_2 {offsets = [0, 0, 0], sizes = [1, 10240, 80], strides = [1, 1, 1]} : vector<2x10240x80xf32> to vector<1x10240x80xf32>
    %squeeze3A = vector.shape_cast %slice3A : vector<1x10240x80xf32> to vector<10240x80xf32>
    %slice3A_6 = vector.extract_strided_slice %get3A_2 {offsets = [1, 0, 0], sizes = [1, 10240, 80], strides = [1, 1, 1]} : vector<2x10240x80xf32> to vector<1x10240x80xf32>
    %squeeze3A_7 = vector.shape_cast %slice3A_6 : vector<1x10240x80xf32> to vector<10240x80xf32>
    %add3A = arith.addf %squeeze3A, %squeeze3A_7 : vector<10240x80xf32>
    %slice3A_8 = vector.extract_strided_slice %add3A {offsets = [0, 0], sizes = [10000, 64], strides = [1, 1]} : vector<10240x80xf32> to vector<10000x64xf32>
    %slice3A_9 = vector.extract_strided_slice %add3A {offsets = [0, 64], sizes = [10000, 1], strides = [1, 1]} : vector<10240x80xf32> to vector<10000x1xf32>
    %add3A_10 = arith.constant 1.000000e-16 : f32
    %add3A_11 = vector.broadcast %add3A_10 : f32 to vector<10000x1xf32>
    %add3A_12 = arith.addf %slice3A_9, %add3A_11 : vector<10000x1xf32>
    %div3A = vector.broadcast %add3A_12 : vector<10000x1xf32> to vector<10000x64xf32>
    %div3A_13 = arith.divf %slice3A_8, %div3A : vector<10000x64xf32>
    %add3A_14 = vector.broadcast %get3A_5 : vector<1x64xf32> to vector<10000x64xf32>
    %add3A_15 = arith.addf %div3A_13, %add3A_14 : vector<10000x64xf32>
    %get3A_16 = arith.constant 0 : index
    %get3A_17 = arith.constant 0 : index
    %get3A_18 = vector.load %arg2[%get3A_16, %get3A_17] : memref<64x64xf32, #tpu.memory_space<vmem>>, vector<64x64xf32>
    %get3A_19 = arith.constant 0 : index
    %get3A_20 = arith.constant 0 : index
    %get3A_21 = vector.load %arg3[%get3A_19, %get3A_20] : memref<1x64xf32, #tpu.memory_space<vmem>>, vector<1x64xf32>
    %dot_general3A = arith.constant dense<0.000000e+00> : vector<10000x64xf32>
    %dot_general3A_22 = tpu.matmul %add3A_15, %get3A_18, %dot_general3A {dimension_numbers = #tpu.dot_dimension_numbers<[1], [0], [0], [1], [0, 0, 1, 1], [], []>, transpose_lhs_hint = false} : vector<10000x64xf32>, vector<64x64xf32>, vector<10000x64xf32> -> vector<10000x64xf32>
    %add3A_23 = vector.broadcast %get3A_21 : vector<1x64xf32> to vector<10000x64xf32>
    %add3A_24 = arith.addf %dot_general3A_22, %add3A_23 : vector<10000x64xf32>
    %swap3A = arith.constant 0 : index
    %swap3A_25 = arith.constant 0 : index
    %swap3A_26 = vector.load %arg7[%swap3A, %swap3A_25] : memref<10000x64xf32, #tpu.memory_space<vmem>>, vector<10000x64xf32>
    tpu.vector_store %arg7[%swap3A, %swap3A_25], %add3A_24 {strides = array<i32>} : memref<10000x64xf32, #tpu.memory_space<vmem>>, vector<10000x64xf32>,
    %get3A_27 = arith.constant 0 : index
    %get3A_28 = arith.constant 0 : index
    %get3A_29 = vector.load %arg4[%get3A_27, %get3A_28] : memref<10000x128xf32, #tpu.memory_space<vmem>>, vector<10000x128xf32>
    %get3A_30 = arith.constant 0 : index
    %get3A_31 = arith.constant 0 : index
    %get3A_32 = vector.load %arg5[%get3A_30, %get3A_31] : memref<128x64xf32, #tpu.memory_space<vmem>>, vector<128x64xf32>
    %get3A_33 = arith.constant 0 : index
    %get3A_34 = arith.constant 0 : index
    %get3A_35 = vector.load %arg6[%get3A_33, %get3A_34] : memref<1x64xf32, #tpu.memory_space<vmem>>, vector<1x64xf32>
    %dot_general3A_36 = arith.constant dense<0.000000e+00> : vector<10000x64xf32>
    %dot_general3A_37 = tpu.matmul %get3A_29, %get3A_32, %dot_general3A_36 {dimension_numbers = #tpu.dot_dimension_numbers<[1], [0], [0], [1], [0, 0, 1, 1], [], []>, transpose_lhs_hint = false} : vector<10000x128xf32>, vector<128x64xf32>, vector<10000x64xf32> -> vector<10000x64xf32>
    %add3A_38 = vector.broadcast %get3A_35 : vector<1x64xf32> to vector<10000x64xf32>
    %add3A_39 = arith.addf %dot_general3A_37, %add3A_38 : vector<10000x64xf32>
    %swap3A_40 = arith.constant 0 : index
    %swap3A_41 = arith.constant 0 : index
    %swap3A_42 = vector.load %arg8[%swap3A_40, %swap3A_41] : memref<10000x64xf32, #tpu.memory_space<vmem>>, vector<10000x64xf32>
    tpu.vector_store %arg8[%swap3A_40, %swap3A_41], %add3A_39 {strides = array<i32>} : memref<10000x64xf32, #tpu.memory_space<vmem>>, vector<10000x64xf32>,
    return
  }
}

module attributes {stable_mosaic.version = 14 : i64} {
  func.func @_final_kernel(%arg0: memref<2x10240x80xf32, #tpu.memory_space<vmem>>, %arg1: memref<1x64xf32, #tpu.memory_space<vmem>>, %arg2: memref<10000x128xf32, #tpu.memory_space<vmem>>, %arg3: memref<64x64xf32, #tpu.memory_space<vmem>>, %arg4: memref<64x64xf32, #tpu.memory_space<vmem>>, %arg5: memref<64x1xf32, #tpu.memory_space<vmem>>, %arg6: memref<1x64xf32, #tpu.memory_space<vmem>>, %arg7: memref<1x64xf32, #tpu.memory_space<vmem>>, %arg8: memref<1x1xf32, #tpu.memory_space<vmem>>, %arg9: memref<64x64xf32, #tpu.memory_space<vmem>>, %arg10: memref<64x1xf32, #tpu.memory_space<vmem>>, %arg11: memref<128x1xf32, #tpu.memory_space<vmem>>, %arg12: memref<128x64xf32, #tpu.memory_space<vmem>>, %arg13: memref<1x64xf32, #tpu.memory_space<vmem>>, %arg14: memref<1x1xf32, #tpu.memory_space<vmem>>, %arg15: memref<1x1xf32, #tpu.memory_space<vmem>>, %arg16: memref<1x64xf32, #tpu.memory_space<vmem>>, %arg17: memref<10000x1xf32, #tpu.memory_space<vmem>>) attributes {dimension_semantics = [], scalar_prefetch = 0 : i64, scratch_operands = 0 : i64, tpu.core_type = #tpu.core_type<tc>} {
    %get3A = arith.constant 0 : index
    %get3A_0 = arith.constant 0 : index
    %get3A_1 = arith.constant 0 : index
    %get3A_2 = vector.load %arg0[%get3A, %get3A_0, %get3A_1] : memref<2x10240x80xf32, #tpu.memory_space<vmem>>, vector<2x10240x80xf32>
    %get3A_3 = arith.constant 0 : index
    %get3A_4 = arith.constant 0 : index
    %get3A_5 = vector.load %arg1[%get3A_3, %get3A_4] : memref<1x64xf32, #tpu.memory_space<vmem>>, vector<1x64xf32>
    %slice3A = vector.extract_strided_slice %get3A_2 {offsets = [0, 0, 0], sizes = [1, 10240, 80], strides = [1, 1, 1]} : vector<2x10240x80xf32> to vector<1x10240x80xf32>
    %squeeze3A = vector.shape_cast %slice3A : vector<1x10240x80xf32> to vector<10240x80xf32>
    %slice3A_6 = vector.extract_strided_slice %get3A_2 {offsets = [1, 0, 0], sizes = [1, 10240, 80], strides = [1, 1, 1]} : vector<2x10240x80xf32> to vector<1x10240x80xf32>
    %squeeze3A_7 = vector.shape_cast %slice3A_6 : vector<1x10240x80xf32> to vector<10240x80xf32>
    %add3A = arith.addf %squeeze3A, %squeeze3A_7 : vector<10240x80xf32>
    %slice3A_8 = vector.extract_strided_slice %add3A {offsets = [0, 0], sizes = [10000, 64], strides = [1, 1]} : vector<10240x80xf32> to vector<10000x64xf32>
    %slice3A_9 = vector.extract_strided_slice %add3A {offsets = [0, 64], sizes = [10000, 1], strides = [1, 1]} : vector<10240x80xf32> to vector<10000x1xf32>
    %add3A_10 = arith.constant 1.000000e-16 : f32
    %add3A_11 = vector.broadcast %add3A_10 : f32 to vector<10000x1xf32>
    %add3A_12 = arith.addf %slice3A_9, %add3A_11 : vector<10000x1xf32>
    %div3A = vector.broadcast %add3A_12 : vector<10000x1xf32> to vector<10000x64xf32>
    %div3A_13 = arith.divf %slice3A_8, %div3A : vector<10000x64xf32>
    %add3A_14 = vector.broadcast %get3A_5 : vector<1x64xf32> to vector<10000x64xf32>
    %add3A_15 = arith.addf %div3A_13, %add3A_14 : vector<10000x64xf32>
    %get3A_16 = arith.constant 0 : index
    %get3A_17 = arith.constant 0 : index
    %get3A_18 = vector.load %arg3[%get3A_16, %get3A_17] : memref<64x64xf32, #tpu.memory_space<vmem>>, vector<64x64xf32>
    %get3A_19 = arith.constant 0 : index
    %get3A_20 = arith.constant 0 : index
    %get3A_21 = vector.load %arg4[%get3A_19, %get3A_20] : memref<64x64xf32, #tpu.memory_space<vmem>>, vector<64x64xf32>
    %get3A_22 = arith.constant 0 : index
    %get3A_23 = arith.constant 0 : index
    %get3A_24 = vector.load %arg5[%get3A_22, %get3A_23] : memref<64x1xf32, #tpu.memory_space<vmem>>, vector<64x1xf32>
    %get3A_25 = arith.constant 0 : index
    %get3A_26 = arith.constant 0 : index
    %get3A_27 = vector.load %arg6[%get3A_25, %get3A_26] : memref<1x64xf32, #tpu.memory_space<vmem>>, vector<1x64xf32>
    %get3A_28 = arith.constant 0 : index
    %get3A_29 = arith.constant 0 : index
    %get3A_30 = vector.load %arg7[%get3A_28, %get3A_29] : memref<1x64xf32, #tpu.memory_space<vmem>>, vector<1x64xf32>
    %get3A_31 = arith.constant 0 : index
    %get3A_32 = arith.constant 0 : index
    %get3A_33 = vector.load %arg8[%get3A_31, %get3A_32] : memref<1x1xf32, #tpu.memory_space<vmem>>, vector<1x1xf32>
    %get3A_34 = arith.constant 0 : index
    %get3A_35 = arith.constant 0 : index
    %get3A_36 = vector.load %arg9[%get3A_34, %get3A_35] : memref<64x64xf32, #tpu.memory_space<vmem>>, vector<64x64xf32>
    %get3A_37 = arith.constant 0 : index
    %get3A_38 = arith.constant 0 : index
    %get3A_39 = vector.load %arg10[%get3A_37, %get3A_38] : memref<64x1xf32, #tpu.memory_space<vmem>>, vector<64x1xf32>
    %get3A_40 = arith.constant 0 : index
    %get3A_41 = arith.constant 0 : index
    %get3A_42 = vector.load %arg11[%get3A_40, %get3A_41] : memref<128x1xf32, #tpu.memory_space<vmem>>, vector<128x1xf32>
    %get3A_43 = arith.constant 0 : index
    %get3A_44 = arith.constant 0 : index
    %get3A_45 = vector.load %arg12[%get3A_43, %get3A_44] : memref<128x64xf32, #tpu.memory_space<vmem>>, vector<128x64xf32>
    %get3A_46 = arith.constant 0 : index
    %get3A_47 = arith.constant 0 : index
    %get3A_48 = vector.load %arg13[%get3A_46, %get3A_47] : memref<1x64xf32, #tpu.memory_space<vmem>>, vector<1x64xf32>
    %get3A_49 = arith.constant 0 : index
    %get3A_50 = arith.constant 0 : index
    %get3A_51 = vector.load %arg14[%get3A_49, %get3A_50] : memref<1x1xf32, #tpu.memory_space<vmem>>, vector<1x1xf32>
    %get3A_52 = arith.constant 0 : index
    %get3A_53 = arith.constant 0 : index
    %get3A_54 = vector.load %arg15[%get3A_52, %get3A_53] : memref<1x1xf32, #tpu.memory_space<vmem>>, vector<1x1xf32>
    %get3A_55 = arith.constant 0 : index
    %get3A_56 = arith.constant 0 : index
    %get3A_57 = vector.load %arg16[%get3A_55, %get3A_56] : memref<1x64xf32, #tpu.memory_space<vmem>>, vector<1x64xf32>
    %dot_general3A = arith.constant dense<0.000000e+00> : vector<10000x64xf32>
    %dot_general3A_58 = tpu.matmul %add3A_15, %get3A_18, %dot_general3A {dimension_numbers = #tpu.dot_dimension_numbers<[1], [0], [0], [1], [0, 0, 1, 1], [], []>, transpose_lhs_hint = false} : vector<10000x64xf32>, vector<64x64xf32>, vector<10000x64xf32> -> vector<10000x64xf32>
    %add3A_59 = vector.broadcast %get3A_27 : vector<1x64xf32> to vector<10000x64xf32>
    %add3A_60 = arith.addf %dot_general3A_58, %add3A_59 : vector<10000x64xf32>
    %max3A = arith.constant 0.000000e+00 : f32
    %max3A_61 = vector.broadcast %max3A : f32 to vector<10000x64xf32>
    %max3A_62 = arith.maximumf %add3A_60, %max3A_61 : vector<10000x64xf32>
    %dot_general3A_63 = arith.constant dense<0.000000e+00> : vector<10000x64xf32>
    %dot_general3A_64 = tpu.matmul %max3A_62, %get3A_21, %dot_general3A_63 {dimension_numbers = #tpu.dot_dimension_numbers<[1], [0], [0], [1], [0, 0, 1, 1], [], []>, transpose_lhs_hint = false} : vector<10000x64xf32>, vector<64x64xf32>, vector<10000x64xf32> -> vector<10000x64xf32>
    %add3A_65 = vector.broadcast %get3A_30 : vector<1x64xf32> to vector<10000x64xf32>
    %add3A_66 = arith.addf %dot_general3A_64, %add3A_65 : vector<10000x64xf32>
    %max3A_67 = arith.constant 0.000000e+00 : f32
    %max3A_68 = vector.broadcast %max3A_67 : f32 to vector<10000x64xf32>
    %max3A_69 = arith.maximumf %add3A_66, %max3A_68 : vector<10000x64xf32>
    %dot_general3A_70 = arith.constant dense<0.000000e+00> : vector<10000x1xf32>
    %dot_general3A_71 = tpu.matmul %max3A_69, %get3A_24, %dot_general3A_70 {dimension_numbers = #tpu.dot_dimension_numbers<[1], [0], [0], [1], [0, 0, 1, 1], [], []>, transpose_lhs_hint = false} : vector<10000x64xf32>, vector<64x1xf32>, vector<10000x1xf32> -> vector<10000x1xf32>
    %add3A_72 = vector.broadcast %get3A_33 : vector<1x1xf32> to vector<10000x1xf32>
    %add3A_73 = arith.addf %dot_general3A_71, %add3A_72 : vector<10000x1xf32>
    %get3A_74 = arith.constant 0 : index
    %get3A_75 = arith.constant 0 : index
    %get3A_76 = vector.load %arg2[%get3A_74, %get3A_75] : memref<10000x128xf32, #tpu.memory_space<vmem>>, vector<10000x128xf32>
    %dot_general3A_77 = arith.constant dense<0.000000e+00> : vector<10000x1xf32>
    %dot_general3A_78 = tpu.matmul %get3A_76, %get3A_42, %dot_general3A_77 {dimension_numbers = #tpu.dot_dimension_numbers<[1], [0], [0], [1], [0, 0, 1, 1], [], []>, transpose_lhs_hint = false} : vector<10000x128xf32>, vector<128x1xf32>, vector<10000x1xf32> -> vector<10000x1xf32>
    %add3A_79 = vector.broadcast %get3A_54 : vector<1x1xf32> to vector<10000x1xf32>
    %add3A_80 = arith.addf %dot_general3A_78, %add3A_79 : vector<10000x1xf32>
    %dot_general3A_81 = arith.constant dense<0.000000e+00> : vector<10000x64xf32>
    %dot_general3A_82 = tpu.matmul %get3A_76, %get3A_45, %dot_general3A_81 {dimension_numbers = #tpu.dot_dimension_numbers<[1], [0], [0], [1], [0, 0, 1, 1], [], []>, transpose_lhs_hint = false} : vector<10000x128xf32>, vector<128x64xf32>, vector<10000x64xf32> -> vector<10000x64xf32>
    %add3A_83 = vector.broadcast %get3A_57 : vector<1x64xf32> to vector<10000x64xf32>
    %add3A_84 = arith.addf %dot_general3A_82, %add3A_83 : vector<10000x64xf32>
    %max3A_85 = arith.constant 0.000000e+00 : f32
    %max3A_86 = vector.broadcast %max3A_85 : f32 to vector<10000x64xf32>
    %max3A_87 = arith.maximumf %add3A_84, %max3A_86 : vector<10000x64xf32>
    %dot_general3A_88 = arith.constant dense<0.000000e+00> : vector<10000x64xf32>
    %dot_general3A_89 = tpu.matmul %max3A_87, %get3A_36, %dot_general3A_88 {dimension_numbers = #tpu.dot_dimension_numbers<[1], [0], [0], [1], [0, 0, 1, 1], [], []>, transpose_lhs_hint = false} : vector<10000x64xf32>, vector<64x64xf32>, vector<10000x64xf32> -> vector<10000x64xf32>
    %add3A_90 = vector.broadcast %get3A_48 : vector<1x64xf32> to vector<10000x64xf32>
    %add3A_91 = arith.addf %dot_general3A_89, %add3A_90 : vector<10000x64xf32>
    %max3A_92 = arith.constant 0.000000e+00 : f32
    %max3A_93 = vector.broadcast %max3A_92 : f32 to vector<10000x64xf32>
    %max3A_94 = arith.maximumf %add3A_91, %max3A_93 : vector<10000x64xf32>
    %dot_general3A_95 = arith.constant dense<0.000000e+00> : vector<10000x64xf32>
    %dot_general3A_96 = tpu.matmul %max3A_94, %get3A_36, %dot_general3A_95 {dimension_numbers = #tpu.dot_dimension_numbers<[1], [0], [0], [1], [0, 0, 1, 1], [], []>, transpose_lhs_hint = false} : vector<10000x64xf32>, vector<64x64xf32>, vector<10000x64xf32> -> vector<10000x64xf32>
    %add3A_97 = vector.broadcast %get3A_48 : vector<1x64xf32> to vector<10000x64xf32>
    %add3A_98 = arith.addf %dot_general3A_96, %add3A_97 : vector<10000x64xf32>
    %max3A_99 = arith.constant 0.000000e+00 : f32
    %max3A_100 = vector.broadcast %max3A_99 : f32 to vector<10000x64xf32>
    %max3A_101 = arith.maximumf %add3A_98, %max3A_100 : vector<10000x64xf32>
    %dot_general3A_102 = arith.constant dense<0.000000e+00> : vector<10000x1xf32>
    %dot_general3A_103 = tpu.matmul %max3A_101, %get3A_39, %dot_general3A_102 {dimension_numbers = #tpu.dot_dimension_numbers<[1], [0], [0], [1], [0, 0, 1, 1], [], []>, transpose_lhs_hint = false} : vector<10000x64xf32>, vector<64x1xf32>, vector<10000x1xf32> -> vector<10000x1xf32>
    %add3A_104 = vector.broadcast %get3A_51 : vector<1x1xf32> to vector<10000x1xf32>
    %add3A_105 = arith.addf %dot_general3A_103, %add3A_104 : vector<10000x1xf32>
    %add3A_106 = arith.addf %add3A_80, %add3A_105 : vector<10000x1xf32>
    %add3A_107 = arith.addf %add3A_106, %add3A_73 : vector<10000x1xf32>
    %swap3A = arith.constant 0 : index
    %swap3A_108 = arith.constant 0 : index
    %swap3A_109 = vector.load %arg17[%swap3A, %swap3A_108] : memref<10000x1xf32, #tpu.memory_space<vmem>>, vector<10000x1xf32>
    tpu.vector_store %arg17[%swap3A, %swap3A_108], %add3A_107 {strides = array<i32>} : memref<10000x1xf32, #tpu.memory_space<vmem>>, vector<10000x1xf32>,
    return
  }
}

</mosaic_0001>

<sc_bundles>
// kernel: kernel.12.cloned.1.call-start
scs
__scs_entry_jumppad:
0x0: {  	(pc) =	sbr.rel $0x88, $3  }
0x1: {  	(tag) =	ssettag $0x0;
	lr =	simm.s32 $0x1  }
0x2: {  	[smem:$0x3F7D] =	sst lr;
	_ =	strace $0xD0000000  }
0x3: {  	_ = 	snop  }
0x4: {  	_ = 	snop  }
0x5: {  	_ = 	snop  }
0x6: {  	_ = 	snop  }
0x7: {  	_ = 	snop  }
__scs_overlays_trampoline_lowered:
0x8: {  	[smem:$0x3F8C] =	sst s0  }
0x9: {  	[smem:$0x3F8D] =	sst s1  }
0xa: {  	[smem:$0x3F8E] =	sst s2  }
0xb: {  	[smem:$0x3F8F] =	sst s3  }
0xc: {  	[smem:$0x3F90] =	sst s4  }
0xd: {  	[smem:$0x3F91] =	sst s5  }
0xe: {  	[smem:$0x3F92] =	sst s6  }
0xf: {  	[smem:$0x3F93] =	sst s7  }
0x10: {  	[smem:$0x3F94] =	sst s8  }
0x11: {  	[smem:$0x3F95] =	sst s9;
	s0 =	simm.s32 @!p0 $0x0  }
0x12: {  	s1 =	sld [smem:$0x3F7B];
	s0 =	simm.s32 @p0 $0x1  }
0x13: {  	[smem:$0x3F96] =	sst s0;
	s0 =	simm.s32 @!p1 $0x0  }
0x14: {  	s2 =	sld [smem:$0x3F7A];
	s0 =	simm.s32 @p1 $0x1  }
0x15: {  	[smem:$0x3F97] =	sst s0;
	s0 =	simm.s32 @!p2 $0x0  }
0x16: {  	s3 =	sld [smem:$0x3FDB];
	s0 =	simm.s32 @p2 $0x1  }
0x17: {  	s4 =	simm.s32 $0x1BF5;
	[smem:$0x3F99] =	sst s0  }
0x18: {  	s0 =	sld [smem:$0x3F7C];
	_ =	swait.ge [sflag:s4], $0x0  }
0x19: {  	s7 =	sld [smem:$0x3F7D]  }
0x1a: {  	s8 =	sadd.s32 $0xFFFFE003, lr  }
0x1b: {  	s9 =	sadd.s32 $0xFFFFFEF7, lr;
	s5 =	simm.s32 $0xFFFFFFFF;
	p2 =	slt.u32 s8, $0xFFFFF086  }
0x1c: {  	p1 =	slt.u32 s9, $0xF7A;
	s5 =	simm.s32 @!p2 $0x0  }
0x1d: {  	s5 =	simm.s32 @p1 $0x1;
	p0 =	seq.s32 s7, s2  }
0x1e: {  	s7 =	smul.u32 @!p0 $0xF7A, s2;
	p2 =	seq.s32 @!p0 s5, $0x0  }
0x1f: {  	s9 =	smul.u32 $0xF7A, s1;
	s8 =	simm.s32 @!p0 $0x1BF5;
	p2 =	por !p2, p0  }
0x20: {  	[sflag:s8] =	ssyncset.s32 @!p0 $0xFFFFF086;
	s6 =	sadd.s32 @!p0 s3, s7;
	s7 =	simm.s32 @!p0 $0x108  }
0x21: {  	s3 =	sadd.s32 s3, s9;
	s6 =	sadd.s32 @!p0 $0x88, s6;
	s7 =	simm.s32 @p2 $0x1082  }
0x22: {  	[simem:s7], [sflag:s8] =	dma.local @!p0 [hbm:s6], $0xF7A  }
0x23: {  	s9 =	sor.u32 $0xD0000000, s2;
	s6 =	simm.s32 $0x108;
	_ =	swait.ge @!p0 [sflag:s8], $0x0  }
0x24: {  	s3 =	sadd.s32 $0x88, s3;
	s6 =	simm.s32 @!p1 $0x1082;
	[sflag:s4] =	ssyncset.s32 $0xFFFFF086  }
0x25: {  	[simem:s6], [sflag:s4] =	dma.local [hbm:s3], $0xF7A  }
0x26: {  	[smem:$0x3F7D] =	sst s1;
	(tag) =	ssettag s2;
	_ =	strace s9  }
0x27: {  	s1 =	sld [smem:$0x3F8D]  }
0x28: {  	s2 =	sld [smem:$0x3F8E]  }
0x29: {  	s4 =	sld [smem:$0x3F90]  }
0x2a: {  	p0 =	seq.s32 s5, $0x0;
	s5 =	sld [smem:$0x3F91]  }
0x2b: {  	s6 =	sld [smem:$0x3F92]  }
0x2c: {  	s7 =	sld [smem:$0x3F93]  }
0x2d: {  	s3 =	simm.s32 $0x108;
	s8 =	sld [smem:$0x3F94]  }
0x2e: {  	s3 =	simm.s32 @!p0 $0x1082;
	s9 =	sld [smem:$0x3F95]  }
0x2f: {  	lr =	sadd.s32 s0, s3;
	s0 =	sld [smem:$0x3F8C]  }
0x30: {  	s3 =	sld [smem:$0x3F8F]  }
0x31: {  	[smem:$0x3F98] =	sst s10  }
0x32: {  	s10 =	sld [smem:$0x3F96];
	_ =	sdelay $0x3  }
0x33: {  	p0 =	seq.s32 s10, $0x1;
	s10 =	sld [smem:$0x3F98];
	_ =	sdelay $0x3  }
0x34: {  	[smem:$0x3F98] =	sst s10  }
0x35: {  	s10 =	sld [smem:$0x3F97];
	_ =	sdelay $0x3  }
0x36: {  	p1 =	seq.s32 s10, $0x1;
	s10 =	sld [smem:$0x3F98];
	_ =	sdelay $0x3  }
0x37: {  	[smem:$0x3F98] =	sst s10  }
0x38: {  	s10 =	sld [smem:$0x3F99]  }
0x39: {  	_ = 	snop;
	(pc) =	sbr.ind lr, $3  }
0x3a: {  	_ = 	snop  }
0x3b: {  	_ = 	snop  }
0x3c: {  	p2 =	seq.s32 s10, $0x1;
	s10 =	sld [smem:$0x3F98]  }
0x3d: {  	_ =	shalt  }
0x3e: {  	_ =	shalt  }
0x3f: {  	_ =	shalt  }
0x40: {  	_ =	shalt  }
0x41: {  	_ =	shalt  }
0x42: {  	_ =	shalt  }
0x43: {  	_ =	shalt  }
0x44: {  	_ =	shalt  }
0x45: {  	_ =	shalt  }
0x46: {  	_ =	shalt  }
0x47: {  	_ =	shalt  }
0x48: {  	_ =	shalt  }
0x49: {  	_ =	shalt  }
0x4a: {  	_ =	shalt  }
0x4b: {  	_ =	shalt  }
0x4c: {  	_ =	shalt  }
0x4d: {  	_ =	shalt  }
0x4e: {  	_ =	shalt  }
0x4f: {  	_ =	shalt  }
0x50: {  	_ =	shalt  }
0x51: {  	_ =	shalt  }
0x52: {  	_ =	shalt  }
0x53: {  	_ =	shalt  }
0x54: {  	_ =	shalt  }
0x55: {  	_ =	shalt  }
0x56: {  	_ =	shalt  }
0x57: {  	_ =	shalt  }
0x58: {  	_ =	shalt  }
0x59: {  	_ =	shalt  }
0x5a: {  	_ =	shalt  }
0x5b: {  	_ =	shalt  }
0x5c: {  	_ =	shalt  }
0x5d: {  	_ =	shalt  }
0x5e: {  	_ =	shalt  }
0x5f: {  	_ =	shalt  }
0x60: {  	_ =	shalt  }
0x61: {  	_ =	shalt  }
0x62: {  	_ =	shalt  }
0x63: {  	_ =	shalt  }
0x64: {  	_ =	shalt  }
0x65: {  	_ =	shalt  }
0x66: {  	_ =	shalt  }
0x67: {  	_ =	shalt  }
0x68: {  	_ =	shalt  }
0x69: {  	_ =	shalt  }
0x6a: {  	_ =	shalt  }
0x6b: {  	_ =	shalt  }
0x6c: {  	_ =	shalt  }
0x6d: {  	_ =	shalt  }
0x6e: {  	_ =	shalt  }
0x6f: {  	_ =	shalt  }
0x70: {  	_ =	shalt  }
0x71: {  	_ =	shalt  }
0x72: {  	_ =	shalt  }
0x73: {  	_ =	shalt  }
0x74: {  	_ =	shalt  }
0x75: {  	_ =	shalt  }
0x76: {  	_ =	shalt  }
0x77: {  	_ =	shalt  }
0x78: {  	_ =	shalt  }
0x79: {  	_ =	shalt  }
0x7a: {  	_ =	shalt  }
0x7b: {  	_ =	shalt  }
0x7c: {  	_ =	shalt  }
0x7d: {  	_ =	shalt  }
0x7e: {  	_ =	shalt  }
0x7f: {  	_ =	shalt  }
0x80: {  	_ =	shalt  }
0x81: {  	_ =	shalt  }
0x82: {  	_ =	shalt  }
0x83: {  	_ =	shalt  }
0x84: {  	_ =	shalt  }
0x85: {  	_ =	shalt  }
0x86: {  	_ =	shalt  }
0x87: {  	_ =	shalt  }
.Lfunc_end0:
.L_simem_size_0:
called_computation.1_lowered:
.L_overlay_start_0:
0x88: {  	s2 =	sld [smem:$0x3FD9]  }
0x89: {  	s3 =	sld [smem:$0x3FFE];
	_ =	sdelay $0x1  }
0x8a: {  	s1 =	srdreg.scid  }
0x8b: {  	s0 =	sand.u32 $0x1, s1  }
0x8c: {  	s17 =	sshll.u32 s0, $0xA;
	s2 =	sadd.s32 s3, s2  }
0x8d: {  	s2 =	sadd.s32 s2, s17  }
0x8e: {  	[smem:$0x3FA4] =	sst s2  }
0x8f: {  	_ = 	snop  }
0x90: {  	s2 =	sld [smem:$0x3FBD];
	(tm) =	ssettm $0x1  }
0x91: {  	s18 =	sld [smem:$0x3FFB];
	_ =	sdelay $0x3  }
0x92: {  	_ =	strace s18  }
0x93: {  	s3 =	sld [smem:$0x3FFC];
	_ =	sdelay $0x3  }
0x94: {  	_ =	strace s3  }
0x95: {  	s3 =	sld [smem:$0x3FFD];
	_ =	sdelay $0x3  }
0x96: {  	_ =	strace s3  }
0x97: {  	_ =	strace $0x8FFFFFFF  }
0x98: {  	s19 =	sld [smem:$0x3FDB];
	_ =	sdelay $0x1  }
0x99: {  	s4 =	simm.s32 $_scs_section_size  }
0x9a: {  	s5 =	simm.s32 $_size__tile_overlayer_lowered;
	s6 =	simm.s32 $_tile_overlayer_lowered  }
0x9b: {  	s22 =	simm.s32 $0x1BFF;
	s21 =	sshll.u32 s6, $0x1;
	s3 =	sadd.s32 s4, s19  }
0x9c: {  	s7 =	simm.s32 $0x0;
	s20 =	sshll.u32 s5, $0x1;
	s5 =	sadd.s32 s21, s3  }
0x9d: {  	[timem:s7], [sflag:s22] =	dma.local [hbm:s5], s20  }
0x9e: {  	_ =	swait.ge [sflag:s22], s20  }
0x9f: {  	s4 =	ssub.s32 $0x0, s20;
	[sflag:s22] =	ssyncset.done $0x0  }
0xa0: {  	[sflag:s22] =	ssyncadd.s32 s4;
	_ =	sdelay $0x1  }
0xa1: {  	s23 =	simm.s32 $0x1B8B  }
0xa2: {  	_ =	swait.ge [sflag:s23], $0x1  }
0xa3: {  	[sflag:s23] =	ssyncset.done $0x0  }
0xa4: {  	s25 =	simm.s32 $0x1B8E;
	s24 =	sld [smem:$0x3FFE];
	[sflag:s23] =	ssyncadd.s32 $0xFFFFFFFF  }
0xa5: {  	s26 =	simm.s32 $execute0_lowered;
	[smem:$0x3FD2] =	sst s25  }
0xa6: {  	s5 =	sshll.u32 s26, $0x1;
	_ =	strace $0x80000049;
	[dreg:$0x1] =	wrdreg $0xFFFFFFFF  }
0xa7: {  	s28 =	simm.s32 $_size_execute0_lowered;
	s3 =	sadd.s32 s3, s5;
	[dreg:$0x0] =	wrdreg $0x0  }
0xa8: {  	s5 =	sshll.u32 s28, $0x1;
	[dreg:$0x2] =	wrdreg s3  }
0xa9: {  	[dreg:$0x3] =	wrdreg s5  }
0xaa: {  	[dreg:$0x4] =	wrdreg $0xC0  }
0xab: {  	_ =	task [dreg:s7], $0x5FFFF  }
0xac: {  	[dreg:$0x1] =	wrdreg $0xFFFFFFFF  }
0xad: {  	[dreg:$0x0] =	wrdreg $0x60  }
0xae: {  	[dreg:$0x2] =	wrdreg s24  }
0xaf: {  	[dreg:$0x3] =	wrdreg s2  }
0xb0: {  	[dreg:$0x4] =	wrdreg $0x69400  }
0xb1: {  	[dreg:$0x5] =	wrdreg $0x9  }
0xb2: {  	_ =	task.clear_ibuf [dreg:s7], $0x6FFFF;
	_ =	strace $0x90000049  }
0xb3: {  	s29 =	simm.s32 $0x9;
	_ =	strace $0x8000004B  }
0xb4: {  	_ =	swait.ge [sflag:s29], $0x1  }
0xb5: {  	[sflag:s29] =	ssyncadd.s32 $0xFFFFFFFF  }
0xb6: {  	_ =	strace $0x9000004B  }
0xb7: {  	_ =	sfence  }
0xb8: {  	s30 =	sld [smem:$0x0];
	_ =	sdelay $0x2  }
0xb9: {  	s31 =	sshll.u32 s1, $0xD;
	s1 =	sshrl.u32 s1, $0x2  }
0xba: {  	s3 =	sand.u32 $0x4000, s31;
	s1 =	sadd.s32 s1, s30  }
0xbb: {  	s0 =	sor.u32 s3, s0;
	s1 =	sshll.u32 s1, $0x11  }
0xbc: {  	s0 =	sor.u32 s1, s0  }
0xbd: {  	s0 =	sadd.s32 $0x8F2B, s0  }
0xbe: {  	[sflag:s0] =	ssyncadd.remote.s32 $0x1  }
0xbf: {  	_ =	sfence.sel $0xFFFF  }
0xc0: {  	[dreg:$0x0] =	wrdreg $0xFFFFFFFF;
	(pc) =	sbr.abs _section_cstart, $3  }
0xc1: {  	[dreg:$0x1] =	wrdreg $0xFFFFFFFF  }
0xc2: {  	_ =	task.clear_ibuf [dreg:s7], $0x2FFFF;
	_ =	strace $0x9FFFFFFF  }
0xc3: {  	(tm) =	ssettm $0x7FFFFFFF  }
tec
execute0_lowered:
.L_overlay_start_1:
0x0: {  	(tag) =	ssettag $0x1  }
0x1: {  	s0 =	rddreg [dreg:$0x0]  }
0x2: {  	s2 =	rddreg [dreg:$0x2]  }
0x3: {  	s3 =	simm.s32 $0x0;
	s1 =	srdreg.scid;
	s4 =	stileid.u32  }
0x4: {  	s22 =	simm.s32 $0x2;
	s23 =	simm.s32 $0x6900;
	s24 =	simm.s32 $0x80  }
0x5: {  	s25 =	simm.s32 $0x100;
	s26 =	simm.s32 $0x1;
	s28 =	simm.s32 $0x2100  }
0x6: {  	[smem:$0x7FF] =	sst s3;
	s5 =	sadd.s32 $0x17800, s0;
	s6 =	sadd.s32 $0x3E00, s0  }
0x7: {  	v0 =	vimm.s32 $0xFEDCBA98;
	s7 =	sadd.s32 $0x35000, s0;
	s1 =	sand.u32 $0x1, s1;
	s8 =	sadd.s32 $0x2B200, s0  }
0x8: {  	v1 =	vimm.s32 $0x76543210;
	s13 =	smul.u32 $0xC800, s4;
	s0 =	sadd.s32 $0x3EE00, s0;
	_ =	strace $0x8000004A  }
0x9: {  	v2 =	vimm.s32 $0xBA98FEDC;
	v3 =	vimm.s32 $0x32107654;
	s9 =	ssub.s32 $0x2, s1;
	s11 =	sshll.u32 s1, $0x4;
	s1 =	smul.u32 $0xC8000, s1  }
0xa: {  	v4 =	vimm.s32 $0xDCFE98BA;
	v5 =	vimm.s32 $0x54761032;
	s10 =	sshrl.u32 s9, $0x1;
	s14 =	sor.u32 s4, s11;
	s15 =	sadd.s32 $0x2800, s13  }
0xb: {  	v6 =	vimm.s32 $0xEFCDAB89;
	s17 =	sadd.s32 $0x5000, s13;
	s18 =	sadd.s32 $0x7800, s13;
	s19 =	sadd.s32 $0xA000, s13  }
0xc: {  	v7 =	vimm.s32 $0x67452301;
	v0 =	vunpack.c.l.s4.s8 v0;
	v1 =	vunpack.c.l.s4.s8 v1;
	s20 =	ssub.s32 s9, s10;
	s9 =	sadd.s32 s13, s2;
	s10 =	sadd.s32 s15, s2  }
0xd: {  	v2 =	vunpack.c.l.s4.s8 v2;
	v3 =	vunpack.c.l.s4.s8 v3;
	v4 =	vunpack.c.l.s4.s8 v4;
	s11 =	sadd.s32 s17, s2;
	s12 =	sadd.s32 s18, s2;
	s16 =	sadd.s32 s13, s1  }
0xe: {  	v5 =	vunpack.c.l.s4.s8 v5;
	v6 =	vunpack.c.l.s4.s8 v6;
	v7 =	vunpack.c.l.s4.s8 v7;
	s13 =	sadd.s32 s19, s2;
	s21 =	sadd.s32 s1, s15;
	s14 =	smul.u32 $0x2780, s14  }
0xf: {  	v0 =	vunpack.c.0.s8.s32 v0;
	v1 =	vunpack.c.0.s8.s32 v1;
	v2 =	vunpack.c.0.s8.s32 v2;
	s17 =	sadd.s32 s1, s17;
	s18 =	sadd.s32 s1, s18;
	s1 =	sadd.s32 s1, s19  }
0x10: {  	v3 =	vunpack.c.0.s8.s32 v3;
	v4 =	vunpack.c.0.s8.s32 v4;
	v5 =	vunpack.c.0.s8.s32 v5;
	s16 =	sshrl.u32 s16, $0x3;
	s31 =	sshrl.u32 s21, $0x3;
	s17 =	sshrl.u32 s17, $0x3  }
0x11: {  	v6 =	vunpack.c.0.s8.s32 v6;
	v7 =	vunpack.c.0.s8.s32 v7;
	v0 =	vand.u32 $0xF, v0;
	s18 =	sshrl.u32 s18, $0x3;
	s1 =	sshrl.u32 s1, $0x3;
	s20 =	smax.u32 s20, $0x1  }
0x12: {  	s21 =	simm.s32 $0x4100;
	s15 =	sadd.s32 s0, s16;
	s16 =	sadd.s32 s0, s31;
	v0 =	vcombine.low v0, v1;
	v1 =	vcombine.low v3, v2  }
0x13: {  	s17 =	sadd.s32 s0, s17;
	s18 =	sadd.s32 s0, s18;
	s19 =	sadd.s32 s0, s1;
	v2 =	vcombine.low v5, v4;
	v3 =	vimm.f32 $0.0e+00;
	v4 =	vcombine.low v7, v6  }
.LBB2_1:
0x14: {  	s1 =	simm.s32 $0x140;
	s0 =	simm.s32 $0x0  }
.LBB2_2:
0x15: {  	p0 =	sne.s32 s1, $0x9EC0;
	[tilespmem:s0+$0x4140] =	vst v3;
	s29 =	smov.u32 s1;
	s1 =	sadd.s32 $0x140, s1  }
.Ltmp0:
0x16: {  	[tilespmem:s0+$0x4130] =	vst v3;
	(pc) =	sbr.rel @p0 .LBB2_2-.Ltmp0, $4  }
0x17: {  	[tilespmem:s0+$0x4120] =	vst v3  }
0x18: {  	[tilespmem:s0+$0x4100] =	vst v3  }
0x19: {  	[tilespmem:s0+$0x4110] =	vst v3  }
0x1a: {  	s0 =	sshra.s32 s29, $0x2  }
0x1b: {  	[tilespmem:s0+$0x4140] =	vst v3  }
0x1c: {  	[tilespmem:s0+$0x4130] =	vst v3  }
0x1d: {  	[tilespmem:s0+$0x4120] =	vst v3  }
0x1e: {  	[tilespmem:s0+$0x4100] =	vst v3  }
0x1f: {  	[tilespmem:s0+$0x4110] =	vst v3  }
0x20: {  	[spmem:s9] =	stream.linear.scatter [tilespmem:s21], [sflag:$0x2], $0x2800, $0x38;
	[tilespmem:$0x13140] =	vst v63  }
0x21: {  	_ =	swait.ge [sflag:s22], $0x2800  }
0x22: {  	[sflag:s22] =	ssyncset.done $0x0  }
0x23: {  	[sflag:s22] =	ssyncadd.s32 $0xFFFFD800  }
0x24: {  	[spmem:s10] =	stream.linear.scatter [tilespmem:s21], [sflag:$0x2], $0x2800, $0x38;
	[tilespmem:$0x13140] =	vst v63  }
0x25: {  	_ =	swait.ge [sflag:s22], $0x2800  }
0x26: {  	[sflag:s22] =	ssyncset.done $0x0  }
0x27: {  	[sflag:s22] =	ssyncadd.s32 $0xFFFFD800  }
0x28: {  	[spmem:s11] =	stream.linear.scatter [tilespmem:s21], [sflag:$0x2], $0x2800, $0x38;
	[tilespmem:$0x13140] =	vst v63  }
0x29: {  	_ =	swait.ge [sflag:s22], $0x2800  }
0x2a: {  	[sflag:s22] =	ssyncset.done $0x0  }
0x2b: {  	[sflag:s22] =	ssyncadd.s32 $0xFFFFD800  }
0x2c: {  	[spmem:s12] =	stream.linear.scatter [tilespmem:s21], [sflag:$0x2], $0x2800, $0x38;
	[tilespmem:$0x13140] =	vst v63  }
0x2d: {  	_ =	swait.ge [sflag:s22], $0x2800  }
0x2e: {  	[sflag:s22] =	ssyncset.done $0x0  }
0x2f: {  	[sflag:s22] =	ssyncadd.s32 $0xFFFFD800  }
0x30: {  	[spmem:s13] =	stream.linear.scatter [tilespmem:s21], [sflag:$0x2], $0x2800, $0x38;
	[tilespmem:$0x13140] =	vst v63  }
0x31: {  	_ =	swait.ge [sflag:s22], $0x2800  }
0x32: {  	[sflag:s22] =	ssyncset.done $0x0  }
0x33: {  	[sflag:s22] =	ssyncadd.s32 $0xFFFFD800  }
0x34: {  	s29 =	simm.s32 $0x0;
	s31 =	rddreg [dreg:$0x1]  }
0x35: {  	[tilespmem:s23], [sflag:$0x2] =	stream.linear.gather [hbm4b:s31+s29], $0x40, $0x38;
	[tilespmem:$0x13140] =	vst v63  }
0x36: {  	_ =	swait.ge [sflag:s22], $0x40  }
0x37: {  	[sflag:s22] =	ssyncset.done $0x0  }
0x38: {  	[sflag:s22] =	ssyncadd.s32 $0xFFFFFFC0  }
0x39: {  	[bflag:$0x0] =	sbarrier.arrive $0xFFFF  }
0x3a: {  	v5 =	vld [tilespmem:$0x6900]  }
0x3b: {  	v6 =	vld [tilespmem:$0x6910]  }
0x3c: {  	v7 =	vld [tilespmem:$0x6920]  }
0x3d: {  	s30 =	simm.s32 $0x0;
	v8 =	vld [tilespmem:$0x6930]  }
.LBB2_4:
0x3e: {  	s0 =	sshll.u32 s30, $0x7  }
0x3f: {  	s0 =	sadd.s32 s14, s0  }
0x40: {  	s0 =	sshrl.u32 s0, $0x3  }
0x41: {  	s1 =	sadd.s32 s7, s0  }
0x42: {  	[tilespmem:s29], [sflag:$0x2] =	stream.linear.gather [hbm4b:s1+s29], $0x80, $0x38;
	[tilespmem:$0x13140] =	vst v63  }
0x43: {  	_ =	swait.ge [sflag:s22], $0x80  }
0x44: {  	[sflag:s22] =	ssyncset.done $0x0  }
0x45: {  	s0 =	sadd.s32 s8, s0;
	[sflag:s22] =	ssyncadd.s32 $0xFFFFFF80  }
0x46: {  	[tilespmem:s24], [sflag:$0x2] =	stream.linear.gather [hbm4b:s0+s29], $0x80, $0x38;
	[tilespmem:$0x13140] =	vst v63  }
0x47: {  	_ =	swait.ge [sflag:s22], $0x80  }
0x48: {  	[sflag:s22] =	ssyncset.done $0x0  }
0x49: {  	[sflag:s22] =	ssyncadd.s32 $0xFFFFFF80  }
0x4a: {  	[tilespmem:s25], [sflag:$0x1] =	stream.indirect.gather [hbm4b:s5+s24], $0x40, s29, s24, $0xb8;
	[tilespmem:$0x13140] =	vst v63  }
0x4b: {  	_ =	swait.ge [sflag:s26], $0x2000  }
0x4c: {  	[sflag:s26] =	ssyncset.done $0x0  }
0x4d: {  	[sflag:s26] =	ssyncadd.s32 $0xFFFFE000  }
0x4e: {  	[tilespmem:s28], [sflag:$0x1] =	stream.indirect.gather [hbm4b:s6+s24], $0x40, s24, s24, $0xb8;
	[tilespmem:$0x13140] =	vst v63  }
0x4f: {  	_ =	swait.ge [sflag:s26], $0x2000  }
0x50: {  	[sflag:s26] =	ssyncset.done $0x0  }
0x51: {  	s1 =	simm.s32 $0x0;
	[sflag:s26] =	ssyncadd.s32 $0xFFFFE000  }
0x52: {  	v9 =	vld [tilespmem:s1+$0x2100]  }
0x53: {  	v10 =	vld [tilespmem:s1+$0x100]  }
0x54: {  	v11 =	vld [tilespmem:s1+$0x2110]  }
0x55: {  	v12 =	vld [tilespmem:s1+$0x110]  }
0x56: {  	v13 =	vld [tilespmem:s1+$0x2120]  }
0x57: {  	v14 =	vld [tilespmem:s1+$0x120]  }
0x58: {  	v15 =	vld [tilespmem:s1+$0x2130];
	v9 =	vadd.f32 v9, v10  }
0x59: {  	v16 =	vld [tilespmem:s1+$0x130]  }
0x5a: {  	v11 =	vadd.f32 v11, v12;
	v17 =	vmul.f32 $2.000000030e-01, v9;
	_ =	sdelay $0x1  }
0x5b: {  	v13 =	vadd.f32 v13, v14;
	v59 =	vmul.f32 $2.000000030e-01, v11;
	v9 =	vmax.f32 v9, v17  }
0x5c: {  	v9 =	vmul.f32 v9, v5  }
0x5d: {  	v15 =	vadd.f32 v15, v16;
	v60 =	vmul.f32 $2.000000030e-01, v13;
	v11 =	vmax.f32 v11, v59  }
0x5e: {  	v11 =	vmul.f32 v11, v6;
	v9 =	vadd.f32 $0.0e+00, v9  }
0x5f: {  	v61 =	vmul.f32 $2.000000030e-01, v15;
	v13 =	vmax.f32 v13, v60  }
0x60: {  	v9 =	vadd.f32 v11, v9;
	v11 =	vmul.f32 v13, v7  }
0x61: {  	v62 =	vmax.f32 v15, v61  }
0x62: {  	v9 =	vadd.f32 v11, v9;
	v11 =	vmul.f32 v62, v8;
	_ =	sdelay $0x1  }
0x63: {  	v9 =	vadd.f32 v11, v9;
	_ =	sdelay $0x1  }
0x64: {  	v11 =	vperm.xlane v9, v0;
	_ =	sdelay $0x1  }
0x65: {  	v9 =	vadd.f32 v9, v11;
	_ =	sdelay $0x1  }
0x66: {  	v11 =	vperm.xlane v9, v1;
	_ =	sdelay $0x1  }
0x67: {  	v9 =	vadd.f32 v9, v11;
	_ =	sdelay $0x1  }
0x68: {  	v11 =	vperm.xlane v9, v2;
	_ =	sdelay $0x1  }
0x69: {  	v9 =	vadd.f32 v9, v11;
	_ =	sdelay $0x1  }
0x6a: {  	v11 =	vperm.xlane v9, v4;
	_ =	sdelay $0x1  }
0x6b: {  	v9 =	vadd.f32 v9, v11;
	_ =	sdelay $0x1  }
0x6c: {  	v9 =	vmul.f32 $1.442695020e+00, v9;
	_ =	sdelay $0x1  }
0x6d: {  	(erf) = vpow2.f32 v9;
	_ =	sdelay $0x8  }
0x6e: {  	v9 =	vpop (erf)  }
0x6f: {  	s31 =	simm.s32 $0x4120;
	v11 =	vmul.f32 v9, v16  }
0x70: {  	v63 =	vmul.f32 v9, v14;
	[tilespmem:s31+$0x20] =	vst v9  }
0x71: {  	v12 =	vmul.f32 v9, v12;
	[tilespmem:s31+$0x10] =	vst v11  }
0x72: {  	v9 =	vmul.f32 v9, v10;
	[tilespmem:s31+$0x0] =	vst v63  }
0x73: {  	[tilespmem:s31+$0xFFFFFFF0] =	vst v12  }
0x74: {  	s1 =	simm.s32 $0x40;
	[tilespmem:s31+$0xFFFFFFE0] =	vst v9  }
0x75: {  	s0 =	simm.s32 $0x200;
	v9 =	vld [tilespmem:s1+$0x2100]  }
.LBB2_5:
0x76: {  	p0 =	sne.s32 s0, $0x7F00;
	v10 =	vld [tilespmem:s1+$0x100]  }
0x77: {  	v11 =	vld [tilespmem:s1+$0x2110]  }
0x78: {  	v12 =	vld [tilespmem:s1+$0x110]  }
0x79: {  	v13 =	vld [tilespmem:s1+$0x2120]  }
0x7a: {  	v14 =	vld [tilespmem:s1+$0x120]  }
0x7b: {  	v9 =	vadd.f32 v9, v10;
	v15 =	vld [tilespmem:s1+$0x2130]  }
0x7c: {  	v16 =	vld [tilespmem:s1+$0x130]  }
0x7d: {  	v17 =	vmul.f32 $2.000000030e-01, v9;
	v11 =	vadd.f32 v11, v12;
	_ =	sdelay $0x1  }
0x7e: {  	v9 =	vmax.f32 v9, v17;
	v17 =	vmul.f32 $2.000000030e-01, v11;
	v13 =	vadd.f32 v13, v14  }
0x7f: {  	v9 =	vmul.f32 v9, v5  }
0x80: {  	v11 =	vmax.f32 v11, v17;
	v17 =	vmul.f32 $2.000000030e-01, v13;
	v15 =	vadd.f32 v15, v16  }
0x81: {  	v9 =	vadd.f32 $0.0e+00, v9;
	v11 =	vmul.f32 v11, v6  }
0x82: {  	v13 =	vmax.f32 v13, v17;
	v17 =	vmul.f32 $2.000000030e-01, v15  }
0x83: {  	v9 =	vadd.f32 v11, v9;
	v11 =	vmul.f32 v13, v7  }
0x84: {  	v13 =	vmax.f32 v15, v17  }
0x85: {  	v9 =	vadd.f32 v11, v9;
	v11 =	vmul.f32 v13, v8;
	_ =	sdelay $0x1  }
0x86: {  	v9 =	vadd.f32 v11, v9;
	_ =	sdelay $0x1  }
0x87: {  	v11 =	vperm.xlane v9, v0;
	_ =	sdelay $0x1  }
0x88: {  	v9 =	vadd.f32 v9, v11;
	_ =	sdelay $0x1  }
0x89: {  	v11 =	vperm.xlane v9, v1;
	_ =	sdelay $0x1  }
0x8a: {  	v9 =	vadd.f32 v9, v11;
	_ =	sdelay $0x1  }
0x8b: {  	v11 =	vperm.xlane v9, v2;
	_ =	sdelay $0x1  }
0x8c: {  	v9 =	vadd.f32 v9, v11;
	_ =	sdelay $0x1  }
0x8d: {  	v11 =	vperm.xlane v9, v4;
	_ =	sdelay $0x1  }
0x8e: {  	v9 =	vadd.f32 v9, v11;
	_ =	sdelay $0x1  }
0x8f: {  	v9 =	vmul.f32 $1.442695020e+00, v9;
	_ =	sdelay $0x1  }
0x90: {  	(erf) = vpow2.f32 v9;
	_ =	sdelay $0x8  }
0x91: {  	s31 =	sadd.s32 $0x50, s31;
	v9 =	vpop (erf)  }
0x92: {  	v11 =	vmul.f32 v9, v14;
	v13 =	vmul.f32 v9, v16;
	[tilespmem:s31+$0x20] =	vst v9  }
0x93: {  	v10 =	vmul.f32 v9, v10;
	v9 =	vmul.f32 v9, v12  }
.Ltmp1:
0x94: {  	[tilespmem:s31+$0x10] =	vst v13;
	(pc) =	sbr.rel @p0 .LBB2_5-.Ltmp1, $4  }
0x95: {  	[tilespmem:s31+$0x0] =	vst v11  }
0x96: {  	[tilespmem:s31+$0xFFFFFFF0] =	vst v9  }
0x97: {  	s1 =	sshra.s32 s0, $0x2;
	[tilespmem:s31+$0xFFFFFFE0] =	vst v10  }
0x98: {  	s0 =	sadd.s32 $0x100, s0;
	v9 =	vld [tilespmem:s1+$0x2100]  }
0x99: {  	v10 =	vld [tilespmem:s1+$0x100]  }
0x9a: {  	v11 =	vld [tilespmem:s1+$0x2110]  }
0x9b: {  	v12 =	vld [tilespmem:s1+$0x110]  }
0x9c: {  	v13 =	vld [tilespmem:s1+$0x2120]  }
0x9d: {  	v14 =	vld [tilespmem:s1+$0x120]  }
0x9e: {  	v15 =	vld [tilespmem:s1+$0x2130];
	v9 =	vadd.f32 v9, v10  }
0x9f: {  	v16 =	vld [tilespmem:s1+$0x130]  }
0xa0: {  	v11 =	vadd.f32 v11, v12;
	v17 =	vmul.f32 $2.000000030e-01, v9;
	_ =	sdelay $0x1  }
0xa1: {  	v13 =	vadd.f32 v13, v14;
	v59 =	vmul.f32 $2.000000030e-01, v11;
	v9 =	vmax.f32 v9, v17  }
0xa2: {  	v9 =	vmul.f32 v9, v5  }
0xa3: {  	v15 =	vadd.f32 v15, v16;
	v60 =	vmul.f32 $2.000000030e-01, v13;
	v11 =	vmax.f32 v11, v59  }
0xa4: {  	v11 =	vmul.f32 v11, v6;
	v9 =	vadd.f32 $0.0e+00, v9  }
0xa5: {  	v61 =	vmul.f32 $2.000000030e-01, v15;
	v13 =	vmax.f32 v13, v60  }
0xa6: {  	v9 =	vadd.f32 v11, v9;
	v11 =	vmul.f32 v13, v7  }
0xa7: {  	v62 =	vmax.f32 v15, v61  }
0xa8: {  	v9 =	vadd.f32 v11, v9;
	v11 =	vmul.f32 v62, v8;
	_ =	sdelay $0x1  }
0xa9: {  	v9 =	vadd.f32 v11, v9;
	_ =	sdelay $0x1  }
0xaa: {  	v11 =	vperm.xlane v9, v0;
	_ =	sdelay $0x1  }
0xab: {  	v9 =	vadd.f32 v9, v11;
	_ =	sdelay $0x1  }
0xac: {  	v11 =	vperm.xlane v9, v1;
	_ =	sdelay $0x1  }
0xad: {  	v9 =	vadd.f32 v9, v11;
	_ =	sdelay $0x1  }
0xae: {  	v11 =	vperm.xlane v9, v2;
	_ =	sdelay $0x1  }
0xaf: {  	v9 =	vadd.f32 v9, v11;
	_ =	sdelay $0x1  }
0xb0: {  	v11 =	vperm.xlane v9, v4;
	_ =	sdelay $0x1  }
0xb1: {  	v9 =	vadd.f32 v9, v11;
	_ =	sdelay $0x1  }
0xb2: {  	v9 =	vmul.f32 $1.442695020e+00, v9;
	_ =	sdelay $0x1  }
0xb3: {  	(erf) = vpow2.f32 v9;
	_ =	sdelay $0x8  }
0xb4: {  	v9 =	vpop (erf)  }
0xb5: {  	s0 =	sadd.s32 $0x50, s31;
	v11 =	vmul.f32 v9, v16  }
0xb6: {  	v63 =	vmul.f32 v9, v14;
	[tilespmem:s0+$0x20] =	vst v9  }
0xb7: {  	v12 =	vmul.f32 v9, v12;
	[tilespmem:s0+$0x10] =	vst v11  }
0xb8: {  	s30 =	sadd.s32 $0x1, s30;
	v9 =	vmul.f32 v9, v10;
	[tilespmem:s0+$0x0] =	vst v63  }
0xb9: {  	p0 =	sne.s32 s30, $0x4F;
	[tilespmem:s0+$0xFFFFFFF0] =	vst v12  }
.Ltmp2:
0xba: {  	[tilespmem:s0+$0xFFFFFFE0] =	vst v9;
	(pc) =	sbr.rel @p0 .LBB2_4-.Ltmp2, $4  }
0xbb: {  	[spmem:s2] =	stream.indirect.scatter.add.f32 [tilespmem:s21], [sflag:$0x2], $0x50, s24, s24, $0xb8;
	[tilespmem:$0x13140] =	vst v63  }
0xbc: {  	_ =	swait.ge [sflag:s22], $0x2800  }
0xbd: {  	[sflag:s22] =	ssyncset.done $0x0  }
0xbe: {  	[sflag:s22] =	ssyncadd.s32 $0xFFFFD800  }
0xbf: {  	s0 =	sshll.u32 s4, $0x6  }
0xc0: {  	[bflag:$0x0] =	sbarrier.arrive $0xFFFF;
	s1 =	sshrl.u32 s9, $0x3;
	s0 =	sor.u32 $0x1C02, s0  }
0xc1: {  	[hbm:s15], [sflag:s0] =	dma.local [spmem:s1], $0x500  }
0xc2: {  	_ =	swait.ge [sflag:s22], $0x500  }
0xc3: {  	[sflag:s22] =	ssyncset.done $0x0  }
0xc4: {  	s31 =	sshrl.u32 s10, $0x3;
	[sflag:s22] =	ssyncadd.s32 $0xFFFFFB00  }
0xc5: {  	[hbm:s16], [sflag:s0] =	dma.local [spmem:s31], $0x500  }
0xc6: {  	_ =	swait.ge [sflag:s22], $0x500  }
0xc7: {  	[sflag:s22] =	ssyncset.done $0x0  }
0xc8: {  	s29 =	sshrl.u32 s11, $0x3;
	[sflag:s22] =	ssyncadd.s32 $0xFFFFFB00  }
0xc9: {  	[hbm:s17], [sflag:s0] =	dma.local [spmem:s29], $0x500  }
0xca: {  	_ =	swait.ge [sflag:s22], $0x500  }
0xcb: {  	[sflag:s22] =	ssyncset.done $0x0  }
0xcc: {  	s30 =	sshrl.u32 s12, $0x3;
	[sflag:s22] =	ssyncadd.s32 $0xFFFFFB00  }
0xcd: {  	[hbm:s18], [sflag:s0] =	dma.local [spmem:s30], $0x500  }
0xce: {  	s3 =	sadd.s32 $0x1, s3;
	_ =	swait.ge [sflag:s22], $0x500  }
0xcf: {  	p0 =	sne.s32 s3, s20;
	[sflag:s22] =	ssyncset.done $0x0  }
.Ltmp3:
0xd0: {  	s31 =	sshrl.u32 s13, $0x3;
	[sflag:s22] =	ssyncadd.s32 $0xFFFFFB00;
	(pc) =	sbr.rel @p0 .LBB2_1-.Ltmp3, $4  }
0xd1: {  	[hbm:s19], [sflag:s0] =	dma.local [spmem:s31], $0x500  }
0xd2: {  	_ =	swait.ge [sflag:s22], $0x500  }
0xd3: {  	[sflag:s22] =	ssyncset.done $0x0  }
0xd4: {  	[sflag:s22] =	ssyncadd.s32 $0xFFFFFB00  }
0xd5: {  	_ =	sfence.sel $0x180000  }
0xd6: {  	[bflag:$0x0] =	sbarrier.arrive $0xFFFF  }
0xd7: {  	_ =	strace $0x9000004A  }
0xd8: {  	[bflag:$0x2] =	sbarrier.arrive $0xFFFF  }
0xd9: {  	p0 =	sne.s32 s4, $0x0;
	s0 =	rddreg [dreg:$0x3]  }
0xda: {  	s0 =	sadd.s32 @!p0 $0x100000, s0  }
0xdb: {  	[sflag:s0] =	ssyncadd.tile.s32 @!p0 $0x1;
	_ =	shalt  }
.Lfunc_end2:
_tile_overlayer_lowered:
.L_overlay_start_2:
0xdc: {  	(tag) =	ssettag $0x2  }
0xdd: {  	s0 =	rddreg [dreg:$0x0];
	s2 =	stileid.u32  }
0xde: {  	s1 =	rddreg [dreg:$0x1];
	p0 =	sne.s32 s2, $0x0  }
0xdf: {  	s3 =	rddreg [dreg:$0x2];
	[bflag:$0x3] =	sbarrier.arrive $0xFFFF;
	s2 =	simm.s32 @!p0 $0x1C02  }
0xe0: {  	[timem:s3], [sflag:s2] =	dma.local @!p0 [hbm:s0], s1  }
0xe1: {  	s0 =	simm.s32 @!p0 $0x2  }
0xe2: {  	_ =	swait.ge @!p0 [sflag:s0], s1  }
0xe3: {  	s1 =	ssub.s32 @!p0 $0x0, s1;
	[sflag:s0] =	ssyncset.done @!p0 $0x0  }
0xe4: {  	[sflag:s0] =	ssyncadd.s32 @!p0 s1  }
0xe5: {  	[bflag:$0x3] =	sbarrier.arrive $0xFFFF  }
0xe6: {  	_ =	shalt  }

// kernel: kernel.15.cloned.1.call-start
scs
__scs_entry_jumppad:
0x0: {  	(pc) =	sbr.rel $0x88, $3  }
0x1: {  	(tag) =	ssettag $0x0;
	lr =	simm.s32 $0x1  }
0x2: {  	[smem:$0x3F7D] =	sst lr;
	_ =	strace $0xD0000000  }
0x3: {  	_ = 	snop  }
0x4: {  	_ = 	snop  }
0x5: {  	_ = 	snop  }
0x6: {  	_ = 	snop  }
0x7: {  	_ = 	snop  }
__scs_overlays_trampoline_lowered:
0x8: {  	[smem:$0x3F8C] =	sst s0  }
0x9: {  	[smem:$0x3F8D] =	sst s1  }
0xa: {  	[smem:$0x3F8E] =	sst s2  }
0xb: {  	[smem:$0x3F8F] =	sst s3  }
0xc: {  	[smem:$0x3F90] =	sst s4  }
0xd: {  	[smem:$0x3F91] =	sst s5  }
0xe: {  	[smem:$0x3F92] =	sst s6  }
0xf: {  	[smem:$0x3F93] =	sst s7  }
0x10: {  	[smem:$0x3F94] =	sst s8  }
0x11: {  	[smem:$0x3F95] =	sst s9;
	s0 =	simm.s32 @!p0 $0x0  }
0x12: {  	s1 =	sld [smem:$0x3F7B];
	s0 =	simm.s32 @p0 $0x1  }
0x13: {  	[smem:$0x3F96] =	sst s0;
	s0 =	simm.s32 @!p1 $0x0  }
0x14: {  	s2 =	sld [smem:$0x3F7A];
	s0 =	simm.s32 @p1 $0x1  }
0x15: {  	[smem:$0x3F97] =	sst s0;
	s0 =	simm.s32 @!p2 $0x0  }
0x16: {  	s3 =	sld [smem:$0x3FDB];
	s0 =	simm.s32 @p2 $0x1  }
0x17: {  	s4 =	simm.s32 $0x1BF5;
	[smem:$0x3F99] =	sst s0  }
0x18: {  	s0 =	sld [smem:$0x3F7C];
	_ =	swait.ge [sflag:s4], $0x0  }
0x19: {  	s7 =	sld [smem:$0x3F7D]  }
0x1a: {  	s8 =	sadd.s32 $0xFFFFE003, lr  }
0x1b: {  	s9 =	sadd.s32 $0xFFFFFEF7, lr;
	s5 =	simm.s32 $0xFFFFFFFF;
	p2 =	slt.u32 s8, $0xFFFFF086  }
0x1c: {  	p1 =	slt.u32 s9, $0xF7A;
	s5 =	simm.s32 @!p2 $0x0  }
0x1d: {  	s5 =	simm.s32 @p1 $0x1;
	p0 =	seq.s32 s7, s2  }
0x1e: {  	s7 =	smul.u32 @!p0 $0xF7A, s2;
	p2 =	seq.s32 @!p0 s5, $0x0  }
0x1f: {  	s9 =	smul.u32 $0xF7A, s1;
	s8 =	simm.s32 @!p0 $0x1BF5;
	p2 =	por !p2, p0  }
0x20: {  	[sflag:s8] =	ssyncset.s32 @!p0 $0xFFFFF086;
	s6 =	sadd.s32 @!p0 s3, s7;
	s7 =	simm.s32 @!p0 $0x108  }
0x21: {  	s3 =	sadd.s32 s3, s9;
	s6 =	sadd.s32 @!p0 $0x88, s6;
	s7 =	simm.s32 @p2 $0x1082  }
0x22: {  	[simem:s7], [sflag:s8] =	dma.local @!p0 [hbm:s6], $0xF7A  }
0x23: {  	s9 =	sor.u32 $0xD0000000, s2;
	s6 =	simm.s32 $0x108;
	_ =	swait.ge @!p0 [sflag:s8], $0x0  }
0x24: {  	s3 =	sadd.s32 $0x88, s3;
	s6 =	simm.s32 @!p1 $0x1082;
	[sflag:s4] =	ssyncset.s32 $0xFFFFF086  }
0x25: {  	[simem:s6], [sflag:s4] =	dma.local [hbm:s3], $0xF7A  }
0x26: {  	[smem:$0x3F7D] =	sst s1;
	(tag) =	ssettag s2;
	_ =	strace s9  }
0x27: {  	s1 =	sld [smem:$0x3F8D]  }
0x28: {  	s2 =	sld [smem:$0x3F8E]  }
0x29: {  	s4 =	sld [smem:$0x3F90]  }
0x2a: {  	p0 =	seq.s32 s5, $0x0;
	s5 =	sld [smem:$0x3F91]  }
0x2b: {  	s6 =	sld [smem:$0x3F92]  }
0x2c: {  	s7 =	sld [smem:$0x3F93]  }
0x2d: {  	s3 =	simm.s32 $0x108;
	s8 =	sld [smem:$0x3F94]  }
0x2e: {  	s3 =	simm.s32 @!p0 $0x1082;
	s9 =	sld [smem:$0x3F95]  }
0x2f: {  	lr =	sadd.s32 s0, s3;
	s0 =	sld [smem:$0x3F8C]  }
0x30: {  	s3 =	sld [smem:$0x3F8F]  }
0x31: {  	[smem:$0x3F98] =	sst s10  }
0x32: {  	s10 =	sld [smem:$0x3F96];
	_ =	sdelay $0x3  }
0x33: {  	p0 =	seq.s32 s10, $0x1;
	s10 =	sld [smem:$0x3F98];
	_ =	sdelay $0x3  }
0x34: {  	[smem:$0x3F98] =	sst s10  }
0x35: {  	s10 =	sld [smem:$0x3F97];
	_ =	sdelay $0x3  }
0x36: {  	p1 =	seq.s32 s10, $0x1;
	s10 =	sld [smem:$0x3F98];
	_ =	sdelay $0x3  }
0x37: {  	[smem:$0x3F98] =	sst s10  }
0x38: {  	s10 =	sld [smem:$0x3F99]  }
0x39: {  	_ = 	snop;
	(pc) =	sbr.ind lr, $3  }
0x3a: {  	_ = 	snop  }
0x3b: {  	_ = 	snop  }
0x3c: {  	p2 =	seq.s32 s10, $0x1;
	s10 =	sld [smem:$0x3F98]  }
0x3d: {  	_ =	shalt  }
0x3e: {  	_ =	shalt  }
0x3f: {  	_ =	shalt  }
0x40: {  	_ =	shalt  }
0x41: {  	_ =	shalt  }
0x42: {  	_ =	shalt  }
0x43: {  	_ =	shalt  }
0x44: {  	_ =	shalt  }
0x45: {  	_ =	shalt  }
0x46: {  	_ =	shalt  }
0x47: {  	_ =	shalt  }
0x48: {  	_ =	shalt  }
0x49: {  	_ =	shalt  }
0x4a: {  	_ =	shalt  }
0x4b: {  	_ =	shalt  }
0x4c: {  	_ =	shalt  }
0x4d: {  	_ =	shalt  }
0x4e: {  	_ =	shalt  }
0x4f: {  	_ =	shalt  }
0x50: {  	_ =	shalt  }
0x51: {  	_ =	shalt  }
0x52: {  	_ =	shalt  }
0x53: {  	_ =	shalt  }
0x54: {  	_ =	shalt  }
0x55: {  	_ =	shalt  }
0x56: {  	_ =	shalt  }
0x57: {  	_ =	shalt  }
0x58: {  	_ =	shalt  }
0x59: {  	_ =	shalt  }
0x5a: {  	_ =	shalt  }
0x5b: {  	_ =	shalt  }
0x5c: {  	_ =	shalt  }
0x5d: {  	_ =	shalt  }
0x5e: {  	_ =	shalt  }
0x5f: {  	_ =	shalt  }
0x60: {  	_ =	shalt  }
0x61: {  	_ =	shalt  }
0x62: {  	_ =	shalt  }
0x63: {  	_ =	shalt  }
0x64: {  	_ =	shalt  }
0x65: {  	_ =	shalt  }
0x66: {  	_ =	shalt  }
0x67: {  	_ =	shalt  }
0x68: {  	_ =	shalt  }
0x69: {  	_ =	shalt  }
0x6a: {  	_ =	shalt  }
0x6b: {  	_ =	shalt  }
0x6c: {  	_ =	shalt  }
0x6d: {  	_ =	shalt  }
0x6e: {  	_ =	shalt  }
0x6f: {  	_ =	shalt  }
0x70: {  	_ =	shalt  }
0x71: {  	_ =	shalt  }
0x72: {  	_ =	shalt  }
0x73: {  	_ =	shalt  }
0x74: {  	_ =	shalt  }
0x75: {  	_ =	shalt  }
0x76: {  	_ =	shalt  }
0x77: {  	_ =	shalt  }
0x78: {  	_ =	shalt  }
0x79: {  	_ =	shalt  }
0x7a: {  	_ =	shalt  }
0x7b: {  	_ =	shalt  }
0x7c: {  	_ =	shalt  }
0x7d: {  	_ =	shalt  }
0x7e: {  	_ =	shalt  }
0x7f: {  	_ =	shalt  }
0x80: {  	_ =	shalt  }
0x81: {  	_ =	shalt  }
0x82: {  	_ =	shalt  }
0x83: {  	_ =	shalt  }
0x84: {  	_ =	shalt  }
0x85: {  	_ =	shalt  }
0x86: {  	_ =	shalt  }
0x87: {  	_ =	shalt  }
.Lfunc_end0:
.L_simem_size_0:
called_computation.2_lowered:
.L_overlay_start_0:
0x88: {  	s2 =	sld [smem:$0x3FD9]  }
0x89: {  	s3 =	sld [smem:$0x3FFE];
	_ =	sdelay $0x1  }
0x8a: {  	s1 =	srdreg.scid  }
0x8b: {  	s0 =	sand.u32 $0x1, s1  }
0x8c: {  	s17 =	sshll.u32 s0, $0xA;
	s2 =	sadd.s32 s3, s2  }
0x8d: {  	s2 =	sadd.s32 s2, s17  }
0x8e: {  	[smem:$0x3FA4] =	sst s2  }
0x8f: {  	_ = 	snop  }
0x90: {  	s2 =	sld [smem:$0x3FB7];
	(tm) =	ssettm $0x1  }
0x91: {  	s18 =	sld [smem:$0x3FFB];
	_ =	sdelay $0x3  }
0x92: {  	_ =	strace s18  }
0x93: {  	s3 =	sld [smem:$0x3FFC];
	_ =	sdelay $0x3  }
0x94: {  	_ =	strace s3  }
0x95: {  	s3 =	sld [smem:$0x3FFD];
	_ =	sdelay $0x3  }
0x96: {  	_ =	strace s3  }
0x97: {  	_ =	strace $0x8FFFFFFF  }
0x98: {  	s19 =	sld [smem:$0x3FDB];
	_ =	sdelay $0x1  }
0x99: {  	s4 =	simm.s32 $_scs_section_size  }
0x9a: {  	s5 =	simm.s32 $_size__tile_overlayer_lowered;
	s6 =	simm.s32 $_tile_overlayer_lowered  }
0x9b: {  	s22 =	simm.s32 $0x1BFF;
	s21 =	sshll.u32 s6, $0x1;
	s3 =	sadd.s32 s4, s19  }
0x9c: {  	s7 =	simm.s32 $0x0;
	s20 =	sshll.u32 s5, $0x1;
	s5 =	sadd.s32 s21, s3  }
0x9d: {  	[timem:s7], [sflag:s22] =	dma.local [hbm:s5], s20  }
0x9e: {  	_ =	swait.ge [sflag:s22], s20  }
0x9f: {  	s4 =	ssub.s32 $0x0, s20;
	[sflag:s22] =	ssyncset.done $0x0  }
0xa0: {  	[sflag:s22] =	ssyncadd.s32 s4;
	_ =	sdelay $0x1  }
0xa1: {  	s23 =	simm.s32 $0x1B8B  }
0xa2: {  	_ =	swait.ge [sflag:s23], $0x1  }
0xa3: {  	[sflag:s23] =	ssyncset.done $0x0  }
0xa4: {  	s25 =	simm.s32 $0x1B8E;
	s24 =	sld [smem:$0x3FFE];
	[sflag:s23] =	ssyncadd.s32 $0xFFFFFFFF  }
0xa5: {  	s26 =	simm.s32 $execute0_lowered;
	[smem:$0x3FD2] =	sst s25  }
0xa6: {  	s5 =	sshll.u32 s26, $0x1;
	_ =	strace $0x8000004C;
	[dreg:$0x1] =	wrdreg $0xFFFFFFFF  }
0xa7: {  	s28 =	simm.s32 $_size_execute0_lowered;
	s3 =	sadd.s32 s3, s5;
	[dreg:$0x0] =	wrdreg $0x0  }
0xa8: {  	s5 =	sshll.u32 s28, $0x1;
	[dreg:$0x2] =	wrdreg s3  }
0xa9: {  	[dreg:$0x3] =	wrdreg s5  }
0xaa: {  	[dreg:$0x4] =	wrdreg $0xC0  }
0xab: {  	_ =	task [dreg:s7], $0x5FFFF  }
0xac: {  	[dreg:$0x1] =	wrdreg $0xFFFFFFFF  }
0xad: {  	[dreg:$0x0] =	wrdreg $0x60  }
0xae: {  	[dreg:$0x2] =	wrdreg s24  }
0xaf: {  	[dreg:$0x3] =	wrdreg s2  }
0xb0: {  	[dreg:$0x4] =	wrdreg $0x69400  }
0xb1: {  	[dreg:$0x5] =	wrdreg $0x9  }
0xb2: {  	_ =	task.clear_ibuf [dreg:s7], $0x6FFFF;
	_ =	strace $0x9000004C  }
0xb3: {  	s29 =	simm.s32 $0x9;
	_ =	strace $0x8000004E  }
0xb4: {  	_ =	swait.ge [sflag:s29], $0x1  }
0xb5: {  	[sflag:s29] =	ssyncadd.s32 $0xFFFFFFFF  }
0xb6: {  	_ =	strace $0x9000004E  }
0xb7: {  	_ =	sfence  }
0xb8: {  	s30 =	sld [smem:$0x0];
	_ =	sdelay $0x2  }
0xb9: {  	s31 =	sshll.u32 s1, $0xD;
	s1 =	sshrl.u32 s1, $0x2  }
0xba: {  	s3 =	sand.u32 $0x4000, s31;
	s1 =	sadd.s32 s1, s30  }
0xbb: {  	s0 =	sor.u32 s3, s0;
	s1 =	sshll.u32 s1, $0x11  }
0xbc: {  	s0 =	sor.u32 s1, s0  }
0xbd: {  	s0 =	sadd.s32 $0x8F2B, s0  }
0xbe: {  	[sflag:s0] =	ssyncadd.remote.s32 $0x1  }
0xbf: {  	_ =	sfence.sel $0xFFFF  }
0xc0: {  	[dreg:$0x0] =	wrdreg $0xFFFFFFFF;
	(pc) =	sbr.abs _section_cstart, $3  }
0xc1: {  	[dreg:$0x1] =	wrdreg $0xFFFFFFFF  }
0xc2: {  	_ =	task.clear_ibuf [dreg:s7], $0x2FFFF;
	_ =	strace $0x9FFFFFFF  }
0xc3: {  	(tm) =	ssettm $0x7FFFFFFF  }
tec
execute0_lowered:
.L_overlay_start_1:
0x0: {  	(tag) =	ssettag $0x1  }
0x1: {  	s0 =	rddreg [dreg:$0x0]  }
0x2: {  	s2 =	rddreg [dreg:$0x2]  }
0x3: {  	s3 =	simm.s32 $0x0;
	s1 =	srdreg.scid;
	s4 =	stileid.u32  }
0x4: {  	s22 =	simm.s32 $0x2;
	s23 =	simm.s32 $0x6900;
	s24 =	simm.s32 $0x80  }
0x5: {  	s25 =	simm.s32 $0x100;
	s26 =	simm.s32 $0x1;
	s28 =	simm.s32 $0x2100  }
0x6: {  	[smem:$0x7FF] =	sst s3;
	s5 =	sadd.s32 $0x17800, s0;
	s6 =	sadd.s32 $0x3E00, s0  }
0x7: {  	v0 =	vimm.s32 $0xFEDCBA98;
	s7 =	sadd.s32 $0x75E00, s0;
	s1 =	sand.u32 $0x1, s1;
	s8 =	sadd.s32 $0x70E00, s0  }
0x8: {  	v1 =	vimm.s32 $0x76543210;
	s13 =	smul.u32 $0xC800, s4;
	s0 =	sadd.s32 $0x2B200, s0;
	_ =	strace $0x8000004D  }
0x9: {  	v2 =	vimm.s32 $0xBA98FEDC;
	v3 =	vimm.s32 $0x32107654;
	s9 =	ssub.s32 $0x2, s1;
	s11 =	sshll.u32 s1, $0x4;
	s1 =	smul.u32 $0xC8000, s1  }
0xa: {  	v4 =	vimm.s32 $0xDCFE98BA;
	v5 =	vimm.s32 $0x54761032;
	s10 =	sshrl.u32 s9, $0x1;
	s14 =	sor.u32 s4, s11;
	s15 =	sadd.s32 $0x2800, s13  }
0xb: {  	v6 =	vimm.s32 $0xEFCDAB89;
	s17 =	sadd.s32 $0x5000, s13;
	s18 =	sadd.s32 $0x7800, s13;
	s19 =	sadd.s32 $0xA000, s13  }
0xc: {  	v7 =	vimm.s32 $0x67452301;
	v0 =	vunpack.c.l.s4.s8 v0;
	v1 =	vunpack.c.l.s4.s8 v1;
	s20 =	ssub.s32 s9, s10;
	s9 =	sadd.s32 s13, s2;
	s10 =	sadd.s32 s15, s2  }
0xd: {  	v2 =	vunpack.c.l.s4.s8 v2;
	v3 =	vunpack.c.l.s4.s8 v3;
	v4 =	vunpack.c.l.s4.s8 v4;
	s11 =	sadd.s32 s17, s2;
	s12 =	sadd.s32 s18, s2;
	s16 =	sadd.s32 s13, s1  }
0xe: {  	v5 =	vunpack.c.l.s4.s8 v5;
	v6 =	vunpack.c.l.s4.s8 v6;
	v7 =	vunpack.c.l.s4.s8 v7;
	s13 =	sadd.s32 s19, s2;
	s21 =	sadd.s32 s1, s15;
	s14 =	smul.u32 $0x1400, s14  }
0xf: {  	v0 =	vunpack.c.0.s8.s32 v0;
	v1 =	vunpack.c.0.s8.s32 v1;
	v2 =	vunpack.c.0.s8.s32 v2;
	s17 =	sadd.s32 s1, s17;
	s18 =	sadd.s32 s1, s18;
	s1 =	sadd.s32 s1, s19  }
0x10: {  	v3 =	vunpack.c.0.s8.s32 v3;
	v4 =	vunpack.c.0.s8.s32 v4;
	v5 =	vunpack.c.0.s8.s32 v5;
	s16 =	sshrl.u32 s16, $0x3;
	s31 =	sshrl.u32 s21, $0x3;
	s17 =	sshrl.u32 s17, $0x3  }
0x11: {  	v6 =	vunpack.c.0.s8.s32 v6;
	v7 =	vunpack.c.0.s8.s32 v7;
	v0 =	vand.u32 $0xF, v0;
	s18 =	sshrl.u32 s18, $0x3;
	s1 =	sshrl.u32 s1, $0x3;
	s20 =	smax.u32 s20, $0x1  }
0x12: {  	s21 =	simm.s32 $0x4100;
	s15 =	sadd.s32 s0, s16;
	s16 =	sadd.s32 s0, s31;
	v0 =	vcombine.low v0, v1;
	v1 =	vcombine.low v3, v2  }
0x13: {  	s17 =	sadd.s32 s0, s17;
	s18 =	sadd.s32 s0, s18;
	s19 =	sadd.s32 s0, s1;
	v2 =	vcombine.low v5, v4;
	v3 =	vimm.f32 $0.0e+00;
	v4 =	vcombine.low v7, v6  }
.LBB2_1:
0x14: {  	s1 =	simm.s32 $0x140;
	s0 =	simm.s32 $0x0  }
.LBB2_2:
0x15: {  	p0 =	sne.s32 s1, $0x9EC0;
	[tilespmem:s0+$0x4140] =	vst v3;
	s29 =	smov.u32 s1;
	s1 =	sadd.s32 $0x140, s1  }
.Ltmp0:
0x16: {  	[tilespmem:s0+$0x4130] =	vst v3;
	(pc) =	sbr.rel @p0 .LBB2_2-.Ltmp0, $4  }
0x17: {  	[tilespmem:s0+$0x4120] =	vst v3  }
0x18: {  	[tilespmem:s0+$0x4100] =	vst v3  }
0x19: {  	[tilespmem:s0+$0x4110] =	vst v3  }
0x1a: {  	s0 =	sshra.s32 s29, $0x2  }
0x1b: {  	[tilespmem:s0+$0x4140] =	vst v3  }
0x1c: {  	[tilespmem:s0+$0x4130] =	vst v3  }
0x1d: {  	[tilespmem:s0+$0x4120] =	vst v3  }
0x1e: {  	[tilespmem:s0+$0x4100] =	vst v3  }
0x1f: {  	[tilespmem:s0+$0x4110] =	vst v3  }
0x20: {  	[spmem:s9] =	stream.linear.scatter [tilespmem:s21], [sflag:$0x2], $0x2800, $0x38;
	[tilespmem:$0x13140] =	vst v63  }
0x21: {  	_ =	swait.ge [sflag:s22], $0x2800  }
0x22: {  	[sflag:s22] =	ssyncset.done $0x0  }
0x23: {  	[sflag:s22] =	ssyncadd.s32 $0xFFFFD800  }
0x24: {  	[spmem:s10] =	stream.linear.scatter [tilespmem:s21], [sflag:$0x2], $0x2800, $0x38;
	[tilespmem:$0x13140] =	vst v63  }
0x25: {  	_ =	swait.ge [sflag:s22], $0x2800  }
0x26: {  	[sflag:s22] =	ssyncset.done $0x0  }
0x27: {  	[sflag:s22] =	ssyncadd.s32 $0xFFFFD800  }
0x28: {  	[spmem:s11] =	stream.linear.scatter [tilespmem:s21], [sflag:$0x2], $0x2800, $0x38;
	[tilespmem:$0x13140] =	vst v63  }
0x29: {  	_ =	swait.ge [sflag:s22], $0x2800  }
0x2a: {  	[sflag:s22] =	ssyncset.done $0x0  }
0x2b: {  	[sflag:s22] =	ssyncadd.s32 $0xFFFFD800  }
0x2c: {  	[spmem:s12] =	stream.linear.scatter [tilespmem:s21], [sflag:$0x2], $0x2800, $0x38;
	[tilespmem:$0x13140] =	vst v63  }
0x2d: {  	_ =	swait.ge [sflag:s22], $0x2800  }
0x2e: {  	[sflag:s22] =	ssyncset.done $0x0  }
0x2f: {  	[sflag:s22] =	ssyncadd.s32 $0xFFFFD800  }
0x30: {  	[spmem:s13] =	stream.linear.scatter [tilespmem:s21], [sflag:$0x2], $0x2800, $0x38;
	[tilespmem:$0x13140] =	vst v63  }
0x31: {  	_ =	swait.ge [sflag:s22], $0x2800  }
0x32: {  	[sflag:s22] =	ssyncset.done $0x0  }
0x33: {  	[sflag:s22] =	ssyncadd.s32 $0xFFFFD800  }
0x34: {  	s29 =	simm.s32 $0x0;
	s31 =	rddreg [dreg:$0x1]  }
0x35: {  	[tilespmem:s23], [sflag:$0x2] =	stream.linear.gather [hbm4b:s31+s29], $0x40, $0x38;
	[tilespmem:$0x13140] =	vst v63  }
0x36: {  	_ =	swait.ge [sflag:s22], $0x40  }
0x37: {  	[sflag:s22] =	ssyncset.done $0x0  }
0x38: {  	[sflag:s22] =	ssyncadd.s32 $0xFFFFFFC0  }
0x39: {  	[bflag:$0x0] =	sbarrier.arrive $0xFFFF  }
0x3a: {  	v5 =	vld [tilespmem:$0x6900]  }
0x3b: {  	v6 =	vld [tilespmem:$0x6910]  }
0x3c: {  	v7 =	vld [tilespmem:$0x6920]  }
0x3d: {  	s30 =	simm.s32 $0x0;
	v8 =	vld [tilespmem:$0x6930]  }
.LBB2_4:
0x3e: {  	s0 =	sshll.u32 s30, $0x7  }
0x3f: {  	s0 =	sadd.s32 s14, s0  }
0x40: {  	s0 =	sshrl.u32 s0, $0x3  }
0x41: {  	s1 =	sadd.s32 s7, s0  }
0x42: {  	[tilespmem:s29], [sflag:$0x2] =	stream.linear.gather [hbm4b:s1+s29], $0x80, $0x38;
	[tilespmem:$0x13140] =	vst v63  }
0x43: {  	_ =	swait.ge [sflag:s22], $0x80  }
0x44: {  	[sflag:s22] =	ssyncset.done $0x0  }
0x45: {  	s0 =	sadd.s32 s8, s0;
	[sflag:s22] =	ssyncadd.s32 $0xFFFFFF80  }
0x46: {  	[tilespmem:s24], [sflag:$0x2] =	stream.linear.gather [hbm4b:s0+s29], $0x80, $0x38;
	[tilespmem:$0x13140] =	vst v63  }
0x47: {  	_ =	swait.ge [sflag:s22], $0x80  }
0x48: {  	[sflag:s22] =	ssyncset.done $0x0  }
0x49: {  	[sflag:s22] =	ssyncadd.s32 $0xFFFFFF80  }
0x4a: {  	[tilespmem:s25], [sflag:$0x1] =	stream.indirect.gather [hbm4b:s5+s24], $0x40, s29, s24, $0xb8;
	[tilespmem:$0x13140] =	vst v63  }
0x4b: {  	_ =	swait.ge [sflag:s26], $0x2000  }
0x4c: {  	[sflag:s26] =	ssyncset.done $0x0  }
0x4d: {  	[sflag:s26] =	ssyncadd.s32 $0xFFFFE000  }
0x4e: {  	[tilespmem:s28], [sflag:$0x1] =	stream.indirect.gather [hbm4b:s6+s24], $0x40, s24, s24, $0xb8;
	[tilespmem:$0x13140] =	vst v63  }
0x4f: {  	_ =	swait.ge [sflag:s26], $0x2000  }
0x50: {  	[sflag:s26] =	ssyncset.done $0x0  }
0x51: {  	s1 =	simm.s32 $0x0;
	[sflag:s26] =	ssyncadd.s32 $0xFFFFE000  }
0x52: {  	v9 =	vld [tilespmem:s1+$0x2100]  }
0x53: {  	v10 =	vld [tilespmem:s1+$0x100]  }
0x54: {  	v11 =	vld [tilespmem:s1+$0x2110]  }
0x55: {  	v12 =	vld [tilespmem:s1+$0x110]  }
0x56: {  	v13 =	vld [tilespmem:s1+$0x2120]  }
0x57: {  	v14 =	vld [tilespmem:s1+$0x120]  }
0x58: {  	v15 =	vld [tilespmem:s1+$0x2130];
	v9 =	vadd.f32 v9, v10  }
0x59: {  	v16 =	vld [tilespmem:s1+$0x130]  }
0x5a: {  	v11 =	vadd.f32 v11, v12;
	v17 =	vmul.f32 $2.000000030e-01, v9;
	_ =	sdelay $0x1  }
0x5b: {  	v13 =	vadd.f32 v13, v14;
	v59 =	vmul.f32 $2.000000030e-01, v11;
	v9 =	vmax.f32 v9, v17  }
0x5c: {  	v9 =	vmul.f32 v9, v5  }
0x5d: {  	v15 =	vadd.f32 v15, v16;
	v60 =	vmul.f32 $2.000000030e-01, v13;
	v11 =	vmax.f32 v11, v59  }
0x5e: {  	v11 =	vmul.f32 v11, v6;
	v9 =	vadd.f32 $0.0e+00, v9  }
0x5f: {  	v61 =	vmul.f32 $2.000000030e-01, v15;
	v13 =	vmax.f32 v13, v60  }
0x60: {  	v9 =	vadd.f32 v11, v9;
	v11 =	vmul.f32 v13, v7  }
0x61: {  	v62 =	vmax.f32 v15, v61  }
0x62: {  	v9 =	vadd.f32 v11, v9;
	v11 =	vmul.f32 v62, v8;
	_ =	sdelay $0x1  }
0x63: {  	v9 =	vadd.f32 v11, v9;
	_ =	sdelay $0x1  }
0x64: {  	v11 =	vperm.xlane v9, v0;
	_ =	sdelay $0x1  }
0x65: {  	v9 =	vadd.f32 v9, v11;
	_ =	sdelay $0x1  }
0x66: {  	v11 =	vperm.xlane v9, v1;
	_ =	sdelay $0x1  }
0x67: {  	v9 =	vadd.f32 v9, v11;
	_ =	sdelay $0x1  }
0x68: {  	v11 =	vperm.xlane v9, v2;
	_ =	sdelay $0x1  }
0x69: {  	v9 =	vadd.f32 v9, v11;
	_ =	sdelay $0x1  }
0x6a: {  	v11 =	vperm.xlane v9, v4;
	_ =	sdelay $0x1  }
0x6b: {  	v9 =	vadd.f32 v9, v11;
	_ =	sdelay $0x1  }
0x6c: {  	v9 =	vmul.f32 $1.442695020e+00, v9;
	_ =	sdelay $0x1  }
0x6d: {  	(erf) = vpow2.f32 v9;
	_ =	sdelay $0x8  }
0x6e: {  	v9 =	vpop (erf)  }
0x6f: {  	s31 =	simm.s32 $0x4120;
	v11 =	vmul.f32 v9, v16  }
0x70: {  	v63 =	vmul.f32 v9, v14;
	[tilespmem:s31+$0x20] =	vst v9  }
0x71: {  	v12 =	vmul.f32 v9, v12;
	[tilespmem:s31+$0x10] =	vst v11  }
0x72: {  	v9 =	vmul.f32 v9, v10;
	[tilespmem:s31+$0x0] =	vst v63  }
0x73: {  	[tilespmem:s31+$0xFFFFFFF0] =	vst v12  }
0x74: {  	s1 =	simm.s32 $0x40;
	[tilespmem:s31+$0xFFFFFFE0] =	vst v9  }
0x75: {  	s0 =	simm.s32 $0x200;
	v9 =	vld [tilespmem:s1+$0x2100]  }
.LBB2_5:
0x76: {  	p0 =	sne.s32 s0, $0x7F00;
	v10 =	vld [tilespmem:s1+$0x100]  }
0x77: {  	v11 =	vld [tilespmem:s1+$0x2110]  }
0x78: {  	v12 =	vld [tilespmem:s1+$0x110]  }
0x79: {  	v13 =	vld [tilespmem:s1+$0x2120]  }
0x7a: {  	v14 =	vld [tilespmem:s1+$0x120]  }
0x7b: {  	v9 =	vadd.f32 v9, v10;
	v15 =	vld [tilespmem:s1+$0x2130]  }
0x7c: {  	v16 =	vld [tilespmem:s1+$0x130]  }
0x7d: {  	v17 =	vmul.f32 $2.000000030e-01, v9;
	v11 =	vadd.f32 v11, v12;
	_ =	sdelay $0x1  }
0x7e: {  	v9 =	vmax.f32 v9, v17;
	v17 =	vmul.f32 $2.000000030e-01, v11;
	v13 =	vadd.f32 v13, v14  }
0x7f: {  	v9 =	vmul.f32 v9, v5  }
0x80: {  	v11 =	vmax.f32 v11, v17;
	v17 =	vmul.f32 $2.000000030e-01, v13;
	v15 =	vadd.f32 v15, v16  }
0x81: {  	v9 =	vadd.f32 $0.0e+00, v9;
	v11 =	vmul.f32 v11, v6  }
0x82: {  	v13 =	vmax.f32 v13, v17;
	v17 =	vmul.f32 $2.000000030e-01, v15  }
0x83: {  	v9 =	vadd.f32 v11, v9;
	v11 =	vmul.f32 v13, v7  }
0x84: {  	v13 =	vmax.f32 v15, v17  }
0x85: {  	v9 =	vadd.f32 v11, v9;
	v11 =	vmul.f32 v13, v8;
	_ =	sdelay $0x1  }
0x86: {  	v9 =	vadd.f32 v11, v9;
	_ =	sdelay $0x1  }
0x87: {  	v11 =	vperm.xlane v9, v0;
	_ =	sdelay $0x1  }
0x88: {  	v9 =	vadd.f32 v9, v11;
	_ =	sdelay $0x1  }
0x89: {  	v11 =	vperm.xlane v9, v1;
	_ =	sdelay $0x1  }
0x8a: {  	v9 =	vadd.f32 v9, v11;
	_ =	sdelay $0x1  }
0x8b: {  	v11 =	vperm.xlane v9, v2;
	_ =	sdelay $0x1  }
0x8c: {  	v9 =	vadd.f32 v9, v11;
	_ =	sdelay $0x1  }
0x8d: {  	v11 =	vperm.xlane v9, v4;
	_ =	sdelay $0x1  }
0x8e: {  	v9 =	vadd.f32 v9, v11;
	_ =	sdelay $0x1  }
0x8f: {  	v9 =	vmul.f32 $1.442695020e+00, v9;
	_ =	sdelay $0x1  }
0x90: {  	(erf) = vpow2.f32 v9;
	_ =	sdelay $0x8  }
0x91: {  	s31 =	sadd.s32 $0x50, s31;
	v9 =	vpop (erf)  }
0x92: {  	v11 =	vmul.f32 v9, v14;
	v13 =	vmul.f32 v9, v16;
	[tilespmem:s31+$0x20] =	vst v9  }
0x93: {  	v10 =	vmul.f32 v9, v10;
	v9 =	vmul.f32 v9, v12  }
.Ltmp1:
0x94: {  	[tilespmem:s31+$0x10] =	vst v13;
	(pc) =	sbr.rel @p0 .LBB2_5-.Ltmp1, $4  }
0x95: {  	[tilespmem:s31+$0x0] =	vst v11  }
0x96: {  	[tilespmem:s31+$0xFFFFFFF0] =	vst v9  }
0x97: {  	s1 =	sshra.s32 s0, $0x2;
	[tilespmem:s31+$0xFFFFFFE0] =	vst v10  }
0x98: {  	s0 =	sadd.s32 $0x100, s0;
	v9 =	vld [tilespmem:s1+$0x2100]  }
0x99: {  	v10 =	vld [tilespmem:s1+$0x100]  }
0x9a: {  	v11 =	vld [tilespmem:s1+$0x2110]  }
0x9b: {  	v12 =	vld [tilespmem:s1+$0x110]  }
0x9c: {  	v13 =	vld [tilespmem:s1+$0x2120]  }
0x9d: {  	v14 =	vld [tilespmem:s1+$0x120]  }
0x9e: {  	v15 =	vld [tilespmem:s1+$0x2130];
	v9 =	vadd.f32 v9, v10  }
0x9f: {  	v16 =	vld [tilespmem:s1+$0x130]  }
0xa0: {  	v11 =	vadd.f32 v11, v12;
	v17 =	vmul.f32 $2.000000030e-01, v9;
	_ =	sdelay $0x1  }
0xa1: {  	v13 =	vadd.f32 v13, v14;
	v59 =	vmul.f32 $2.000000030e-01, v11;
	v9 =	vmax.f32 v9, v17  }
0xa2: {  	v9 =	vmul.f32 v9, v5  }
0xa3: {  	v15 =	vadd.f32 v15, v16;
	v60 =	vmul.f32 $2.000000030e-01, v13;
	v11 =	vmax.f32 v11, v59  }
0xa4: {  	v11 =	vmul.f32 v11, v6;
	v9 =	vadd.f32 $0.0e+00, v9  }
0xa5: {  	v61 =	vmul.f32 $2.000000030e-01, v15;
	v13 =	vmax.f32 v13, v60  }
0xa6: {  	v9 =	vadd.f32 v11, v9;
	v11 =	vmul.f32 v13, v7  }
0xa7: {  	v62 =	vmax.f32 v15, v61  }
0xa8: {  	v9 =	vadd.f32 v11, v9;
	v11 =	vmul.f32 v62, v8;
	_ =	sdelay $0x1  }
0xa9: {  	v9 =	vadd.f32 v11, v9;
	_ =	sdelay $0x1  }
0xaa: {  	v11 =	vperm.xlane v9, v0;
	_ =	sdelay $0x1  }
0xab: {  	v9 =	vadd.f32 v9, v11;
	_ =	sdelay $0x1  }
0xac: {  	v11 =	vperm.xlane v9, v1;
	_ =	sdelay $0x1  }
0xad: {  	v9 =	vadd.f32 v9, v11;
	_ =	sdelay $0x1  }
0xae: {  	v11 =	vperm.xlane v9, v2;
	_ =	sdelay $0x1  }
0xaf: {  	v9 =	vadd.f32 v9, v11;
	_ =	sdelay $0x1  }
0xb0: {  	v11 =	vperm.xlane v9, v4;
	_ =	sdelay $0x1  }
0xb1: {  	v9 =	vadd.f32 v9, v11;
	_ =	sdelay $0x1  }
0xb2: {  	v9 =	vmul.f32 $1.442695020e+00, v9;
	_ =	sdelay $0x1  }
0xb3: {  	(erf) = vpow2.f32 v9;
	_ =	sdelay $0x8  }
0xb4: {  	v9 =	vpop (erf)  }
0xb5: {  	s0 =	sadd.s32 $0x50, s31;
	v11 =	vmul.f32 v9, v16  }
0xb6: {  	v63 =	vmul.f32 v9, v14;
	[tilespmem:s0+$0x20] =	vst v9  }
0xb7: {  	v12 =	vmul.f32 v9, v12;
	[tilespmem:s0+$0x10] =	vst v11  }
0xb8: {  	s30 =	sadd.s32 $0x1, s30;
	v9 =	vmul.f32 v9, v10;
	[tilespmem:s0+$0x0] =	vst v63  }
0xb9: {  	p0 =	sne.s32 s30, $0x28;
	[tilespmem:s0+$0xFFFFFFF0] =	vst v12  }
.Ltmp2:
0xba: {  	[tilespmem:s0+$0xFFFFFFE0] =	vst v9;
	(pc) =	sbr.rel @p0 .LBB2_4-.Ltmp2, $4  }
0xbb: {  	[spmem:s2] =	stream.indirect.scatter.add.f32 [tilespmem:s21], [sflag:$0x2], $0x50, s24, s24, $0xb8;
	[tilespmem:$0x13140] =	vst v63  }
0xbc: {  	_ =	swait.ge [sflag:s22], $0x2800  }
0xbd: {  	[sflag:s22] =	ssyncset.done $0x0  }
0xbe: {  	[sflag:s22] =	ssyncadd.s32 $0xFFFFD800  }
0xbf: {  	s0 =	sshll.u32 s4, $0x6  }
0xc0: {  	[bflag:$0x0] =	sbarrier.arrive $0xFFFF;
	s1 =	sshrl.u32 s9, $0x3;
	s0 =	sor.u32 $0x1C02, s0  }
0xc1: {  	[hbm:s15], [sflag:s0] =	dma.local [spmem:s1], $0x500  }
0xc2: {  	_ =	swait.ge [sflag:s22], $0x500  }
0xc3: {  	[sflag:s22] =	ssyncset.done $0x0  }
0xc4: {  	s31 =	sshrl.u32 s10, $0x3;
	[sflag:s22] =	ssyncadd.s32 $0xFFFFFB00  }
0xc5: {  	[hbm:s16], [sflag:s0] =	dma.local [spmem:s31], $0x500  }
0xc6: {  	_ =	swait.ge [sflag:s22], $0x500  }
0xc7: {  	[sflag:s22] =	ssyncset.done $0x0  }
0xc8: {  	s29 =	sshrl.u32 s11, $0x3;
	[sflag:s22] =	ssyncadd.s32 $0xFFFFFB00  }
0xc9: {  	[hbm:s17], [sflag:s0] =	dma.local [spmem:s29], $0x500  }
0xca: {  	_ =	swait.ge [sflag:s22], $0x500  }
0xcb: {  	[sflag:s22] =	ssyncset.done $0x0  }
0xcc: {  	s30 =	sshrl.u32 s12, $0x3;
	[sflag:s22] =	ssyncadd.s32 $0xFFFFFB00  }
0xcd: {  	[hbm:s18], [sflag:s0] =	dma.local [spmem:s30], $0x500  }
0xce: {  	s3 =	sadd.s32 $0x1, s3;
	_ =	swait.ge [sflag:s22], $0x500  }
0xcf: {  	p0 =	sne.s32 s3, s20;
	[sflag:s22] =	ssyncset.done $0x0  }
.Ltmp3:
0xd0: {  	s31 =	sshrl.u32 s13, $0x3;
	[sflag:s22] =	ssyncadd.s32 $0xFFFFFB00;
	(pc) =	sbr.rel @p0 .LBB2_1-.Ltmp3, $4  }
0xd1: {  	[hbm:s19], [sflag:s0] =	dma.local [spmem:s31], $0x500  }
0xd2: {  	_ =	swait.ge [sflag:s22], $0x500  }
0xd3: {  	[sflag:s22] =	ssyncset.done $0x0  }
0xd4: {  	[sflag:s22] =	ssyncadd.s32 $0xFFFFFB00  }
0xd5: {  	_ =	sfence.sel $0x180000  }
0xd6: {  	[bflag:$0x0] =	sbarrier.arrive $0xFFFF  }
0xd7: {  	_ =	strace $0x9000004D  }
0xd8: {  	[bflag:$0x2] =	sbarrier.arrive $0xFFFF  }
0xd9: {  	p0 =	sne.s32 s4, $0x0;
	s0 =	rddreg [dreg:$0x3]  }
0xda: {  	s0 =	sadd.s32 @!p0 $0x100000, s0  }
0xdb: {  	[sflag:s0] =	ssyncadd.tile.s32 @!p0 $0x1;
	_ =	shalt  }
.Lfunc_end2:
_tile_overlayer_lowered:
.L_overlay_start_2:
0xdc: {  	(tag) =	ssettag $0x2  }
0xdd: {  	s0 =	rddreg [dreg:$0x0];
	s2 =	stileid.u32  }
0xde: {  	s1 =	rddreg [dreg:$0x1];
	p0 =	sne.s32 s2, $0x0  }
0xdf: {  	s3 =	rddreg [dreg:$0x2];
	[bflag:$0x3] =	sbarrier.arrive $0xFFFF;
	s2 =	simm.s32 @!p0 $0x1C02  }
0xe0: {  	[timem:s3], [sflag:s2] =	dma.local @!p0 [hbm:s0], s1  }
0xe1: {  	s0 =	simm.s32 @!p0 $0x2  }
0xe2: {  	_ =	swait.ge @!p0 [sflag:s0], s1  }
0xe3: {  	s1 =	ssub.s32 @!p0 $0x0, s1;
	[sflag:s0] =	ssyncset.done @!p0 $0x0  }
0xe4: {  	[sflag:s0] =	ssyncadd.s32 @!p0 s1  }
0xe5: {  	[bflag:$0x3] =	sbarrier.arrive $0xFFFF  }
0xe6: {  	_ =	shalt  }

// kernel: kernel.9.cloned.1.call-start
scs
__scs_entry_jumppad:
0x0: {  	(pc) =	sbr.rel $0x88, $3  }
0x1: {  	(tag) =	ssettag $0x0;
	lr =	simm.s32 $0x1  }
0x2: {  	[smem:$0x3F7D] =	sst lr;
	_ =	strace $0xD0000000  }
0x3: {  	_ = 	snop  }
0x4: {  	_ = 	snop  }
0x5: {  	_ = 	snop  }
0x6: {  	_ = 	snop  }
0x7: {  	_ = 	snop  }
__scs_overlays_trampoline_lowered:
0x8: {  	[smem:$0x3F8C] =	sst s0  }
0x9: {  	[smem:$0x3F8D] =	sst s1  }
0xa: {  	[smem:$0x3F8E] =	sst s2  }
0xb: {  	[smem:$0x3F8F] =	sst s3  }
0xc: {  	[smem:$0x3F90] =	sst s4  }
0xd: {  	[smem:$0x3F91] =	sst s5  }
0xe: {  	[smem:$0x3F92] =	sst s6  }
0xf: {  	[smem:$0x3F93] =	sst s7  }
0x10: {  	[smem:$0x3F94] =	sst s8  }
0x11: {  	[smem:$0x3F95] =	sst s9;
	s0 =	simm.s32 @!p0 $0x0  }
0x12: {  	s1 =	sld [smem:$0x3F7B];
	s0 =	simm.s32 @p0 $0x1  }
0x13: {  	[smem:$0x3F96] =	sst s0;
	s0 =	simm.s32 @!p1 $0x0  }
0x14: {  	s2 =	sld [smem:$0x3F7A];
	s0 =	simm.s32 @p1 $0x1  }
0x15: {  	[smem:$0x3F97] =	sst s0;
	s0 =	simm.s32 @!p2 $0x0  }
0x16: {  	s3 =	sld [smem:$0x3FDB];
	s0 =	simm.s32 @p2 $0x1  }
0x17: {  	s4 =	simm.s32 $0x1BF5;
	[smem:$0x3F99] =	sst s0  }
0x18: {  	s0 =	sld [smem:$0x3F7C];
	_ =	swait.ge [sflag:s4], $0x0  }
0x19: {  	s7 =	sld [smem:$0x3F7D]  }
0x1a: {  	s8 =	sadd.s32 $0xFFFFE003, lr  }
0x1b: {  	s9 =	sadd.s32 $0xFFFFFEF7, lr;
	s5 =	simm.s32 $0xFFFFFFFF;
	p2 =	slt.u32 s8, $0xFFFFF086  }
0x1c: {  	p1 =	slt.u32 s9, $0xF7A;
	s5 =	simm.s32 @!p2 $0x0  }
0x1d: {  	s5 =	simm.s32 @p1 $0x1;
	p0 =	seq.s32 s7, s2  }
0x1e: {  	s7 =	smul.u32 @!p0 $0xF7A, s2;
	p2 =	seq.s32 @!p0 s5, $0x0  }
0x1f: {  	s9 =	smul.u32 $0xF7A, s1;
	s8 =	simm.s32 @!p0 $0x1BF5;
	p2 =	por !p2, p0  }
0x20: {  	[sflag:s8] =	ssyncset.s32 @!p0 $0xFFFFF086;
	s6 =	sadd.s32 @!p0 s3, s7;
	s7 =	simm.s32 @!p0 $0x108  }
0x21: {  	s3 =	sadd.s32 s3, s9;
	s6 =	sadd.s32 @!p0 $0x88, s6;
	s7 =	simm.s32 @p2 $0x1082  }
0x22: {  	[simem:s7], [sflag:s8] =	dma.local @!p0 [hbm:s6], $0xF7A  }
0x23: {  	s9 =	sor.u32 $0xD0000000, s2;
	s6 =	simm.s32 $0x108;
	_ =	swait.ge @!p0 [sflag:s8], $0x0  }
0x24: {  	s3 =	sadd.s32 $0x88, s3;
	s6 =	simm.s32 @!p1 $0x1082;
	[sflag:s4] =	ssyncset.s32 $0xFFFFF086  }
0x25: {  	[simem:s6], [sflag:s4] =	dma.local [hbm:s3], $0xF7A  }
0x26: {  	[smem:$0x3F7D] =	sst s1;
	(tag) =	ssettag s2;
	_ =	strace s9  }
0x27: {  	s1 =	sld [smem:$0x3F8D]  }
0x28: {  	s2 =	sld [smem:$0x3F8E]  }
0x29: {  	s4 =	sld [smem:$0x3F90]  }
0x2a: {  	p0 =	seq.s32 s5, $0x0;
	s5 =	sld [smem:$0x3F91]  }
0x2b: {  	s6 =	sld [smem:$0x3F92]  }
0x2c: {  	s7 =	sld [smem:$0x3F93]  }
0x2d: {  	s3 =	simm.s32 $0x108;
	s8 =	sld [smem:$0x3F94]  }
0x2e: {  	s3 =	simm.s32 @!p0 $0x1082;
	s9 =	sld [smem:$0x3F95]  }
0x2f: {  	lr =	sadd.s32 s0, s3;
	s0 =	sld [smem:$0x3F8C]  }
0x30: {  	s3 =	sld [smem:$0x3F8F]  }
0x31: {  	[smem:$0x3F98] =	sst s10  }
0x32: {  	s10 =	sld [smem:$0x3F96];
	_ =	sdelay $0x3  }
0x33: {  	p0 =	seq.s32 s10, $0x1;
	s10 =	sld [smem:$0x3F98];
	_ =	sdelay $0x3  }
0x34: {  	[smem:$0x3F98] =	sst s10  }
0x35: {  	s10 =	sld [smem:$0x3F97];
	_ =	sdelay $0x3  }
0x36: {  	p1 =	seq.s32 s10, $0x1;
	s10 =	sld [smem:$0x3F98];
	_ =	sdelay $0x3  }
0x37: {  	[smem:$0x3F98] =	sst s10  }
0x38: {  	s10 =	sld [smem:$0x3F99]  }
0x39: {  	_ = 	snop;
	(pc) =	sbr.ind lr, $3  }
0x3a: {  	_ = 	snop  }
0x3b: {  	_ = 	snop  }
0x3c: {  	p2 =	seq.s32 s10, $0x1;
	s10 =	sld [smem:$0x3F98]  }
0x3d: {  	_ =	shalt  }
0x3e: {  	_ =	shalt  }
0x3f: {  	_ =	shalt  }
0x40: {  	_ =	shalt  }
0x41: {  	_ =	shalt  }
0x42: {  	_ =	shalt  }
0x43: {  	_ =	shalt  }
0x44: {  	_ =	shalt  }
0x45: {  	_ =	shalt  }
0x46: {  	_ =	shalt  }
0x47: {  	_ =	shalt  }
0x48: {  	_ =	shalt  }
0x49: {  	_ =	shalt  }
0x4a: {  	_ =	shalt  }
0x4b: {  	_ =	shalt  }
0x4c: {  	_ =	shalt  }
0x4d: {  	_ =	shalt  }
0x4e: {  	_ =	shalt  }
0x4f: {  	_ =	shalt  }
0x50: {  	_ =	shalt  }
0x51: {  	_ =	shalt  }
0x52: {  	_ =	shalt  }
0x53: {  	_ =	shalt  }
0x54: {  	_ =	shalt  }
0x55: {  	_ =	shalt  }
0x56: {  	_ =	shalt  }
0x57: {  	_ =	shalt  }
0x58: {  	_ =	shalt  }
0x59: {  	_ =	shalt  }
0x5a: {  	_ =	shalt  }
0x5b: {  	_ =	shalt  }
0x5c: {  	_ =	shalt  }
0x5d: {  	_ =	shalt  }
0x5e: {  	_ =	shalt  }
0x5f: {  	_ =	shalt  }
0x60: {  	_ =	shalt  }
0x61: {  	_ =	shalt  }
0x62: {  	_ =	shalt  }
0x63: {  	_ =	shalt  }
0x64: {  	_ =	shalt  }
0x65: {  	_ =	shalt  }
0x66: {  	_ =	shalt  }
0x67: {  	_ =	shalt  }
0x68: {  	_ =	shalt  }
0x69: {  	_ =	shalt  }
0x6a: {  	_ =	shalt  }
0x6b: {  	_ =	shalt  }
0x6c: {  	_ =	shalt  }
0x6d: {  	_ =	shalt  }
0x6e: {  	_ =	shalt  }
0x6f: {  	_ =	shalt  }
0x70: {  	_ =	shalt  }
0x71: {  	_ =	shalt  }
0x72: {  	_ =	shalt  }
0x73: {  	_ =	shalt  }
0x74: {  	_ =	shalt  }
0x75: {  	_ =	shalt  }
0x76: {  	_ =	shalt  }
0x77: {  	_ =	shalt  }
0x78: {  	_ =	shalt  }
0x79: {  	_ =	shalt  }
0x7a: {  	_ =	shalt  }
0x7b: {  	_ =	shalt  }
0x7c: {  	_ =	shalt  }
0x7d: {  	_ =	shalt  }
0x7e: {  	_ =	shalt  }
0x7f: {  	_ =	shalt  }
0x80: {  	_ =	shalt  }
0x81: {  	_ =	shalt  }
0x82: {  	_ =	shalt  }
0x83: {  	_ =	shalt  }
0x84: {  	_ =	shalt  }
0x85: {  	_ =	shalt  }
0x86: {  	_ =	shalt  }
0x87: {  	_ =	shalt  }
.Lfunc_end0:
.L_simem_size_0:
called_computation_lowered:
.L_overlay_start_0:
0x88: {  	s2 =	sld [smem:$0x3FD9]  }
0x89: {  	s3 =	sld [smem:$0x3FFE];
	_ =	sdelay $0x1  }
0x8a: {  	s1 =	srdreg.scid  }
0x8b: {  	s0 =	sand.u32 $0x1, s1  }
0x8c: {  	s17 =	sshll.u32 s0, $0xA;
	s2 =	sadd.s32 s3, s2  }
0x8d: {  	s2 =	sadd.s32 s2, s17  }
0x8e: {  	[smem:$0x3FA4] =	sst s2  }
0x8f: {  	_ = 	snop  }
0x90: {  	s2 =	sld [smem:$0x3FC3];
	(tm) =	ssettm $0x1  }
0x91: {  	s18 =	sld [smem:$0x3FFB];
	_ =	sdelay $0x3  }
0x92: {  	_ =	strace s18  }
0x93: {  	s3 =	sld [smem:$0x3FFC];
	_ =	sdelay $0x3  }
0x94: {  	_ =	strace s3  }
0x95: {  	s3 =	sld [smem:$0x3FFD];
	_ =	sdelay $0x3  }
0x96: {  	_ =	strace s3  }
0x97: {  	_ =	strace $0x8FFFFFFF  }
0x98: {  	s19 =	sld [smem:$0x3FDB];
	_ =	sdelay $0x1  }
0x99: {  	s4 =	simm.s32 $_scs_section_size  }
0x9a: {  	s5 =	simm.s32 $_size__tile_overlayer_lowered;
	s6 =	simm.s32 $_tile_overlayer_lowered  }
0x9b: {  	s22 =	simm.s32 $0x1BFF;
	s21 =	sshll.u32 s6, $0x1;
	s3 =	sadd.s32 s4, s19  }
0x9c: {  	s7 =	simm.s32 $0x0;
	s20 =	sshll.u32 s5, $0x1;
	s5 =	sadd.s32 s21, s3  }
0x9d: {  	[timem:s7], [sflag:s22] =	dma.local [hbm:s5], s20  }
0x9e: {  	_ =	swait.ge [sflag:s22], s20  }
0x9f: {  	s4 =	ssub.s32 $0x0, s20;
	[sflag:s22] =	ssyncset.done $0x0  }
0xa0: {  	[sflag:s22] =	ssyncadd.s32 s4;
	_ =	sdelay $0x1  }
0xa1: {  	s23 =	simm.s32 $0x1B8B  }
0xa2: {  	_ =	swait.ge [sflag:s23], $0x1  }
0xa3: {  	[sflag:s23] =	ssyncset.done $0x0  }
0xa4: {  	s25 =	simm.s32 $0x1B8E;
	s24 =	sld [smem:$0x3FFE];
	[sflag:s23] =	ssyncadd.s32 $0xFFFFFFFF  }
0xa5: {  	s26 =	simm.s32 $execute0_lowered;
	[smem:$0x3FD2] =	sst s25  }
0xa6: {  	s5 =	sshll.u32 s26, $0x1;
	_ =	strace $0x80000046;
	[dreg:$0x1] =	wrdreg $0xFFFFFFFF  }
0xa7: {  	s28 =	simm.s32 $_size_execute0_lowered;
	s3 =	sadd.s32 s3, s5;
	[dreg:$0x0] =	wrdreg $0x0  }
0xa8: {  	s5 =	sshll.u32 s28, $0x1;
	[dreg:$0x2] =	wrdreg s3  }
0xa9: {  	[dreg:$0x3] =	wrdreg s5  }
0xaa: {  	[dreg:$0x4] =	wrdreg $0xC0  }
0xab: {  	_ =	task [dreg:s7], $0x5FFFF  }
0xac: {  	[dreg:$0x1] =	wrdreg $0xFFFFFFFF  }
0xad: {  	[dreg:$0x0] =	wrdreg $0x60  }
0xae: {  	[dreg:$0x2] =	wrdreg s24  }
0xaf: {  	[dreg:$0x3] =	wrdreg s2  }
0xb0: {  	[dreg:$0x4] =	wrdreg $0x69400  }
0xb1: {  	[dreg:$0x5] =	wrdreg $0x9  }
0xb2: {  	_ =	task.clear_ibuf [dreg:s7], $0x6FFFF;
	_ =	strace $0x90000046  }
0xb3: {  	s29 =	simm.s32 $0x9;
	_ =	strace $0x80000048  }
0xb4: {  	_ =	swait.ge [sflag:s29], $0x1  }
0xb5: {  	[sflag:s29] =	ssyncadd.s32 $0xFFFFFFFF  }
0xb6: {  	_ =	strace $0x90000048  }
0xb7: {  	_ =	sfence  }
0xb8: {  	s30 =	sld [smem:$0x0];
	_ =	sdelay $0x2  }
0xb9: {  	s31 =	sshll.u32 s1, $0xD;
	s1 =	sshrl.u32 s1, $0x2  }
0xba: {  	s3 =	sand.u32 $0x4000, s31;
	s1 =	sadd.s32 s1, s30  }
0xbb: {  	s0 =	sor.u32 s3, s0;
	s1 =	sshll.u32 s1, $0x11  }
0xbc: {  	s0 =	sor.u32 s1, s0  }
0xbd: {  	s0 =	sadd.s32 $0x8F2B, s0  }
0xbe: {  	[sflag:s0] =	ssyncadd.remote.s32 $0x1  }
0xbf: {  	_ =	sfence.sel $0xFFFF  }
0xc0: {  	[dreg:$0x0] =	wrdreg $0xFFFFFFFF;
	(pc) =	sbr.abs _section_cstart, $3  }
0xc1: {  	[dreg:$0x1] =	wrdreg $0xFFFFFFFF  }
0xc2: {  	_ =	task.clear_ibuf [dreg:s7], $0x2FFFF;
	_ =	strace $0x9FFFFFFF  }
0xc3: {  	(tm) =	ssettm $0x7FFFFFFF  }
tec
execute0_lowered:
.L_overlay_start_1:
0x0: {  	(tag) =	ssettag $0x1  }
0x1: {  	s0 =	rddreg [dreg:$0x0]  }
0x2: {  	s2 =	rddreg [dreg:$0x2]  }
0x3: {  	s3 =	simm.s32 $0x0;
	s1 =	srdreg.scid;
	s4 =	stileid.u32  }
0x4: {  	s22 =	simm.s32 $0x2;
	s23 =	simm.s32 $0x6900;
	s24 =	simm.s32 $0x80  }
0x5: {  	s25 =	simm.s32 $0x100;
	s26 =	simm.s32 $0x1;
	s28 =	simm.s32 $0x2100  }
0x6: {  	[smem:$0x7FF] =	sst s3;
	s5 =	sadd.s32 $0x17800, s0;
	s6 =	sadd.s32 $0x3E00, s0  }
0x7: {  	v0 =	vimm.s32 $0xFEDCBA98;
	s7 =	sadd.s32 $0x35000, s0;
	s1 =	sand.u32 $0x1, s1;
	s8 =	sadd.s32 $0x2B200, s0  }
0x8: {  	v1 =	vimm.s32 $0x76543210;
	s13 =	smul.u32 $0xC800, s4;
	s0 =	sadd.s32 $0x3EE00, s0;
	_ =	strace $0x80000047  }
0x9: {  	v2 =	vimm.s32 $0xBA98FEDC;
	v3 =	vimm.s32 $0x32107654;
	s9 =	ssub.s32 $0x2, s1;
	s11 =	sshll.u32 s1, $0x4;
	s1 =	smul.u32 $0xC8000, s1  }
0xa: {  	v4 =	vimm.s32 $0xDCFE98BA;
	v5 =	vimm.s32 $0x54761032;
	s10 =	sshrl.u32 s9, $0x1;
	s14 =	sor.u32 s4, s11;
	s15 =	sadd.s32 $0x2800, s13  }
0xb: {  	v6 =	vimm.s32 $0xEFCDAB89;
	s17 =	sadd.s32 $0x5000, s13;
	s18 =	sadd.s32 $0x7800, s13;
	s19 =	sadd.s32 $0xA000, s13  }
0xc: {  	v7 =	vimm.s32 $0x67452301;
	v0 =	vunpack.c.l.s4.s8 v0;
	v1 =	vunpack.c.l.s4.s8 v1;
	s20 =	ssub.s32 s9, s10;
	s9 =	sadd.s32 s13, s2;
	s10 =	sadd.s32 s15, s2  }
0xd: {  	v2 =	vunpack.c.l.s4.s8 v2;
	v3 =	vunpack.c.l.s4.s8 v3;
	v4 =	vunpack.c.l.s4.s8 v4;
	s11 =	sadd.s32 s17, s2;
	s12 =	sadd.s32 s18, s2;
	s16 =	sadd.s32 s13, s1  }
0xe: {  	v5 =	vunpack.c.l.s4.s8 v5;
	v6 =	vunpack.c.l.s4.s8 v6;
	v7 =	vunpack.c.l.s4.s8 v7;
	s13 =	sadd.s32 s19, s2;
	s21 =	sadd.s32 s1, s15;
	s14 =	smul.u32 $0x2780, s14  }
0xf: {  	v0 =	vunpack.c.0.s8.s32 v0;
	v1 =	vunpack.c.0.s8.s32 v1;
	v2 =	vunpack.c.0.s8.s32 v2;
	s17 =	sadd.s32 s1, s17;
	s18 =	sadd.s32 s1, s18;
	s1 =	sadd.s32 s1, s19  }
0x10: {  	v3 =	vunpack.c.0.s8.s32 v3;
	v4 =	vunpack.c.0.s8.s32 v4;
	v5 =	vunpack.c.0.s8.s32 v5;
	s16 =	sshrl.u32 s16, $0x3;
	s31 =	sshrl.u32 s21, $0x3;
	s17 =	sshrl.u32 s17, $0x3  }
0x11: {  	v6 =	vunpack.c.0.s8.s32 v6;
	v7 =	vunpack.c.0.s8.s32 v7;
	v0 =	vand.u32 $0xF, v0;
	s18 =	sshrl.u32 s18, $0x3;
	s1 =	sshrl.u32 s1, $0x3;
	s20 =	smax.u32 s20, $0x1  }
0x12: {  	s21 =	simm.s32 $0x4100;
	s15 =	sadd.s32 s0, s16;
	s16 =	sadd.s32 s0, s31;
	v0 =	vcombine.low v0, v1;
	v1 =	vcombine.low v3, v2  }
0x13: {  	s17 =	sadd.s32 s0, s17;
	s18 =	sadd.s32 s0, s18;
	s19 =	sadd.s32 s0, s1;
	v2 =	vcombine.low v5, v4;
	v3 =	vimm.f32 $0.0e+00;
	v4 =	vcombine.low v7, v6  }
.LBB2_1:
0x14: {  	s1 =	simm.s32 $0x140;
	s0 =	simm.s32 $0x0  }
.LBB2_2:
0x15: {  	p0 =	sne.s32 s1, $0x9EC0;
	[tilespmem:s0+$0x4140] =	vst v3;
	s29 =	smov.u32 s1;
	s1 =	sadd.s32 $0x140, s1  }
.Ltmp0:
0x16: {  	[tilespmem:s0+$0x4130] =	vst v3;
	(pc) =	sbr.rel @p0 .LBB2_2-.Ltmp0, $4  }
0x17: {  	[tilespmem:s0+$0x4120] =	vst v3  }
0x18: {  	[tilespmem:s0+$0x4100] =	vst v3  }
0x19: {  	[tilespmem:s0+$0x4110] =	vst v3  }
0x1a: {  	s0 =	sshra.s32 s29, $0x2  }
0x1b: {  	[tilespmem:s0+$0x4140] =	vst v3  }
0x1c: {  	[tilespmem:s0+$0x4130] =	vst v3  }
0x1d: {  	[tilespmem:s0+$0x4120] =	vst v3  }
0x1e: {  	[tilespmem:s0+$0x4100] =	vst v3  }
0x1f: {  	[tilespmem:s0+$0x4110] =	vst v3  }
0x20: {  	[spmem:s9] =	stream.linear.scatter [tilespmem:s21], [sflag:$0x2], $0x2800, $0x38;
	[tilespmem:$0x13140] =	vst v63  }
0x21: {  	_ =	swait.ge [sflag:s22], $0x2800  }
0x22: {  	[sflag:s22] =	ssyncset.done $0x0  }
0x23: {  	[sflag:s22] =	ssyncadd.s32 $0xFFFFD800  }
0x24: {  	[spmem:s10] =	stream.linear.scatter [tilespmem:s21], [sflag:$0x2], $0x2800, $0x38;
	[tilespmem:$0x13140] =	vst v63  }
0x25: {  	_ =	swait.ge [sflag:s22], $0x2800  }
0x26: {  	[sflag:s22] =	ssyncset.done $0x0  }
0x27: {  	[sflag:s22] =	ssyncadd.s32 $0xFFFFD800  }
0x28: {  	[spmem:s11] =	stream.linear.scatter [tilespmem:s21], [sflag:$0x2], $0x2800, $0x38;
	[tilespmem:$0x13140] =	vst v63  }
0x29: {  	_ =	swait.ge [sflag:s22], $0x2800  }
0x2a: {  	[sflag:s22] =	ssyncset.done $0x0  }
0x2b: {  	[sflag:s22] =	ssyncadd.s32 $0xFFFFD800  }
0x2c: {  	[spmem:s12] =	stream.linear.scatter [tilespmem:s21], [sflag:$0x2], $0x2800, $0x38;
	[tilespmem:$0x13140] =	vst v63  }
0x2d: {  	_ =	swait.ge [sflag:s22], $0x2800  }
0x2e: {  	[sflag:s22] =	ssyncset.done $0x0  }
0x2f: {  	[sflag:s22] =	ssyncadd.s32 $0xFFFFD800  }
0x30: {  	[spmem:s13] =	stream.linear.scatter [tilespmem:s21], [sflag:$0x2], $0x2800, $0x38;
	[tilespmem:$0x13140] =	vst v63  }
0x31: {  	_ =	swait.ge [sflag:s22], $0x2800  }
0x32: {  	[sflag:s22] =	ssyncset.done $0x0  }
0x33: {  	[sflag:s22] =	ssyncadd.s32 $0xFFFFD800  }
0x34: {  	s29 =	simm.s32 $0x0;
	s31 =	rddreg [dreg:$0x1]  }
0x35: {  	[tilespmem:s23], [sflag:$0x2] =	stream.linear.gather [hbm4b:s31+s29], $0x40, $0x38;
	[tilespmem:$0x13140] =	vst v63  }
0x36: {  	_ =	swait.ge [sflag:s22], $0x40  }
0x37: {  	[sflag:s22] =	ssyncset.done $0x0  }
0x38: {  	[sflag:s22] =	ssyncadd.s32 $0xFFFFFFC0  }
0x39: {  	[bflag:$0x0] =	sbarrier.arrive $0xFFFF  }
0x3a: {  	v5 =	vld [tilespmem:$0x6900]  }
0x3b: {  	v6 =	vld [tilespmem:$0x6910]  }
0x3c: {  	v7 =	vld [tilespmem:$0x6920]  }
0x3d: {  	s30 =	simm.s32 $0x0;
	v8 =	vld [tilespmem:$0x6930]  }
.LBB2_4:
0x3e: {  	s0 =	sshll.u32 s30, $0x7  }
0x3f: {  	s0 =	sadd.s32 s14, s0  }
0x40: {  	s0 =	sshrl.u32 s0, $0x3  }
0x41: {  	s1 =	sadd.s32 s7, s0  }
0x42: {  	[tilespmem:s29], [sflag:$0x2] =	stream.linear.gather [hbm4b:s1+s29], $0x80, $0x38;
	[tilespmem:$0x13140] =	vst v63  }
0x43: {  	_ =	swait.ge [sflag:s22], $0x80  }
0x44: {  	[sflag:s22] =	ssyncset.done $0x0  }
0x45: {  	s0 =	sadd.s32 s8, s0;
	[sflag:s22] =	ssyncadd.s32 $0xFFFFFF80  }
0x46: {  	[tilespmem:s24], [sflag:$0x2] =	stream.linear.gather [hbm4b:s0+s29], $0x80, $0x38;
	[tilespmem:$0x13140] =	vst v63  }
0x47: {  	_ =	swait.ge [sflag:s22], $0x80  }
0x48: {  	[sflag:s22] =	ssyncset.done $0x0  }
0x49: {  	[sflag:s22] =	ssyncadd.s32 $0xFFFFFF80  }
0x4a: {  	[tilespmem:s25], [sflag:$0x1] =	stream.indirect.gather [hbm4b:s5+s24], $0x40, s29, s24, $0xb8;
	[tilespmem:$0x13140] =	vst v63  }
0x4b: {  	_ =	swait.ge [sflag:s26], $0x2000  }
0x4c: {  	[sflag:s26] =	ssyncset.done $0x0  }
0x4d: {  	[sflag:s26] =	ssyncadd.s32 $0xFFFFE000  }
0x4e: {  	[tilespmem:s28], [sflag:$0x1] =	stream.indirect.gather [hbm4b:s6+s24], $0x40, s24, s24, $0xb8;
	[tilespmem:$0x13140] =	vst v63  }
0x4f: {  	_ =	swait.ge [sflag:s26], $0x2000  }
0x50: {  	[sflag:s26] =	ssyncset.done $0x0  }
0x51: {  	s1 =	simm.s32 $0x0;
	[sflag:s26] =	ssyncadd.s32 $0xFFFFE000  }
0x52: {  	v9 =	vld [tilespmem:s1+$0x2100]  }
0x53: {  	v10 =	vld [tilespmem:s1+$0x100]  }
0x54: {  	v11 =	vld [tilespmem:s1+$0x2110]  }
0x55: {  	v12 =	vld [tilespmem:s1+$0x110]  }
0x56: {  	v13 =	vld [tilespmem:s1+$0x2120]  }
0x57: {  	v14 =	vld [tilespmem:s1+$0x120]  }
0x58: {  	v15 =	vld [tilespmem:s1+$0x2130];
	v9 =	vadd.f32 v9, v10  }
0x59: {  	v16 =	vld [tilespmem:s1+$0x130]  }
0x5a: {  	v11 =	vadd.f32 v11, v12;
	v17 =	vmul.f32 $2.000000030e-01, v9;
	_ =	sdelay $0x1  }
0x5b: {  	v13 =	vadd.f32 v13, v14;
	v59 =	vmul.f32 $2.000000030e-01, v11;
	v9 =	vmax.f32 v9, v17  }
0x5c: {  	v9 =	vmul.f32 v9, v5  }
0x5d: {  	v15 =	vadd.f32 v15, v16;
	v60 =	vmul.f32 $2.000000030e-01, v13;
	v11 =	vmax.f32 v11, v59  }
0x5e: {  	v11 =	vmul.f32 v11, v6;
	v9 =	vadd.f32 $0.0e+00, v9  }
0x5f: {  	v61 =	vmul.f32 $2.000000030e-01, v15;
	v13 =	vmax.f32 v13, v60  }
0x60: {  	v9 =	vadd.f32 v11, v9;
	v11 =	vmul.f32 v13, v7  }
0x61: {  	v62 =	vmax.f32 v15, v61  }
0x62: {  	v9 =	vadd.f32 v11, v9;
	v11 =	vmul.f32 v62, v8;
	_ =	sdelay $0x1  }
0x63: {  	v9 =	vadd.f32 v11, v9;
	_ =	sdelay $0x1  }
0x64: {  	v11 =	vperm.xlane v9, v0;
	_ =	sdelay $0x1  }
0x65: {  	v9 =	vadd.f32 v9, v11;
	_ =	sdelay $0x1  }
0x66: {  	v11 =	vperm.xlane v9, v1;
	_ =	sdelay $0x1  }
0x67: {  	v9 =	vadd.f32 v9, v11;
	_ =	sdelay $0x1  }
0x68: {  	v11 =	vperm.xlane v9, v2;
	_ =	sdelay $0x1  }
0x69: {  	v9 =	vadd.f32 v9, v11;
	_ =	sdelay $0x1  }
0x6a: {  	v11 =	vperm.xlane v9, v4;
	_ =	sdelay $0x1  }
0x6b: {  	v9 =	vadd.f32 v9, v11;
	_ =	sdelay $0x1  }
0x6c: {  	v9 =	vmul.f32 $1.442695020e+00, v9;
	_ =	sdelay $0x1  }
0x6d: {  	(erf) = vpow2.f32 v9;
	_ =	sdelay $0x8  }
0x6e: {  	v9 =	vpop (erf)  }
0x6f: {  	s31 =	simm.s32 $0x4120;
	v11 =	vmul.f32 v9, v16  }
0x70: {  	v63 =	vmul.f32 v9, v14;
	[tilespmem:s31+$0x20] =	vst v9  }
0x71: {  	v12 =	vmul.f32 v9, v12;
	[tilespmem:s31+$0x10] =	vst v11  }
0x72: {  	v9 =	vmul.f32 v9, v10;
	[tilespmem:s31+$0x0] =	vst v63  }
0x73: {  	[tilespmem:s31+$0xFFFFFFF0] =	vst v12  }
0x74: {  	s1 =	simm.s32 $0x40;
	[tilespmem:s31+$0xFFFFFFE0] =	vst v9  }
0x75: {  	s0 =	simm.s32 $0x200;
	v9 =	vld [tilespmem:s1+$0x2100]  }
.LBB2_5:
0x76: {  	p0 =	sne.s32 s0, $0x7F00;
	v10 =	vld [tilespmem:s1+$0x100]  }
0x77: {  	v11 =	vld [tilespmem:s1+$0x2110]  }
0x78: {  	v12 =	vld [tilespmem:s1+$0x110]  }
0x79: {  	v13 =	vld [tilespmem:s1+$0x2120]  }
0x7a: {  	v14 =	vld [tilespmem:s1+$0x120]  }
0x7b: {  	v9 =	vadd.f32 v9, v10;
	v15 =	vld [tilespmem:s1+$0x2130]  }
0x7c: {  	v16 =	vld [tilespmem:s1+$0x130]  }
0x7d: {  	v17 =	vmul.f32 $2.000000030e-01, v9;
	v11 =	vadd.f32 v11, v12;
	_ =	sdelay $0x1  }
0x7e: {  	v9 =	vmax.f32 v9, v17;
	v17 =	vmul.f32 $2.000000030e-01, v11;
	v13 =	vadd.f32 v13, v14  }
0x7f: {  	v9 =	vmul.f32 v9, v5  }
0x80: {  	v11 =	vmax.f32 v11, v17;
	v17 =	vmul.f32 $2.000000030e-01, v13;
	v15 =	vadd.f32 v15, v16  }
0x81: {  	v9 =	vadd.f32 $0.0e+00, v9;
	v11 =	vmul.f32 v11, v6  }
0x82: {  	v13 =	vmax.f32 v13, v17;
	v17 =	vmul.f32 $2.000000030e-01, v15  }
0x83: {  	v9 =	vadd.f32 v11, v9;
	v11 =	vmul.f32 v13, v7  }
0x84: {  	v13 =	vmax.f32 v15, v17  }
0x85: {  	v9 =	vadd.f32 v11, v9;
	v11 =	vmul.f32 v13, v8;
	_ =	sdelay $0x1  }
0x86: {  	v9 =	vadd.f32 v11, v9;
	_ =	sdelay $0x1  }
0x87: {  	v11 =	vperm.xlane v9, v0;
	_ =	sdelay $0x1  }
0x88: {  	v9 =	vadd.f32 v9, v11;
	_ =	sdelay $0x1  }
0x89: {  	v11 =	vperm.xlane v9, v1;
	_ =	sdelay $0x1  }
0x8a: {  	v9 =	vadd.f32 v9, v11;
	_ =	sdelay $0x1  }
0x8b: {  	v11 =	vperm.xlane v9, v2;
	_ =	sdelay $0x1  }
0x8c: {  	v9 =	vadd.f32 v9, v11;
	_ =	sdelay $0x1  }
0x8d: {  	v11 =	vperm.xlane v9, v4;
	_ =	sdelay $0x1  }
0x8e: {  	v9 =	vadd.f32 v9, v11;
	_ =	sdelay $0x1  }
0x8f: {  	v9 =	vmul.f32 $1.442695020e+00, v9;
	_ =	sdelay $0x1  }
0x90: {  	(erf) = vpow2.f32 v9;
	_ =	sdelay $0x8  }
0x91: {  	s31 =	sadd.s32 $0x50, s31;
	v9 =	vpop (erf)  }
0x92: {  	v11 =	vmul.f32 v9, v14;
	v13 =	vmul.f32 v9, v16;
	[tilespmem:s31+$0x20] =	vst v9  }
0x93: {  	v10 =	vmul.f32 v9, v10;
	v9 =	vmul.f32 v9, v12  }
.Ltmp1:
0x94: {  	[tilespmem:s31+$0x10] =	vst v13;
	(pc) =	sbr.rel @p0 .LBB2_5-.Ltmp1, $4  }
0x95: {  	[tilespmem:s31+$0x0] =	vst v11  }
0x96: {  	[tilespmem:s31+$0xFFFFFFF0] =	vst v9  }
0x97: {  	s1 =	sshra.s32 s0, $0x2;
	[tilespmem:s31+$0xFFFFFFE0] =	vst v10  }
0x98: {  	s0 =	sadd.s32 $0x100, s0;
	v9 =	vld [tilespmem:s1+$0x2100]  }
0x99: {  	v10 =	vld [tilespmem:s1+$0x100]  }
0x9a: {  	v11 =	vld [tilespmem:s1+$0x2110]  }
0x9b: {  	v12 =	vld [tilespmem:s1+$0x110]  }
0x9c: {  	v13 =	vld [tilespmem:s1+$0x2120]  }
0x9d: {  	v14 =	vld [tilespmem:s1+$0x120]  }
0x9e: {  	v15 =	vld [tilespmem:s1+$0x2130];
	v9 =	vadd.f32 v9, v10  }
0x9f: {  	v16 =	vld [tilespmem:s1+$0x130]  }
0xa0: {  	v11 =	vadd.f32 v11, v12;
	v17 =	vmul.f32 $2.000000030e-01, v9;
	_ =	sdelay $0x1  }
0xa1: {  	v13 =	vadd.f32 v13, v14;
	v59 =	vmul.f32 $2.000000030e-01, v11;
	v9 =	vmax.f32 v9, v17  }
0xa2: {  	v9 =	vmul.f32 v9, v5  }
0xa3: {  	v15 =	vadd.f32 v15, v16;
	v60 =	vmul.f32 $2.000000030e-01, v13;
	v11 =	vmax.f32 v11, v59  }
0xa4: {  	v11 =	vmul.f32 v11, v6;
	v9 =	vadd.f32 $0.0e+00, v9  }
0xa5: {  	v61 =	vmul.f32 $2.000000030e-01, v15;
	v13 =	vmax.f32 v13, v60  }
0xa6: {  	v9 =	vadd.f32 v11, v9;
	v11 =	vmul.f32 v13, v7  }
0xa7: {  	v62 =	vmax.f32 v15, v61  }
0xa8: {  	v9 =	vadd.f32 v11, v9;
	v11 =	vmul.f32 v62, v8;
	_ =	sdelay $0x1  }
0xa9: {  	v9 =	vadd.f32 v11, v9;
	_ =	sdelay $0x1  }
0xaa: {  	v11 =	vperm.xlane v9, v0;
	_ =	sdelay $0x1  }
0xab: {  	v9 =	vadd.f32 v9, v11;
	_ =	sdelay $0x1  }
0xac: {  	v11 =	vperm.xlane v9, v1;
	_ =	sdelay $0x1  }
0xad: {  	v9 =	vadd.f32 v9, v11;
	_ =	sdelay $0x1  }
0xae: {  	v11 =	vperm.xlane v9, v2;
	_ =	sdelay $0x1  }
0xaf: {  	v9 =	vadd.f32 v9, v11;
	_ =	sdelay $0x1  }
0xb0: {  	v11 =	vperm.xlane v9, v4;
	_ =	sdelay $0x1  }
0xb1: {  	v9 =	vadd.f32 v9, v11;
	_ =	sdelay $0x1  }
0xb2: {  	v9 =	vmul.f32 $1.442695020e+00, v9;
	_ =	sdelay $0x1  }
0xb3: {  	(erf) = vpow2.f32 v9;
	_ =	sdelay $0x8  }
0xb4: {  	v9 =	vpop (erf)  }
0xb5: {  	s0 =	sadd.s32 $0x50, s31;
	v11 =	vmul.f32 v9, v16  }
0xb6: {  	v63 =	vmul.f32 v9, v14;
	[tilespmem:s0+$0x20] =	vst v9  }
0xb7: {  	v12 =	vmul.f32 v9, v12;
	[tilespmem:s0+$0x10] =	vst v11  }
0xb8: {  	s30 =	sadd.s32 $0x1, s30;
	v9 =	vmul.f32 v9, v10;
	[tilespmem:s0+$0x0] =	vst v63  }
0xb9: {  	p0 =	sne.s32 s30, $0x4F;
	[tilespmem:s0+$0xFFFFFFF0] =	vst v12  }
.Ltmp2:
0xba: {  	[tilespmem:s0+$0xFFFFFFE0] =	vst v9;
	(pc) =	sbr.rel @p0 .LBB2_4-.Ltmp2, $4  }
0xbb: {  	[spmem:s2] =	stream.indirect.scatter.add.f32 [tilespmem:s21], [sflag:$0x2], $0x50, s24, s24, $0xb8;
	[tilespmem:$0x13140] =	vst v63  }
0xbc: {  	_ =	swait.ge [sflag:s22], $0x2800  }
0xbd: {  	[sflag:s22] =	ssyncset.done $0x0  }
0xbe: {  	[sflag:s22] =	ssyncadd.s32 $0xFFFFD800  }
0xbf: {  	s0 =	sshll.u32 s4, $0x6  }
0xc0: {  	[bflag:$0x0] =	sbarrier.arrive $0xFFFF;
	s1 =	sshrl.u32 s9, $0x3;
	s0 =	sor.u32 $0x1C02, s0  }
0xc1: {  	[hbm:s15], [sflag:s0] =	dma.local [spmem:s1], $0x500  }
0xc2: {  	_ =	swait.ge [sflag:s22], $0x500  }
0xc3: {  	[sflag:s22] =	ssyncset.done $0x0  }
0xc4: {  	s31 =	sshrl.u32 s10, $0x3;
	[sflag:s22] =	ssyncadd.s32 $0xFFFFFB00  }
0xc5: {  	[hbm:s16], [sflag:s0] =	dma.local [spmem:s31], $0x500  }
0xc6: {  	_ =	swait.ge [sflag:s22], $0x500  }
0xc7: {  	[sflag:s22] =	ssyncset.done $0x0  }
0xc8: {  	s29 =	sshrl.u32 s11, $0x3;
	[sflag:s22] =	ssyncadd.s32 $0xFFFFFB00  }
0xc9: {  	[hbm:s17], [sflag:s0] =	dma.local [spmem:s29], $0x500  }
0xca: {  	_ =	swait.ge [sflag:s22], $0x500  }
0xcb: {  	[sflag:s22] =	ssyncset.done $0x0  }
0xcc: {  	s30 =	sshrl.u32 s12, $0x3;
	[sflag:s22] =	ssyncadd.s32 $0xFFFFFB00  }
0xcd: {  	[hbm:s18], [sflag:s0] =	dma.local [spmem:s30], $0x500  }
0xce: {  	s3 =	sadd.s32 $0x1, s3;
	_ =	swait.ge [sflag:s22], $0x500  }
0xcf: {  	p0 =	sne.s32 s3, s20;
	[sflag:s22] =	ssyncset.done $0x0  }
.Ltmp3:
0xd0: {  	s31 =	sshrl.u32 s13, $0x3;
	[sflag:s22] =	ssyncadd.s32 $0xFFFFFB00;
	(pc) =	sbr.rel @p0 .LBB2_1-.Ltmp3, $4  }
0xd1: {  	[hbm:s19], [sflag:s0] =	dma.local [spmem:s31], $0x500  }
0xd2: {  	_ =	swait.ge [sflag:s22], $0x500  }
0xd3: {  	[sflag:s22] =	ssyncset.done $0x0  }
0xd4: {  	[sflag:s22] =	ssyncadd.s32 $0xFFFFFB00  }
0xd5: {  	_ =	sfence.sel $0x180000  }
0xd6: {  	[bflag:$0x0] =	sbarrier.arrive $0xFFFF  }
0xd7: {  	_ =	strace $0x90000047  }
0xd8: {  	[bflag:$0x2] =	sbarrier.arrive $0xFFFF  }
0xd9: {  	p0 =	sne.s32 s4, $0x0;
	s0 =	rddreg [dreg:$0x3]  }
0xda: {  	s0 =	sadd.s32 @!p0 $0x100000, s0  }
0xdb: {  	[sflag:s0] =	ssyncadd.tile.s32 @!p0 $0x1;
	_ =	shalt  }
.Lfunc_end2:
_tile_overlayer_lowered:
.L_overlay_start_2:
0xdc: {  	(tag) =	ssettag $0x2  }
0xdd: {  	s0 =	rddreg [dreg:$0x0];
	s2 =	stileid.u32  }
0xde: {  	s1 =	rddreg [dreg:$0x1];
	p0 =	sne.s32 s2, $0x0  }
0xdf: {  	s3 =	rddreg [dreg:$0x2];
	[bflag:$0x3] =	sbarrier.arrive $0xFFFF;
	s2 =	simm.s32 @!p0 $0x1C02  }
0xe0: {  	[timem:s3], [sflag:s2] =	dma.local @!p0 [hbm:s0], s1  }
0xe1: {  	s0 =	simm.s32 @!p0 $0x2  }
0xe2: {  	_ =	swait.ge @!p0 [sflag:s0], s1  }
0xe3: {  	s1 =	ssub.s32 @!p0 $0x0, s1;
	[sflag:s0] =	ssyncset.done @!p0 $0x0  }
0xe4: {  	[sflag:s0] =	ssyncadd.s32 @!p0 s1  }
0xe5: {  	[bflag:$0x3] =	sbarrier.arrive $0xFFFF  }
0xe6: {  	_ =	shalt  }

</sc_bundles>
